<compile_context>
chip_gen: v7x
topology: tpu7x:2x2x1
jax: 0.10.2.dev20260603
libtpu: 0.0.44.dev20260713+nightly
codegen_flags: <defaults>
</compile_context>

<pallas_src>
import functools
import jax
import jax.numpy as jnp
from jax import lax
from jax.experimental import pallas as pl
from jax.experimental.pallas import tpu as pltpu, tpu_sc as plsc

EMBED = 64
BATCH = 16384
HIST = 50
VOCAB = 1000000
NC = 2
NS = 16
NW = NC * NS

BB = BATCH // 128
UNITS = HIST * BB
UPW = UNITS // NW
NPAIR = UPW // 2


VB = 7813
RT_ROWS = 500032
APW = 246


@jax.jit
def _sc_table_fmt(tableT):
    mesh = plsc.VectorSubcoreMesh(core_axis_name="c", subcore_axis_name="s")

    @functools.partial(
        pl.kernel,
        out_type=jax.ShapeDtypeStruct((RT_ROWS, 128), jnp.float32),
        mesh=mesh,
        scratch_types=[
            pltpu.VMEM((2, EMBED, 128), jnp.float32),
            pltpu.VMEM((2, EMBED, 128), jnp.float32),
            pltpu.SemaphoreType.DMA,
            pltpu.SemaphoreType.DMA,
            pltpu.SemaphoreType.DMA,
            pltpu.SemaphoreType.DMA,
        ],
        compiler_params=pltpu.CompilerParams(
            needs_layout_passes=False, disable_bounds_checks=True),
    )
    def k(tt_hbm, rt_hbm, tin_v, tout_v, sem_i0, sem_i1, sem_o0, sem_o1):
        cid = lax.axis_index("c")
        sid = lax.axis_index("s")
        wid = sid * NC + cid
        iota = lax.broadcasted_iota(jnp.int32, (16,), 0)
        vcols = [vc * 16 + iota for vc in range(8)]
        srows = [(vc * 16 + iota) >> 1 for vc in range(8)]
        pcols = [((vc * 16 + iota) & 1) * 64 for vc in range(8)]
        sem_i = (sem_i0, sem_i1)
        sem_o = (sem_o0, sem_o1)

        def vb_of(u):
            return jnp.minimum(wid * APW + u, VB - 1)

        def fire_in(u, b):
            vb = vb_of(u)
            for eb in range(8):
                pltpu.async_copy(
                    tt_hbm.at[pl.ds(eb * 8, 8), pl.ds(vb * 128, 128)],
                    tin_v.at[b, pl.ds(eb * 8, 8), :],
                    sem_i[b],
                )

        def drain_in(b):
            pltpu.make_async_copy(rt_hbm.at[pl.ds(0, EMBED)], tin_v.at[b],
                                  sem_i[b]).wait()

        def drain_out(b):
            pltpu.make_async_copy(rt_hbm.at[pl.ds(0, EMBED)], tout_v.at[b],
                                  sem_o[b]).wait()

        def transpose_unit(b):
            tin_b = tin_v.at[b]
            tout_b = tout_v.at[b]

            def estep(e0, _):
                emod = (e0 + iota) & 15
                for ec in range(EMBED // 16):
                    erows = ec * 16 + emod
                    for vc in range(8):
                        vals = plsc.load_gather(tin_b, [erows, vcols[vc]])
                        plsc.store_scatter(tout_b,
                                           [srows[vc], pcols[vc] + erows],
                                           vals)
                return 0

            lax.fori_loop(0, 16, estep, 0)

        def fire_out(u, b):
            vb = vb_of(u)
            pltpu.async_copy(tout_v.at[b],
                             rt_hbm.at[pl.ds(vb * 64, EMBED), :], sem_o[b])

        fire_in(0, 0)

        def pair(p, _):
            for b in range(2):
                u = 2 * p + b
                drain_in(b)
                if b == 0:
                    fire_in(u + 1, 1)
                else:
                    @pl.when(p + 1 < APW // 2)
                    def _():
                        fire_in(u + 1, 0)

                @pl.when(p > 0)
                def _():
                    drain_out(b)
                transpose_unit(b)
                fire_out(u, b)
            return 0

        lax.fori_loop(0, APW // 2, pair, 0)
        drain_out(0)
        drain_out(1)

    return k(tableT)


@jax.jit
def _sc_gather_fmt(rt, idsr):
    mesh = plsc.VectorSubcoreMesh(core_axis_name="c", subcore_axis_name="s")

    @functools.partial(
        pl.kernel,
        out_type=jax.ShapeDtypeStruct((HIST, EMBED, BATCH), jnp.float32),
        mesh=mesh,
        scratch_types=[
            pltpu.VMEM((UPW, 128), jnp.int32),
            pltpu.VMEM((2, 128), jnp.int32),
            pltpu.VMEM((2, 128, 128), jnp.float32),
            pltpu.VMEM((2, EMBED, 128), jnp.float32),
            pltpu.SemaphoreType.DMA,
            pltpu.SemaphoreType.DMA,
            pltpu.SemaphoreType.DMA,
            pltpu.SemaphoreType.DMA,
        ],
        compiler_params=pltpu.CompilerParams(needs_layout_passes=False),
    )
    def k(ids_hbm, rt_hbm, out_hbm, idx_v, pidx_v, staged_v, outs_v,
          sem_g0, sem_g1, sem_o0, sem_o1):
        cid = lax.axis_index("c")
        sid = lax.axis_index("s")
        wid = sid * NC + cid
        pltpu.sync_copy(ids_hbm.at[pl.ds(wid * UPW, UPW)], idx_v)
        iota = lax.broadcasted_iota(jnp.int32, (16,), 0)
        rows = [bc * 16 + iota for bc in range(8)]
        sem_g = (sem_g0, sem_g1)
        sem_o = (sem_o0, sem_o1)

        def fire_gather(u, b):
            for bc in range(8):
                v16 = idx_v[u, pl.ds(bc * 16, 16)]
                pidx_v[b, pl.ds(bc * 16, 16)] = v16 >> 1
            pltpu.async_copy(rt_hbm.at[pidx_v.at[b]], staged_v.at[b], sem_g[b])

        def drain_gather(b):
            pltpu.make_async_copy(rt_hbm.at[pl.ds(0, 128)], staged_v.at[b],
                                  sem_g[b]).wait()

        def drain_outs(b):
            pltpu.make_async_copy(rt_hbm.at[pl.ds(0, 32)], outs_v.at[b],
                                  sem_o[b]).wait()

        def transpose_unit(u, b):
            halves = [(idx_v[u, pl.ds(bc * 16, 16)] & 1) * 64
                      for bc in range(8)]
            staged_b = staged_v.at[b]
            outs_b = outs_v.at[b]

            def estep(e0, _):
                emod = (e0 + iota) & 15
                for ec in range(EMBED // 16):
                    erows = ec * 16 + emod
                    for bc in range(8):
                        vals = plsc.load_gather(
                            staged_b, [rows[bc], halves[bc] + erows])
                        plsc.store_scatter(outs_b, [erows, rows[bc]], vals)
                return 0

            lax.fori_loop(0, 16, estep, 0)

        def fire_outs(u, b):
            unit_id = wid * UPW + u
            h = unit_id // BB
            bb = unit_id % BB
            for eb in range(8):
                pltpu.async_copy(
                    outs_v.at[b, pl.ds(eb * 8, 8), :],
                    out_hbm.at[h, pl.ds(eb * 8, 8), pl.ds(bb * 128, 128)],
                    sem_o[b],
                )

        fire_gather(0, 0)

        def pair(p, _):
            for b in range(2):
                u = 2 * p + b
                drain_gather(b)
                if b == 0:
                    fire_gather(u + 1, 1)
                else:
                    @pl.when(p + 1 < NPAIR)
                    def _():
                        fire_gather(u + 1, 0)

                @pl.when(p > 0)
                def _():
                    drain_outs(b)
                transpose_unit(u, b)
                fire_outs(u, b)
            return 0

        lax.fori_loop(0, NPAIR, pair, 0)
        drain_outs(0)
        drain_outs(1)

    return k(idsr, rt)


def kernel(ids, table):
    rt = _sc_table_fmt(table.T)
    idsr = ids.astype(jnp.int32).T.reshape(UNITS, 128)
    ot = _sc_gather_fmt(rt, idsr)
    return ot.transpose(2, 0, 1)

# --- scband reference (transcript-rebuilt; emitter-appended) ---
"""Pipeline reference for scband-dynamic-embedding-48163763257594 (READ-ONLY COPY).

The authoritative reference and input builder live on the scoring server;
editing this copy changes nothing except your own understanding.
"""

import jax, jax.numpy as jnp
import numpy as np

VOCAB = 1000000
EMBED = 64
BATCH = 16384
HIST = 50

def setup_inputs(seed: int = 0) -> dict:
    key = jax.random.key(seed)
    k_ids, k_tab = jax.random.split(key)
    ids = jax.random.randint(k_ids, (BATCH, HIST), 0, VOCAB, dtype=jnp.int64)
    # Embedding parameter table (RandomNormal initializer, stddev=0.05 like keras default)
    table = jax.random.normal(k_tab, (VOCAB, EMBED), dtype=jnp.float32) * 0.05
    return {"ids": ids, "table": table}

def reference(ids, table):
    # DynamicEmbedding.call with with_unique=True:
    # flatten ids, unique, lookup unique embeddings, gather back, reshape.
    input_shape = ids.shape
    ids_flat = ids.reshape((-1,))
    unique_ids, idx = jnp.unique(
        ids_flat, return_inverse=True, size=ids_flat.shape[0], fill_value=0)
    unique_embeddings = jnp.take(table, unique_ids, axis=0)
    embeddings_flat = jnp.take(unique_embeddings, idx, axis=0)
    embeddings = embeddings_flat.reshape(input_shape + (EMBED,))
    return embeddings

if __name__ == "__main__":
    import jax
    _d = setup_inputs()
    print(jax.jit(kernel)(*tuple(_d.values())))

</pallas_src>

<mosaic_0001>
#map = affine_map<(d0, d1) -> (0, 0)>
module attributes {stable_mosaic.version = 14 : i64} {
  func.func @k(%arg0: i32, %arg1: i32, %arg2: memref<64x1000000xf32, #tpu.memory_space<hbm>>, %arg3: memref<500032x128xf32, #tpu.memory_space<hbm>>, %arg4: memref<2x64x128xf32, #tpu.memory_space<vmem>>, %arg5: memref<2x64x128xf32, #tpu.memory_space<vmem>>, %arg6: memref<!tpu.dma_semaphore, #tpu.memory_space<semaphore_mem>>, %arg7: memref<!tpu.dma_semaphore, #tpu.memory_space<semaphore_mem>>, %arg8: memref<!tpu.dma_semaphore, #tpu.memory_space<semaphore_mem>>, %arg9: memref<!tpu.dma_semaphore, #tpu.memory_space<semaphore_mem>>) attributes {dimension_semantics = [#tpu.dimension_semantics<core_parallel>, #tpu.dimension_semantics<subcore_parallel>], iteration_bounds = array<i64: 2, 16>, scalar_prefetch = 0 : i64, scratch_operands = 6 : i64, tpu.core_type = #tpu.core_type<sc_vector_subcore>, window_params = [{transform_indices = #map}, {transform_indices = #map}]} {
    %mul3A = arith.constant 2 : i32
    %mul3A_0 = arith.muli %arg1, %mul3A : i32
    %add3A = arith.addi %mul3A_0, %arg0 : i32
    %iota3A = tpu.iota {dimensions = array<i32: 0>} : vector<16xi32>
    %add3A_1 = arith.constant 0 : i32
    %add3A_2 = vector.broadcast %add3A_1 : i32 to vector<16xi32>
    %add3A_3 = arith.addi %add3A_2, %iota3A : vector<16xi32>
    %add3A_4 = arith.constant 16 : i32
    %add3A_5 = vector.broadcast %add3A_4 : i32 to vector<16xi32>
    %add3A_6 = arith.addi %add3A_5, %iota3A : vector<16xi32>
    %add3A_7 = arith.constant 32 : i32
    %add3A_8 = vector.broadcast %add3A_7 : i32 to vector<16xi32>
    %add3A_9 = arith.addi %add3A_8, %iota3A : vector<16xi32>
    %add3A_10 = arith.constant 48 : i32
    %add3A_11 = vector.broadcast %add3A_10 : i32 to vector<16xi32>
    %add3A_12 = arith.addi %add3A_11, %iota3A : vector<16xi32>
    %add3A_13 = arith.constant 64 : i32
    %add3A_14 = vector.broadcast %add3A_13 : i32 to vector<16xi32>
    %add3A_15 = arith.addi %add3A_14, %iota3A : vector<16xi32>
    %add3A_16 = arith.constant 80 : i32
    %add3A_17 = vector.broadcast %add3A_16 : i32 to vector<16xi32>
    %add3A_18 = arith.addi %add3A_17, %iota3A : vector<16xi32>
    %add3A_19 = arith.constant 96 : i32
    %add3A_20 = vector.broadcast %add3A_19 : i32 to vector<16xi32>
    %add3A_21 = arith.addi %add3A_20, %iota3A : vector<16xi32>
    %add3A_22 = arith.constant 112 : i32
    %add3A_23 = vector.broadcast %add3A_22 : i32 to vector<16xi32>
    %add3A_24 = arith.addi %add3A_23, %iota3A : vector<16xi32>
    %add3A_25 = arith.constant 0 : i32
    %add3A_26 = vector.broadcast %add3A_25 : i32 to vector<16xi32>
    %add3A_27 = arith.addi %add3A_26, %iota3A : vector<16xi32>
    %shift_right_arithmetic3A = arith.constant 1 : i32
    %shift_right_arithmetic3A_28 = vector.broadcast %shift_right_arithmetic3A : i32 to vector<16xi32>
    %shift_right_arithmetic3A_29 = arith.shrsi %add3A_27, %shift_right_arithmetic3A_28 : vector<16xi32>
    %add3A_30 = arith.constant 16 : i32
    %add3A_31 = vector.broadcast %add3A_30 : i32 to vector<16xi32>
    %add3A_32 = arith.addi %add3A_31, %iota3A : vector<16xi32>
    %shift_right_arithmetic3A_33 = arith.constant 1 : i32
    %shift_right_arithmetic3A_34 = vector.broadcast %shift_right_arithmetic3A_33 : i32 to vector<16xi32>
    %shift_right_arithmetic3A_35 = arith.shrsi %add3A_32, %shift_right_arithmetic3A_34 : vector<16xi32>
    %add3A_36 = arith.constant 32 : i32
    %add3A_37 = vector.broadcast %add3A_36 : i32 to vector<16xi32>
    %add3A_38 = arith.addi %add3A_37, %iota3A : vector<16xi32>
    %shift_right_arithmetic3A_39 = arith.constant 1 : i32
    %shift_right_arithmetic3A_40 = vector.broadcast %shift_right_arithmetic3A_39 : i32 to vector<16xi32>
    %shift_right_arithmetic3A_41 = arith.shrsi %add3A_38, %shift_right_arithmetic3A_40 : vector<16xi32>
    %add3A_42 = arith.constant 48 : i32
    %add3A_43 = vector.broadcast %add3A_42 : i32 to vector<16xi32>
    %add3A_44 = arith.addi %add3A_43, %iota3A : vector<16xi32>
    %shift_right_arithmetic3A_45 = arith.constant 1 : i32
    %shift_right_arithmetic3A_46 = vector.broadcast %shift_right_arithmetic3A_45 : i32 to vector<16xi32>
    %shift_right_arithmetic3A_47 = arith.shrsi %add3A_44, %shift_right_arithmetic3A_46 : vector<16xi32>
    %add3A_48 = arith.constant 64 : i32
    %add3A_49 = vector.broadcast %add3A_48 : i32 to vector<16xi32>
    %add3A_50 = arith.addi %add3A_49, %iota3A : vector<16xi32>
    %shift_right_arithmetic3A_51 = arith.constant 1 : i32
    %shift_right_arithmetic3A_52 = vector.broadcast %shift_right_arithmetic3A_51 : i32 to vector<16xi32>
    %shift_right_arithmetic3A_53 = arith.shrsi %add3A_50, %shift_right_arithmetic3A_52 : vector<16xi32>
    %add3A_54 = arith.constant 80 : i32
    %add3A_55 = vector.broadcast %add3A_54 : i32 to vector<16xi32>
    %add3A_56 = arith.addi %add3A_55, %iota3A : vector<16xi32>
    %shift_right_arithmetic3A_57 = arith.constant 1 : i32
    %shift_right_arithmetic3A_58 = vector.broadcast %shift_right_arithmetic3A_57 : i32 to vector<16xi32>
    %shift_right_arithmetic3A_59 = arith.shrsi %add3A_56, %shift_right_arithmetic3A_58 : vector<16xi32>
    %add3A_60 = arith.constant 96 : i32
    %add3A_61 = vector.broadcast %add3A_60 : i32 to vector<16xi32>
    %add3A_62 = arith.addi %add3A_61, %iota3A : vector<16xi32>
    %shift_right_arithmetic3A_63 = arith.constant 1 : i32
    %shift_right_arithmetic3A_64 = vector.broadcast %shift_right_arithmetic3A_63 : i32 to vector<16xi32>
    %shift_right_arithmetic3A_65 = arith.shrsi %add3A_62, %shift_right_arithmetic3A_64 : vector<16xi32>
    %add3A_66 = arith.constant 112 : i32
    %add3A_67 = vector.broadcast %add3A_66 : i32 to vector<16xi32>
    %add3A_68 = arith.addi %add3A_67, %iota3A : vector<16xi32>
    %shift_right_arithmetic3A_69 = arith.constant 1 : i32
    %shift_right_arithmetic3A_70 = vector.broadcast %shift_right_arithmetic3A_69 : i32 to vector<16xi32>
    %shift_right_arithmetic3A_71 = arith.shrsi %add3A_68, %shift_right_arithmetic3A_70 : vector<16xi32>
    %add3A_72 = arith.constant 0 : i32
    %add3A_73 = vector.broadcast %add3A_72 : i32 to vector<16xi32>
    %add3A_74 = arith.addi %add3A_73, %iota3A : vector<16xi32>
    %and3A = arith.constant 1 : i32
    %and3A_75 = vector.broadcast %and3A : i32 to vector<16xi32>
    %and3A_76 = arith.andi %add3A_74, %and3A_75 : vector<16xi32>
    %mul3A_77 = arith.constant 64 : i32
    %mul3A_78 = vector.broadcast %mul3A_77 : i32 to vector<16xi32>
    %mul3A_79 = arith.muli %and3A_76, %mul3A_78 : vector<16xi32>
    %add3A_80 = arith.constant 16 : i32
    %add3A_81 = vector.broadcast %add3A_80 : i32 to vector<16xi32>
    %add3A_82 = arith.addi %add3A_81, %iota3A : vector<16xi32>
    %and3A_83 = arith.constant 1 : i32
    %and3A_84 = vector.broadcast %and3A_83 : i32 to vector<16xi32>
    %and3A_85 = arith.andi %add3A_82, %and3A_84 : vector<16xi32>
    %mul3A_86 = arith.constant 64 : i32
    %mul3A_87 = vector.broadcast %mul3A_86 : i32 to vector<16xi32>
    %mul3A_88 = arith.muli %and3A_85, %mul3A_87 : vector<16xi32>
    %add3A_89 = arith.constant 32 : i32
    %add3A_90 = vector.broadcast %add3A_89 : i32 to vector<16xi32>
    %add3A_91 = arith.addi %add3A_90, %iota3A : vector<16xi32>
    %and3A_92 = arith.constant 1 : i32
    %and3A_93 = vector.broadcast %and3A_92 : i32 to vector<16xi32>
    %and3A_94 = arith.andi %add3A_91, %and3A_93 : vector<16xi32>
    %mul3A_95 = arith.constant 64 : i32
    %mul3A_96 = vector.broadcast %mul3A_95 : i32 to vector<16xi32>
    %mul3A_97 = arith.muli %and3A_94, %mul3A_96 : vector<16xi32>
    %add3A_98 = arith.constant 48 : i32
    %add3A_99 = vector.broadcast %add3A_98 : i32 to vector<16xi32>
    %add3A_100 = arith.addi %add3A_99, %iota3A : vector<16xi32>
    %and3A_101 = arith.constant 1 : i32
    %and3A_102 = vector.broadcast %and3A_101 : i32 to vector<16xi32>
    %and3A_103 = arith.andi %add3A_100, %and3A_102 : vector<16xi32>
    %mul3A_104 = arith.constant 64 : i32
    %mul3A_105 = vector.broadcast %mul3A_104 : i32 to vector<16xi32>
    %mul3A_106 = arith.muli %and3A_103, %mul3A_105 : vector<16xi32>
    %add3A_107 = arith.constant 64 : i32
    %add3A_108 = vector.broadcast %add3A_107 : i32 to vector<16xi32>
    %add3A_109 = arith.addi %add3A_108, %iota3A : vector<16xi32>
    %and3A_110 = arith.constant 1 : i32
    %and3A_111 = vector.broadcast %and3A_110 : i32 to vector<16xi32>
    %and3A_112 = arith.andi %add3A_109, %and3A_111 : vector<16xi32>
    %mul3A_113 = arith.constant 64 : i32
    %mul3A_114 = vector.broadcast %mul3A_113 : i32 to vector<16xi32>
    %mul3A_115 = arith.muli %and3A_112, %mul3A_114 : vector<16xi32>
    %add3A_116 = arith.constant 80 : i32
    %add3A_117 = vector.broadcast %add3A_116 : i32 to vector<16xi32>
    %add3A_118 = arith.addi %add3A_117, %iota3A : vector<16xi32>
    %and3A_119 = arith.constant 1 : i32
    %and3A_120 = vector.broadcast %and3A_119 : i32 to vector<16xi32>
    %and3A_121 = arith.andi %add3A_118, %and3A_120 : vector<16xi32>
    %mul3A_122 = arith.constant 64 : i32
    %mul3A_123 = vector.broadcast %mul3A_122 : i32 to vector<16xi32>
    %mul3A_124 = arith.muli %and3A_121, %mul3A_123 : vector<16xi32>
    %add3A_125 = arith.constant 96 : i32
    %add3A_126 = vector.broadcast %add3A_125 : i32 to vector<16xi32>
    %add3A_127 = arith.addi %add3A_126, %iota3A : vector<16xi32>
    %and3A_128 = arith.constant 1 : i32
    %and3A_129 = vector.broadcast %and3A_128 : i32 to vector<16xi32>
    %and3A_130 = arith.andi %add3A_127, %and3A_129 : vector<16xi32>
    %mul3A_131 = arith.constant 64 : i32
    %mul3A_132 = vector.broadcast %mul3A_131 : i32 to vector<16xi32>
    %mul3A_133 = arith.muli %and3A_130, %mul3A_132 : vector<16xi32>
    %add3A_134 = arith.constant 112 : i32
    %add3A_135 = vector.broadcast %add3A_134 : i32 to vector<16xi32>
    %add3A_136 = arith.addi %add3A_135, %iota3A : vector<16xi32>
    %and3A_137 = arith.constant 1 : i32
    %and3A_138 = vector.broadcast %and3A_137 : i32 to vector<16xi32>
    %and3A_139 = arith.andi %add3A_136, %and3A_138 : vector<16xi32>
    %mul3A_140 = arith.constant 64 : i32
    %mul3A_141 = vector.broadcast %mul3A_140 : i32 to vector<16xi32>
    %mul3A_142 = arith.muli %and3A_139, %mul3A_141 : vector<16xi32>
    %mul3A_143 = arith.constant 246 : i32
    %mul3A_144 = arith.muli %add3A, %mul3A_143 : i32
    %add3A_145 = arith.constant 0 : i32
    %add3A_146 = arith.addi %mul3A_144, %add3A_145 : i32
    %min3A = arith.constant 7812 : i32
    %min3A_147 = arith.minsi %add3A_146, %min3A : i32
    %mul3A_148 = arith.constant 128 : i32
    %mul3A_149 = arith.muli %min3A_147, %mul3A_148 : i32
    %dma_start3A = arith.constant 0 : i32
    %dma_start3A_150 = arith.constant 0 : i32
    %dma_start3A_151 = arith.constant 0 : i32
    %dma_start3A_152 = tpu.memref_slice %arg4[%dma_start3A, %dma_start3A_150, %dma_start3A_151] : memref<2x64x128xf32, #tpu.memory_space<vmem>> -> memref<1x8x128xf32, #tpu.memory_space<vmem>>
    %dma_start3A_153 = tpu.memref_squeeze %dma_start3A_152 : memref<1x8x128xf32, #tpu.memory_space<vmem>> -> memref<8x128xf32, #tpu.memory_space<vmem>>
    %dma_start3A_154 = arith.constant 0 : i32
    %dma_start3A_155 = tpu.memref_slice %arg2[%dma_start3A_154, %mul3A_149] : memref<64x1000000xf32, #tpu.memory_space<hbm>> -> memref<8x128xf32, #tpu.memory_space<hbm>>
    %dma_start3A_156 = arith.constant 0 : i32
    %dma_start3A_157 = arith.constant 0 : i32
    %dma_start3A_158 = tpu.memref_slice %arg4[%dma_start3A, %dma_start3A_156, %dma_start3A_157] : memref<2x64x128xf32, #tpu.memory_space<vmem>> -> memref<1x8x128xf32, #tpu.memory_space<vmem>>
    %dma_start3A_159 = tpu.memref_squeeze %dma_start3A_158 : memref<1x8x128xf32, #tpu.memory_space<vmem>> -> memref<8x128xf32, #tpu.memory_space<vmem>>
    %dma_start3A_160 = arith.constant 0 : i32
    %dma_start3A_161 = tpu.memref_slice %arg2[%dma_start3A_160, %mul3A_149] : memref<64x1000000xf32, #tpu.memory_space<hbm>> -> memref<8x128xf32, #tpu.memory_space<hbm>>
    tpu.enqueue_dma source(%dma_start3A_161 : memref<8x128xf32, #tpu.memory_space<hbm>>) target(%dma_start3A_159 : memref<8x128xf32, #tpu.memory_space<vmem>>) target_semaphore(%arg6 : memref<!tpu.dma_semaphore, #tpu.memory_space<semaphore_mem>>)
    %mul3A_162 = arith.constant 128 : i32
    %mul3A_163 = arith.muli %min3A_147, %mul3A_162 : i32
    %dma_start3A_164 = arith.constant 0 : i32
    %dma_start3A_165 = arith.constant 8 : i32
    %dma_start3A_166 = arith.constant 0 : i32
    %dma_start3A_167 = tpu.memref_slice %arg4[%dma_start3A_164, %dma_start3A_165, %dma_start3A_166] : memref<2x64x128xf32, #tpu.memory_space<vmem>> -> memref<1x8x128xf32, #tpu.memory_space<vmem>>
    %dma_start3A_168 = tpu.memref_squeeze %dma_start3A_167 : memref<1x8x128xf32, #tpu.memory_space<vmem>> -> memref<8x128xf32, #tpu.memory_space<vmem>>
    %dma_start3A_169 = arith.constant 8 : i32
    %dma_start3A_170 = tpu.memref_slice %arg2[%dma_start3A_169, %mul3A_163] : memref<64x1000000xf32, #tpu.memory_space<hbm>> -> memref<8x128xf32, #tpu.memory_space<hbm>>
    %dma_start3A_171 = arith.constant 8 : i32
    %dma_start3A_172 = arith.constant 0 : i32
    %dma_start3A_173 = tpu.memref_slice %arg4[%dma_start3A_164, %dma_start3A_171, %dma_start3A_172] : memref<2x64x128xf32, #tpu.memory_space<vmem>> -> memref<1x8x128xf32, #tpu.memory_space<vmem>>
    %dma_start3A_174 = tpu.memref_squeeze %dma_start3A_173 : memref<1x8x128xf32, #tpu.memory_space<vmem>> -> memref<8x128xf32, #tpu.memory_space<vmem>>
    %dma_start3A_175 = arith.constant 8 : i32
    %dma_start3A_176 = tpu.memref_slice %arg2[%dma_start3A_175, %mul3A_163] : memref<64x1000000xf32, #tpu.memory_space<hbm>> -> memref<8x128xf32, #tpu.memory_space<hbm>>
    tpu.enqueue_dma source(%dma_start3A_176 : memref<8x128xf32, #tpu.memory_space<hbm>>) target(%dma_start3A_174 : memref<8x128xf32, #tpu.memory_space<vmem>>) target_semaphore(%arg6 : memref<!tpu.dma_semaphore, #tpu.memory_space<semaphore_mem>>)
    %mul3A_177 = arith.constant 128 : i32
    %mul3A_178 = arith.muli %min3A_147, %mul3A_177 : i32
    %dma_start3A_179 = arith.constant 0 : i32
    %dma_start3A_180 = arith.constant 16 : i32
    %dma_start3A_181 = arith.constant 0 : i32
    %dma_start3A_182 = tpu.memref_slice %arg4[%dma_start3A_179, %dma_start3A_180, %dma_start3A_181] : memref<2x64x128xf32, #tpu.memory_space<vmem>> -> memref<1x8x128xf32, #tpu.memory_space<vmem>>
    %dma_start3A_183 = tpu.memref_squeeze %dma_start3A_182 : memref<1x8x128xf32, #tpu.memory_space<vmem>> -> memref<8x128xf32, #tpu.memory_space<vmem>>
    %dma_start3A_184 = arith.constant 16 : i32
    %dma_start3A_185 = tpu.memref_slice %arg2[%dma_start3A_184, %mul3A_178] : memref<64x1000000xf32, #tpu.memory_space<hbm>> -> memref<8x128xf32, #tpu.memory_space<hbm>>
    %dma_start3A_186 = arith.constant 16 : i32
    %dma_start3A_187 = arith.constant 0 : i32
    %dma_start3A_188 = tpu.memref_slice %arg4[%dma_start3A_179, %dma_start3A_186, %dma_start3A_187] : memref<2x64x128xf32, #tpu.memory_space<vmem>> -> memref<1x8x128xf32, #tpu.memory_space<vmem>>
    %dma_start3A_189 = tpu.memref_squeeze %dma_start3A_188 : memref<1x8x128xf32, #tpu.memory_space<vmem>> -> memref<8x128xf32, #tpu.memory_space<vmem>>
    %dma_start3A_190 = arith.constant 16 : i32
    %dma_start3A_191 = tpu.memref_slice %arg2[%dma_start3A_190, %mul3A_178] : memref<64x1000000xf32, #tpu.memory_space<hbm>> -> memref<8x128xf32, #tpu.memory_space<hbm>>
    tpu.enqueue_dma source(%dma_start3A_191 : memref<8x128xf32, #tpu.memory_space<hbm>>) target(%dma_start3A_189 : memref<8x128xf32, #tpu.memory_space<vmem>>) target_semaphore(%arg6 : memref<!tpu.dma_semaphore, #tpu.memory_space<semaphore_mem>>)
    %mul3A_192 = arith.constant 128 : i32
    %mul3A_193 = arith.muli %min3A_147, %mul3A_192 : i32
    %dma_start3A_194 = arith.constant 0 : i32
    %dma_start3A_195 = arith.constant 24 : i32
    %dma_start3A_196 = arith.constant 0 : i32
    %dma_start3A_197 = tpu.memref_slice %arg4[%dma_start3A_194, %dma_start3A_195, %dma_start3A_196] : memref<2x64x128xf32, #tpu.memory_space<vmem>> -> memref<1x8x128xf32, #tpu.memory_space<vmem>>
    %dma_start3A_198 = tpu.memref_squeeze %dma_start3A_197 : memref<1x8x128xf32, #tpu.memory_space<vmem>> -> memref<8x128xf32, #tpu.memory_space<vmem>>
    %dma_start3A_199 = arith.constant 24 : i32
    %dma_start3A_200 = tpu.memref_slice %arg2[%dma_start3A_199, %mul3A_193] : memref<64x1000000xf32, #tpu.memory_space<hbm>> -> memref<8x128xf32, #tpu.memory_space<hbm>>
    %dma_start3A_201 = arith.constant 24 : i32
    %dma_start3A_202 = arith.constant 0 : i32
    %dma_start3A_203 = tpu.memref_slice %arg4[%dma_start3A_194, %dma_start3A_201, %dma_start3A_202] : memref<2x64x128xf32, #tpu.memory_space<vmem>> -> memref<1x8x128xf32, #tpu.memory_space<vmem>>
    %dma_start3A_204 = tpu.memref_squeeze %dma_start3A_203 : memref<1x8x128xf32, #tpu.memory_space<vmem>> -> memref<8x128xf32, #tpu.memory_space<vmem>>
    %dma_start3A_205 = arith.constant 24 : i32
    %dma_start3A_206 = tpu.memref_slice %arg2[%dma_start3A_205, %mul3A_193] : memref<64x1000000xf32, #tpu.memory_space<hbm>> -> memref<8x128xf32, #tpu.memory_space<hbm>>
    tpu.enqueue_dma source(%dma_start3A_206 : memref<8x128xf32, #tpu.memory_space<hbm>>) target(%dma_start3A_204 : memref<8x128xf32, #tpu.memory_space<vmem>>) target_semaphore(%arg6 : memref<!tpu.dma_semaphore, #tpu.memory_space<semaphore_mem>>)
    %mul3A_207 = arith.constant 128 : i32
    %mul3A_208 = arith.muli %min3A_147, %mul3A_207 : i32
    %dma_start3A_209 = arith.constant 0 : i32
    %dma_start3A_210 = arith.constant 32 : i32
    %dma_start3A_211 = arith.constant 0 : i32
    %dma_start3A_212 = tpu.memref_slice %arg4[%dma_start3A_209, %dma_start3A_210, %dma_start3A_211] : memref<2x64x128xf32, #tpu.memory_space<vmem>> -> memref<1x8x128xf32, #tpu.memory_space<vmem>>
    %dma_start3A_213 = tpu.memref_squeeze %dma_start3A_212 : memref<1x8x128xf32, #tpu.memory_space<vmem>> -> memref<8x128xf32, #tpu.memory_space<vmem>>
    %dma_start3A_214 = arith.constant 32 : i32
    %dma_start3A_215 = tpu.memref_slice %arg2[%dma_start3A_214, %mul3A_208] : memref<64x1000000xf32, #tpu.memory_space<hbm>> -> memref<8x128xf32, #tpu.memory_space<hbm>>
    %dma_start3A_216 = arith.constant 32 : i32
    %dma_start3A_217 = arith.constant 0 : i32
    %dma_start3A_218 = tpu.memref_slice %arg4[%dma_start3A_209, %dma_start3A_216, %dma_start3A_217] : memref<2x64x128xf32, #tpu.memory_space<vmem>> -> memref<1x8x128xf32, #tpu.memory_space<vmem>>
    %dma_start3A_219 = tpu.memref_squeeze %dma_start3A_218 : memref<1x8x128xf32, #tpu.memory_space<vmem>> -> memref<8x128xf32, #tpu.memory_space<vmem>>
    %dma_start3A_220 = arith.constant 32 : i32
    %dma_start3A_221 = tpu.memref_slice %arg2[%dma_start3A_220, %mul3A_208] : memref<64x1000000xf32, #tpu.memory_space<hbm>> -> memref<8x128xf32, #tpu.memory_space<hbm>>
    tpu.enqueue_dma source(%dma_start3A_221 : memref<8x128xf32, #tpu.memory_space<hbm>>) target(%dma_start3A_219 : memref<8x128xf32, #tpu.memory_space<vmem>>) target_semaphore(%arg6 : memref<!tpu.dma_semaphore, #tpu.memory_space<semaphore_mem>>)
    %mul3A_222 = arith.constant 128 : i32
    %mul3A_223 = arith.muli %min3A_147, %mul3A_222 : i32
    %dma_start3A_224 = arith.constant 0 : i32
    %dma_start3A_225 = arith.constant 40 : i32
    %dma_start3A_226 = arith.constant 0 : i32
    %dma_start3A_227 = tpu.memref_slice %arg4[%dma_start3A_224, %dma_start3A_225, %dma_start3A_226] : memref<2x64x128xf32, #tpu.memory_space<vmem>> -> memref<1x8x128xf32, #tpu.memory_space<vmem>>
    %dma_start3A_228 = tpu.memref_squeeze %dma_start3A_227 : memref<1x8x128xf32, #tpu.memory_space<vmem>> -> memref<8x128xf32, #tpu.memory_space<vmem>>
    %dma_start3A_229 = arith.constant 40 : i32
    %dma_start3A_230 = tpu.memref_slice %arg2[%dma_start3A_229, %mul3A_223] : memref<64x1000000xf32, #tpu.memory_space<hbm>> -> memref<8x128xf32, #tpu.memory_space<hbm>>
    %dma_start3A_231 = arith.constant 40 : i32
    %dma_start3A_232 = arith.constant 0 : i32
    %dma_start3A_233 = tpu.memref_slice %arg4[%dma_start3A_224, %dma_start3A_231, %dma_start3A_232] : memref<2x64x128xf32, #tpu.memory_space<vmem>> -> memref<1x8x128xf32, #tpu.memory_space<vmem>>
    %dma_start3A_234 = tpu.memref_squeeze %dma_start3A_233 : memref<1x8x128xf32, #tpu.memory_space<vmem>> -> memref<8x128xf32, #tpu.memory_space<vmem>>
    %dma_start3A_235 = arith.constant 40 : i32
    %dma_start3A_236 = tpu.memref_slice %arg2[%dma_start3A_235, %mul3A_223] : memref<64x1000000xf32, #tpu.memory_space<hbm>> -> memref<8x128xf32, #tpu.memory_space<hbm>>
    tpu.enqueue_dma source(%dma_start3A_236 : memref<8x128xf32, #tpu.memory_space<hbm>>) target(%dma_start3A_234 : memref<8x128xf32, #tpu.memory_space<vmem>>) target_semaphore(%arg6 : memref<!tpu.dma_semaphore, #tpu.memory_space<semaphore_mem>>)
    %mul3A_237 = arith.constant 128 : i32
    %mul3A_238 = arith.muli %min3A_147, %mul3A_237 : i32
    %dma_start3A_239 = arith.constant 0 : i32
    %dma_start3A_240 = arith.constant 48 : i32
    %dma_start3A_241 = arith.constant 0 : i32
    %dma_start3A_242 = tpu.memref_slice %arg4[%dma_start3A_239, %dma_start3A_240, %dma_start3A_241] : memref<2x64x128xf32, #tpu.memory_space<vmem>> -> memref<1x8x128xf32, #tpu.memory_space<vmem>>
    %dma_start3A_243 = tpu.memref_squeeze %dma_start3A_242 : memref<1x8x128xf32, #tpu.memory_space<vmem>> -> memref<8x128xf32, #tpu.memory_space<vmem>>
    %dma_start3A_244 = arith.constant 48 : i32
    %dma_start3A_245 = tpu.memref_slice %arg2[%dma_start3A_244, %mul3A_238] : memref<64x1000000xf32, #tpu.memory_space<hbm>> -> memref<8x128xf32, #tpu.memory_space<hbm>>
    %dma_start3A_246 = arith.constant 48 : i32
    %dma_start3A_247 = arith.constant 0 : i32
    %dma_start3A_248 = tpu.memref_slice %arg4[%dma_start3A_239, %dma_start3A_246, %dma_start3A_247] : memref<2x64x128xf32, #tpu.memory_space<vmem>> -> memref<1x8x128xf32, #tpu.memory_space<vmem>>
    %dma_start3A_249 = tpu.memref_squeeze %dma_start3A_248 : memref<1x8x128xf32, #tpu.memory_space<vmem>> -> memref<8x128xf32, #tpu.memory_space<vmem>>
    %dma_start3A_250 = arith.constant 48 : i32
    %dma_start3A_251 = tpu.memref_slice %arg2[%dma_start3A_250, %mul3A_238] : memref<64x1000000xf32, #tpu.memory_space<hbm>> -> memref<8x128xf32, #tpu.memory_space<hbm>>
    tpu.enqueue_dma source(%dma_start3A_251 : memref<8x128xf32, #tpu.memory_space<hbm>>) target(%dma_start3A_249 : memref<8x128xf32, #tpu.memory_space<vmem>>) target_semaphore(%arg6 : memref<!tpu.dma_semaphore, #tpu.memory_space<semaphore_mem>>)
    %mul3A_252 = arith.constant 128 : i32
    %mul3A_253 = arith.muli %min3A_147, %mul3A_252 : i32
    %dma_start3A_254 = arith.constant 0 : i32
    %dma_start3A_255 = arith.constant 56 : i32
    %dma_start3A_256 = arith.constant 0 : i32
    %dma_start3A_257 = tpu.memref_slice %arg4[%dma_start3A_254, %dma_start3A_255, %dma_start3A_256] : memref<2x64x128xf32, #tpu.memory_space<vmem>> -> memref<1x8x128xf32, #tpu.memory_space<vmem>>
    %dma_start3A_258 = tpu.memref_squeeze %dma_start3A_257 : memref<1x8x128xf32, #tpu.memory_space<vmem>> -> memref<8x128xf32, #tpu.memory_space<vmem>>
    %dma_start3A_259 = arith.constant 56 : i32
    %dma_start3A_260 = tpu.memref_slice %arg2[%dma_start3A_259, %mul3A_253] : memref<64x1000000xf32, #tpu.memory_space<hbm>> -> memref<8x128xf32, #tpu.memory_space<hbm>>
    %dma_start3A_261 = arith.constant 56 : i32
    %dma_start3A_262 = arith.constant 0 : i32
    %dma_start3A_263 = tpu.memref_slice %arg4[%dma_start3A_254, %dma_start3A_261, %dma_start3A_262] : memref<2x64x128xf32, #tpu.memory_space<vmem>> -> memref<1x8x128xf32, #tpu.memory_space<vmem>>
    %dma_start3A_264 = tpu.memref_squeeze %dma_start3A_263 : memref<1x8x128xf32, #tpu.memory_space<vmem>> -> memref<8x128xf32, #tpu.memory_space<vmem>>
    %dma_start3A_265 = arith.constant 56 : i32
    %dma_start3A_266 = tpu.memref_slice %arg2[%dma_start3A_265, %mul3A_253] : memref<64x1000000xf32, #tpu.memory_space<hbm>> -> memref<8x128xf32, #tpu.memory_space<hbm>>
    tpu.enqueue_dma source(%dma_start3A_266 : memref<8x128xf32, #tpu.memory_space<hbm>>) target(%dma_start3A_264 : memref<8x128xf32, #tpu.memory_space<vmem>>) target_semaphore(%arg6 : memref<!tpu.dma_semaphore, #tpu.memory_space<semaphore_mem>>)
    %scan3A = arith.constant 0 : i32
    %scan3A_267 = arith.constant 0 : i32
    %scan3A_268 = arith.constant 123 : i32
    %scan3A_269 = arith.addi %scan3A_267, %scan3A_268 : i32
    %scan3A_270 = arith.constant 1 : i32
    %scan3A_271 = scf.for %scan3A_302 = %scan3A_267 to %scan3A_269 step %scan3A_270 iter_args(%scan3A_303 = %scan3A) -> (i32)  : i32 {
      %mul3A_304 = arith.constant 2 : i32
      %mul3A_305 = arith.muli %mul3A_304, %scan3A_302 : i32
      %add3A_306 = arith.constant 0 : i32
      %add3A_307 = arith.addi %mul3A_305, %add3A_306 : i32
      %dma_wait3A_308 = arith.constant 0 : i32
      %dma_wait3A_309 = arith.constant 0 : i32
      %dma_wait3A_310 = arith.constant 0 : i32
      %dma_wait3A_311 = tpu.memref_slice %arg4[%dma_wait3A_308, %dma_wait3A_309, %dma_wait3A_310] : memref<2x64x128xf32, #tpu.memory_space<vmem>> -> memref<1x64x128xf32, #tpu.memory_space<vmem>>
      %dma_wait3A_312 = tpu.memref_squeeze %dma_wait3A_311 : memref<1x64x128xf32, #tpu.memory_space<vmem>> -> memref<64x128xf32, #tpu.memory_space<vmem>>
      %dma_wait3A_313 = arith.constant 0 : i32
      %dma_wait3A_314 = arith.constant 0 : i32
      %dma_wait3A_315 = tpu.memref_slice %arg3[%dma_wait3A_313, %dma_wait3A_314] : memref<500032x128xf32, #tpu.memory_space<hbm>> -> memref<64x128xf32, #tpu.memory_space<hbm>>
      %dma_wait3A_316 = arith.constant 0 : i32
      %dma_wait3A_317 = arith.constant 0 : i32
      %dma_wait3A_318 = tpu.memref_slice %arg4[%dma_wait3A_308, %dma_wait3A_316, %dma_wait3A_317] : memref<2x64x128xf32, #tpu.memory_space<vmem>> -> memref<1x64x128xf32, #tpu.memory_space<vmem>>
      %dma_wait3A_319 = tpu.memref_squeeze %dma_wait3A_318 : memref<1x64x128xf32, #tpu.memory_space<vmem>> -> memref<64x128xf32, #tpu.memory_space<vmem>>
      %dma_wait3A_320 = arith.constant 0 : i32
      %dma_wait3A_321 = arith.constant 0 : i32
      %dma_wait3A_322 = tpu.memref_slice %arg3[%dma_wait3A_320, %dma_wait3A_321] : memref<500032x128xf32, #tpu.memory_space<hbm>> -> memref<64x128xf32, #tpu.memory_space<hbm>>
      tpu.wait_dma2 semaphore(%arg6 : memref<!tpu.dma_semaphore, #tpu.memory_space<semaphore_mem>>) src(%dma_wait3A_322 : memref<64x128xf32, #tpu.memory_space<hbm>>) dst(%dma_wait3A_319 : memref<64x128xf32, #tpu.memory_space<vmem>>)
      %add3A_323 = arith.constant 1 : i32
      %add3A_324 = arith.addi %add3A_307, %add3A_323 : i32
      %mul3A_325 = arith.constant 246 : i32
      %mul3A_326 = arith.muli %add3A, %mul3A_325 : i32
      %add3A_327 = arith.addi %mul3A_326, %add3A_324 : i32
      %min3A_328 = arith.constant 7812 : i32
      %min3A_329 = arith.minsi %add3A_327, %min3A_328 : i32
      %mul3A_330 = arith.constant 128 : i32
      %mul3A_331 = arith.muli %min3A_329, %mul3A_330 : i32
      %dma_start3A_332 = arith.constant 1 : i32
      %dma_start3A_333 = arith.constant 0 : i32
      %dma_start3A_334 = arith.constant 0 : i32
      %dma_start3A_335 = tpu.memref_slice %arg4[%dma_start3A_332, %dma_start3A_333, %dma_start3A_334] : memref<2x64x128xf32, #tpu.memory_space<vmem>> -> memref<1x8x128xf32, #tpu.memory_space<vmem>>
      %dma_start3A_336 = tpu.memref_squeeze %dma_start3A_335 : memref<1x8x128xf32, #tpu.memory_space<vmem>> -> memref<8x128xf32, #tpu.memory_space<vmem>>
      %dma_start3A_337 = arith.constant 0 : i32
      %dma_start3A_338 = tpu.memref_slice %arg2[%dma_start3A_337, %mul3A_331] : memref<64x1000000xf32, #tpu.memory_space<hbm>> -> memref<8x128xf32, #tpu.memory_space<hbm>>
      %dma_start3A_339 = arith.constant 0 : i32
      %dma_start3A_340 = arith.constant 0 : i32
      %dma_start3A_341 = tpu.memref_slice %arg4[%dma_start3A_332, %dma_start3A_339, %dma_start3A_340] : memref<2x64x128xf32, #tpu.memory_space<vmem>> -> memref<1x8x128xf32, #tpu.memory_space<vmem>>
      %dma_start3A_342 = tpu.memref_squeeze %dma_start3A_341 : memref<1x8x128xf32, #tpu.memory_space<vmem>> -> memref<8x128xf32, #tpu.memory_space<vmem>>
      %dma_start3A_343 = arith.constant 0 : i32
      %dma_start3A_344 = tpu.memref_slice %arg2[%dma_start3A_343, %mul3A_331] : memref<64x1000000xf32, #tpu.memory_space<hbm>> -> memref<8x128xf32, #tpu.memory_space<hbm>>
      tpu.enqueue_dma source(%dma_start3A_344 : memref<8x128xf32, #tpu.memory_space<hbm>>) target(%dma_start3A_342 : memref<8x128xf32, #tpu.memory_space<vmem>>) target_semaphore(%arg7 : memref<!tpu.dma_semaphore, #tpu.memory_space<semaphore_mem>>)
      %mul3A_345 = arith.constant 128 : i32
      %mul3A_346 = arith.muli %min3A_329, %mul3A_345 : i32
      %dma_start3A_347 = arith.constant 1 : i32
      %dma_start3A_348 = arith.constant 8 : i32
      %dma_start3A_349 = arith.constant 0 : i32
      %dma_start3A_350 = tpu.memref_slice %arg4[%dma_start3A_347, %dma_start3A_348, %dma_start3A_349] : memref<2x64x128xf32, #tpu.memory_space<vmem>> -> memref<1x8x128xf32, #tpu.memory_space<vmem>>
      %dma_start3A_351 = tpu.memref_squeeze %dma_start3A_350 : memref<1x8x128xf32, #tpu.memory_space<vmem>> -> memref<8x128xf32, #tpu.memory_space<vmem>>
      %dma_start3A_352 = arith.constant 8 : i32
      %dma_start3A_353 = tpu.memref_slice %arg2[%dma_start3A_352, %mul3A_346] : memref<64x1000000xf32, #tpu.memory_space<hbm>> -> memref<8x128xf32, #tpu.memory_space<hbm>>
      %dma_start3A_354 = arith.constant 8 : i32
      %dma_start3A_355 = arith.constant 0 : i32
      %dma_start3A_356 = tpu.memref_slice %arg4[%dma_start3A_347, %dma_start3A_354, %dma_start3A_355] : memref<2x64x128xf32, #tpu.memory_space<vmem>> -> memref<1x8x128xf32, #tpu.memory_space<vmem>>
      %dma_start3A_357 = tpu.memref_squeeze %dma_start3A_356 : memref<1x8x128xf32, #tpu.memory_space<vmem>> -> memref<8x128xf32, #tpu.memory_space<vmem>>
      %dma_start3A_358 = arith.constant 8 : i32
      %dma_start3A_359 = tpu.memref_slice %arg2[%dma_start3A_358, %mul3A_346] : memref<64x1000000xf32, #tpu.memory_space<hbm>> -> memref<8x128xf32, #tpu.memory_space<hbm>>
      tpu.enqueue_dma source(%dma_start3A_359 : memref<8x128xf32, #tpu.memory_space<hbm>>) target(%dma_start3A_357 : memref<8x128xf32, #tpu.memory_space<vmem>>) target_semaphore(%arg7 : memref<!tpu.dma_semaphore, #tpu.memory_space<semaphore_mem>>)
      %mul3A_360 = arith.constant 128 : i32
      %mul3A_361 = arith.muli %min3A_329, %mul3A_360 : i32
      %dma_start3A_362 = arith.constant 1 : i32
      %dma_start3A_363 = arith.constant 16 : i32
      %dma_start3A_364 = arith.constant 0 : i32
      %dma_start3A_365 = tpu.memref_slice %arg4[%dma_start3A_362, %dma_start3A_363, %dma_start3A_364] : memref<2x64x128xf32, #tpu.memory_space<vmem>> -> memref<1x8x128xf32, #tpu.memory_space<vmem>>
      %dma_start3A_366 = tpu.memref_squeeze %dma_start3A_365 : memref<1x8x128xf32, #tpu.memory_space<vmem>> -> memref<8x128xf32, #tpu.memory_space<vmem>>
      %dma_start3A_367 = arith.constant 16 : i32
      %dma_start3A_368 = tpu.memref_slice %arg2[%dma_start3A_367, %mul3A_361] : memref<64x1000000xf32, #tpu.memory_space<hbm>> -> memref<8x128xf32, #tpu.memory_space<hbm>>
      %dma_start3A_369 = arith.constant 16 : i32
      %dma_start3A_370 = arith.constant 0 : i32
      %dma_start3A_371 = tpu.memref_slice %arg4[%dma_start3A_362, %dma_start3A_369, %dma_start3A_370] : memref<2x64x128xf32, #tpu.memory_space<vmem>> -> memref<1x8x128xf32, #tpu.memory_space<vmem>>
      %dma_start3A_372 = tpu.memref_squeeze %dma_start3A_371 : memref<1x8x128xf32, #tpu.memory_space<vmem>> -> memref<8x128xf32, #tpu.memory_space<vmem>>
      %dma_start3A_373 = arith.constant 16 : i32
      %dma_start3A_374 = tpu.memref_slice %arg2[%dma_start3A_373, %mul3A_361] : memref<64x1000000xf32, #tpu.memory_space<hbm>> -> memref<8x128xf32, #tpu.memory_space<hbm>>
      tpu.enqueue_dma source(%dma_start3A_374 : memref<8x128xf32, #tpu.memory_space<hbm>>) target(%dma_start3A_372 : memref<8x128xf32, #tpu.memory_space<vmem>>) target_semaphore(%arg7 : memref<!tpu.dma_semaphore, #tpu.memory_space<semaphore_mem>>)
      %mul3A_375 = arith.constant 128 : i32
      %mul3A_376 = arith.muli %min3A_329, %mul3A_375 : i32
      %dma_start3A_377 = arith.constant 1 : i32
      %dma_start3A_378 = arith.constant 24 : i32
      %dma_start3A_379 = arith.constant 0 : i32
      %dma_start3A_380 = tpu.memref_slice %arg4[%dma_start3A_377, %dma_start3A_378, %dma_start3A_379] : memref<2x64x128xf32, #tpu.memory_space<vmem>> -> memref<1x8x128xf32, #tpu.memory_space<vmem>>
      %dma_start3A_381 = tpu.memref_squeeze %dma_start3A_380 : memref<1x8x128xf32, #tpu.memory_space<vmem>> -> memref<8x128xf32, #tpu.memory_space<vmem>>
      %dma_start3A_382 = arith.constant 24 : i32
      %dma_start3A_383 = tpu.memref_slice %arg2[%dma_start3A_382, %mul3A_376] : memref<64x1000000xf32, #tpu.memory_space<hbm>> -> memref<8x128xf32, #tpu.memory_space<hbm>>
      %dma_start3A_384 = arith.constant 24 : i32
      %dma_start3A_385 = arith.constant 0 : i32
      %dma_start3A_386 = tpu.memref_slice %arg4[%dma_start3A_377, %dma_start3A_384, %dma_start3A_385] : memref<2x64x128xf32, #tpu.memory_space<vmem>> -> memref<1x8x128xf32, #tpu.memory_space<vmem>>
      %dma_start3A_387 = tpu.memref_squeeze %dma_start3A_386 : memref<1x8x128xf32, #tpu.memory_space<vmem>> -> memref<8x128xf32, #tpu.memory_space<vmem>>
      %dma_start3A_388 = arith.constant 24 : i32
      %dma_start3A_389 = tpu.memref_slice %arg2[%dma_start3A_388, %mul3A_376] : memref<64x1000000xf32, #tpu.memory_space<hbm>> -> memref<8x128xf32, #tpu.memory_space<hbm>>
      tpu.enqueue_dma source(%dma_start3A_389 : memref<8x128xf32, #tpu.memory_space<hbm>>) target(%dma_start3A_387 : memref<8x128xf32, #tpu.memory_space<vmem>>) target_semaphore(%arg7 : memref<!tpu.dma_semaphore, #tpu.memory_space<semaphore_mem>>)
      %mul3A_390 = arith.constant 128 : i32
      %mul3A_391 = arith.muli %min3A_329, %mul3A_390 : i32
      %dma_start3A_392 = arith.constant 1 : i32
      %dma_start3A_393 = arith.constant 32 : i32
      %dma_start3A_394 = arith.constant 0 : i32
      %dma_start3A_395 = tpu.memref_slice %arg4[%dma_start3A_392, %dma_start3A_393, %dma_start3A_394] : memref<2x64x128xf32, #tpu.memory_space<vmem>> -> memref<1x8x128xf32, #tpu.memory_space<vmem>>
      %dma_start3A_396 = tpu.memref_squeeze %dma_start3A_395 : memref<1x8x128xf32, #tpu.memory_space<vmem>> -> memref<8x128xf32, #tpu.memory_space<vmem>>
      %dma_start3A_397 = arith.constant 32 : i32
      %dma_start3A_398 = tpu.memref_slice %arg2[%dma_start3A_397, %mul3A_391] : memref<64x1000000xf32, #tpu.memory_space<hbm>> -> memref<8x128xf32, #tpu.memory_space<hbm>>
      %dma_start3A_399 = arith.constant 32 : i32
      %dma_start3A_400 = arith.constant 0 : i32
      %dma_start3A_401 = tpu.memref_slice %arg4[%dma_start3A_392, %dma_start3A_399, %dma_start3A_400] : memref<2x64x128xf32, #tpu.memory_space<vmem>> -> memref<1x8x128xf32, #tpu.memory_space<vmem>>
      %dma_start3A_402 = tpu.memref_squeeze %dma_start3A_401 : memref<1x8x128xf32, #tpu.memory_space<vmem>> -> memref<8x128xf32, #tpu.memory_space<vmem>>
      %dma_start3A_403 = arith.constant 32 : i32
      %dma_start3A_404 = tpu.memref_slice %arg2[%dma_start3A_403, %mul3A_391] : memref<64x1000000xf32, #tpu.memory_space<hbm>> -> memref<8x128xf32, #tpu.memory_space<hbm>>
      tpu.enqueue_dma source(%dma_start3A_404 : memref<8x128xf32, #tpu.memory_space<hbm>>) target(%dma_start3A_402 : memref<8x128xf32, #tpu.memory_space<vmem>>) target_semaphore(%arg7 : memref<!tpu.dma_semaphore, #tpu.memory_space<semaphore_mem>>)
      %mul3A_405 = arith.constant 128 : i32
      %mul3A_406 = arith.muli %min3A_329, %mul3A_405 : i32
      %dma_start3A_407 = arith.constant 1 : i32
      %dma_start3A_408 = arith.constant 40 : i32
      %dma_start3A_409 = arith.constant 0 : i32
      %dma_start3A_410 = tpu.memref_slice %arg4[%dma_start3A_407, %dma_start3A_408, %dma_start3A_409] : memref<2x64x128xf32, #tpu.memory_space<vmem>> -> memref<1x8x128xf32, #tpu.memory_space<vmem>>
      %dma_start3A_411 = tpu.memref_squeeze %dma_start3A_410 : memref<1x8x128xf32, #tpu.memory_space<vmem>> -> memref<8x128xf32, #tpu.memory_space<vmem>>
      %dma_start3A_412 = arith.constant 40 : i32
      %dma_start3A_413 = tpu.memref_slice %arg2[%dma_start3A_412, %mul3A_406] : memref<64x1000000xf32, #tpu.memory_space<hbm>> -> memref<8x128xf32, #tpu.memory_space<hbm>>
      %dma_start3A_414 = arith.constant 40 : i32
      %dma_start3A_415 = arith.constant 0 : i32
      %dma_start3A_416 = tpu.memref_slice %arg4[%dma_start3A_407, %dma_start3A_414, %dma_start3A_415] : memref<2x64x128xf32, #tpu.memory_space<vmem>> -> memref<1x8x128xf32, #tpu.memory_space<vmem>>
      %dma_start3A_417 = tpu.memref_squeeze %dma_start3A_416 : memref<1x8x128xf32, #tpu.memory_space<vmem>> -> memref<8x128xf32, #tpu.memory_space<vmem>>
      %dma_start3A_418 = arith.constant 40 : i32
      %dma_start3A_419 = tpu.memref_slice %arg2[%dma_start3A_418, %mul3A_406] : memref<64x1000000xf32, #tpu.memory_space<hbm>> -> memref<8x128xf32, #tpu.memory_space<hbm>>
      tpu.enqueue_dma source(%dma_start3A_419 : memref<8x128xf32, #tpu.memory_space<hbm>>) target(%dma_start3A_417 : memref<8x128xf32, #tpu.memory_space<vmem>>) target_semaphore(%arg7 : memref<!tpu.dma_semaphore, #tpu.memory_space<semaphore_mem>>)
      %mul3A_420 = arith.constant 128 : i32
      %mul3A_421 = arith.muli %min3A_329, %mul3A_420 : i32
      %dma_start3A_422 = arith.constant 1 : i32
      %dma_start3A_423 = arith.constant 48 : i32
      %dma_start3A_424 = arith.constant 0 : i32
      %dma_start3A_425 = tpu.memref_slice %arg4[%dma_start3A_422, %dma_start3A_423, %dma_start3A_424] : memref<2x64x128xf32, #tpu.memory_space<vmem>> -> memref<1x8x128xf32, #tpu.memory_space<vmem>>
      %dma_start3A_426 = tpu.memref_squeeze %dma_start3A_425 : memref<1x8x128xf32, #tpu.memory_space<vmem>> -> memref<8x128xf32, #tpu.memory_space<vmem>>
      %dma_start3A_427 = arith.constant 48 : i32
      %dma_start3A_428 = tpu.memref_slice %arg2[%dma_start3A_427, %mul3A_421] : memref<64x1000000xf32, #tpu.memory_space<hbm>> -> memref<8x128xf32, #tpu.memory_space<hbm>>
      %dma_start3A_429 = arith.constant 48 : i32
      %dma_start3A_430 = arith.constant 0 : i32
      %dma_start3A_431 = tpu.memref_slice %arg4[%dma_start3A_422, %dma_start3A_429, %dma_start3A_430] : memref<2x64x128xf32, #tpu.memory_space<vmem>> -> memref<1x8x128xf32, #tpu.memory_space<vmem>>
      %dma_start3A_432 = tpu.memref_squeeze %dma_start3A_431 : memref<1x8x128xf32, #tpu.memory_space<vmem>> -> memref<8x128xf32, #tpu.memory_space<vmem>>
      %dma_start3A_433 = arith.constant 48 : i32
      %dma_start3A_434 = tpu.memref_slice %arg2[%dma_start3A_433, %mul3A_421] : memref<64x1000000xf32, #tpu.memory_space<hbm>> -> memref<8x128xf32, #tpu.memory_space<hbm>>
      tpu.enqueue_dma source(%dma_start3A_434 : memref<8x128xf32, #tpu.memory_space<hbm>>) target(%dma_start3A_432 : memref<8x128xf32, #tpu.memory_space<vmem>>) target_semaphore(%arg7 : memref<!tpu.dma_semaphore, #tpu.memory_space<semaphore_mem>>)
      %mul3A_435 = arith.constant 128 : i32
      %mul3A_436 = arith.muli %min3A_329, %mul3A_435 : i32
      %dma_start3A_437 = arith.constant 1 : i32
      %dma_start3A_438 = arith.constant 56 : i32
      %dma_start3A_439 = arith.constant 0 : i32
      %dma_start3A_440 = tpu.memref_slice %arg4[%dma_start3A_437, %dma_start3A_438, %dma_start3A_439] : memref<2x64x128xf32, #tpu.memory_space<vmem>> -> memref<1x8x128xf32, #tpu.memory_space<vmem>>
      %dma_start3A_441 = tpu.memref_squeeze %dma_start3A_440 : memref<1x8x128xf32, #tpu.memory_space<vmem>> -> memref<8x128xf32, #tpu.memory_space<vmem>>
      %dma_start3A_442 = arith.constant 56 : i32
      %dma_start3A_443 = tpu.memref_slice %arg2[%dma_start3A_442, %mul3A_436] : memref<64x1000000xf32, #tpu.memory_space<hbm>> -> memref<8x128xf32, #tpu.memory_space<hbm>>
      %dma_start3A_444 = arith.constant 56 : i32
      %dma_start3A_445 = arith.constant 0 : i32
      %dma_start3A_446 = tpu.memref_slice %arg4[%dma_start3A_437, %dma_start3A_444, %dma_start3A_445] : memref<2x64x128xf32, #tpu.memory_space<vmem>> -> memref<1x8x128xf32, #tpu.memory_space<vmem>>
      %dma_start3A_447 = tpu.memref_squeeze %dma_start3A_446 : memref<1x8x128xf32, #tpu.memory_space<vmem>> -> memref<8x128xf32, #tpu.memory_space<vmem>>
      %dma_start3A_448 = arith.constant 56 : i32
      %dma_start3A_449 = tpu.memref_slice %arg2[%dma_start3A_448, %mul3A_436] : memref<64x1000000xf32, #tpu.memory_space<hbm>> -> memref<8x128xf32, #tpu.memory_space<hbm>>
      tpu.enqueue_dma source(%dma_start3A_449 : memref<8x128xf32, #tpu.memory_space<hbm>>) target(%dma_start3A_447 : memref<8x128xf32, #tpu.memory_space<vmem>>) target_semaphore(%arg7 : memref<!tpu.dma_semaphore, #tpu.memory_space<semaphore_mem>>)
      %gt3A = arith.constant 0 : i32
      %gt3A_450 = arith.cmpi sgt, %scan3A_302, %gt3A : i32
      %convert_element_type3A = arith.extui %gt3A_450 : i1 to i32
      %cond3A = arith.constant 0 : i32
      %cond3A_451 = arith.cmpi ne, %convert_element_type3A, %cond3A : i32
      scf.if %cond3A_451 {
        %dma_wait3A_541 = arith.constant 0 : i32
        %dma_wait3A_542 = arith.constant 0 : i32
        %dma_wait3A_543 = arith.constant 0 : i32
        %dma_wait3A_544 = tpu.memref_slice %arg5[%dma_wait3A_541, %dma_wait3A_542, %dma_wait3A_543] : memref<2x64x128xf32, #tpu.memory_space<vmem>> -> memref<1x64x128xf32, #tpu.memory_space<vmem>>
        %dma_wait3A_545 = tpu.memref_squeeze %dma_wait3A_544 : memref<1x64x128xf32, #tpu.memory_space<vmem>> -> memref<64x128xf32, #tpu.memory_space<vmem>>
        %dma_wait3A_546 = arith.constant 0 : i32
        %dma_wait3A_547 = arith.constant 0 : i32
        %dma_wait3A_548 = tpu.memref_slice %arg3[%dma_wait3A_546, %dma_wait3A_547] : memref<500032x128xf32, #tpu.memory_space<hbm>> -> memref<64x128xf32, #tpu.memory_space<hbm>>
        %dma_wait3A_549 = arith.constant 0 : i32
        %dma_wait3A_550 = arith.constant 0 : i32
        %dma_wait3A_551 = tpu.memref_slice %arg5[%dma_wait3A_541, %dma_wait3A_549, %dma_wait3A_550] : memref<2x64x128xf32, #tpu.memory_space<vmem>> -> memref<1x64x128xf32, #tpu.memory_space<vmem>>
        %dma_wait3A_552 = tpu.memref_squeeze %dma_wait3A_551 : memref<1x64x128xf32, #tpu.memory_space<vmem>> -> memref<64x128xf32, #tpu.memory_space<vmem>>
        %dma_wait3A_553 = arith.constant 0 : i32
        %dma_wait3A_554 = arith.constant 0 : i32
        %dma_wait3A_555 = tpu.memref_slice %arg3[%dma_wait3A_553, %dma_wait3A_554] : memref<500032x128xf32, #tpu.memory_space<hbm>> -> memref<64x128xf32, #tpu.memory_space<hbm>>
        tpu.wait_dma2 semaphore(%arg8 : memref<!tpu.dma_semaphore, #tpu.memory_space<semaphore_mem>>) src(%dma_wait3A_555 : memref<64x128xf32, #tpu.memory_space<hbm>>) dst(%dma_wait3A_552 : memref<64x128xf32, #tpu.memory_space<vmem>>)
      } else {
      }
      %scan3A_452 = arith.constant 0 : i32
      %scan3A_453 = arith.constant 0 : i32
      %scan3A_454 = arith.constant 0 : i32
      %scan3A_455 = arith.constant 0 : i32
      %scan3A_456 = arith.constant 16 : i32
      %scan3A_457 = arith.addi %scan3A_455, %scan3A_456 : i32
      %scan3A_458 = arith.constant 1 : i32
      %scan3A_459 = scf.for %scan3A_541 = %scan3A_455 to %scan3A_457 step %scan3A_458 iter_args(%scan3A_542 = %scan3A_454) -> (i32)  : i32 {
        %add3A_543 = vector.broadcast %scan3A_541 : i32 to vector<16xi32>
        %add3A_544 = arith.addi %add3A_543, %iota3A : vector<16xi32>
        %and3A_545 = arith.constant 15 : i32
        %and3A_546 = vector.broadcast %and3A_545 : i32 to vector<16xi32>
        %and3A_547 = arith.andi %add3A_544, %and3A_546 : vector<16xi32>
        %add3A_548 = arith.constant 0 : i32
        %add3A_549 = vector.broadcast %add3A_548 : i32 to vector<16xi32>
        %add3A_550 = arith.addi %add3A_549, %and3A_547 : vector<16xi32>
        %gather3A = arith.constant 0 : i32
        %gather3A_551 = arith.constant 0 : i32
        %gather3A_552 = tpu.memref_slice %arg4[%scan3A_452, %gather3A, %gather3A_551] : memref<2x64x128xf32, #tpu.memory_space<vmem>> -> memref<1x64x128xf32, #tpu.memory_space<vmem>>
        %gather3A_553 = tpu.memref_squeeze %gather3A_552 : memref<1x64x128xf32, #tpu.memory_space<vmem>> -> memref<64x128xf32, #tpu.memory_space<vmem>>
        %gather3A_554 = tpu.vector_load_idx %gather3A_553[%add3A_550, %add3A_3] : memref<64x128xf32, #tpu.memory_space<vmem>>[vector<16xi32>, vector<16xi32>], vector<16xf32>,
        %add3A_555 = arith.addi %mul3A_79, %add3A_550 : vector<16xi32>
        %scatter3A = arith.constant 0 : i32
        %scatter3A_556 = arith.constant 0 : i32
        %scatter3A_557 = tpu.memref_slice %arg5[%scan3A_453, %scatter3A, %scatter3A_556] : memref<2x64x128xf32, #tpu.memory_space<vmem>> -> memref<1x64x128xf32, #tpu.memory_space<vmem>>
        %scatter3A_558 = tpu.memref_squeeze %scatter3A_557 : memref<1x64x128xf32, #tpu.memory_space<vmem>> -> memref<64x128xf32, #tpu.memory_space<vmem>>
        tpu.vector_store_idx %scatter3A_558[%shift_right_arithmetic3A_29, %add3A_555], %gather3A_554 : memref<64x128xf32, #tpu.memory_space<vmem>>[vector<16xi32>, vector<16xi32>], vector<16xf32>,
        %gather3A_559 = arith.constant 0 : i32
        %gather3A_560 = arith.constant 0 : i32
        %gather3A_561 = tpu.memref_slice %arg4[%scan3A_452, %gather3A_559, %gather3A_560] : memref<2x64x128xf32, #tpu.memory_space<vmem>> -> memref<1x64x128xf32, #tpu.memory_space<vmem>>
        %gather3A_562 = tpu.memref_squeeze %gather3A_561 : memref<1x64x128xf32, #tpu.memory_space<vmem>> -> memref<64x128xf32, #tpu.memory_space<vmem>>
        %gather3A_563 = tpu.vector_load_idx %gather3A_562[%add3A_550, %add3A_6] : memref<64x128xf32, #tpu.memory_space<vmem>>[vector<16xi32>, vector<16xi32>], vector<16xf32>,
        %add3A_564 = arith.addi %mul3A_88, %add3A_550 : vector<16xi32>
        %scatter3A_565 = arith.constant 0 : i32
        %scatter3A_566 = arith.constant 0 : i32
        %scatter3A_567 = tpu.memref_slice %arg5[%scan3A_453, %scatter3A_565, %scatter3A_566] : memref<2x64x128xf32, #tpu.memory_space<vmem>> -> memref<1x64x128xf32, #tpu.memory_space<vmem>>
        %scatter3A_568 = tpu.memref_squeeze %scatter3A_567 : memref<1x64x128xf32, #tpu.memory_space<vmem>> -> memref<64x128xf32, #tpu.memory_space<vmem>>
        tpu.vector_store_idx %scatter3A_568[%shift_right_arithmetic3A_35, %add3A_564], %gather3A_563 : memref<64x128xf32, #tpu.memory_space<vmem>>[vector<16xi32>, vector<16xi32>], vector<16xf32>,
        %gather3A_569 = arith.constant 0 : i32
        %gather3A_570 = arith.constant 0 : i32
        %gather3A_571 = tpu.memref_slice %arg4[%scan3A_452, %gather3A_569, %gather3A_570] : memref<2x64x128xf32, #tpu.memory_space<vmem>> -> memref<1x64x128xf32, #tpu.memory_space<vmem>>
        %gather3A_572 = tpu.memref_squeeze %gather3A_571 : memref<1x64x128xf32, #tpu.memory_space<vmem>> -> memref<64x128xf32, #tpu.memory_space<vmem>>
        %gather3A_573 = tpu.vector_load_idx %gather3A_572[%add3A_550, %add3A_9] : memref<64x128xf32, #tpu.memory_space<vmem>>[vector<16xi32>, vector<16xi32>], vector<16xf32>,
        %add3A_574 = arith.addi %mul3A_97, %add3A_550 : vector<16xi32>
        %scatter3A_575 = arith.constant 0 : i32
        %scatter3A_576 = arith.constant 0 : i32
        %scatter3A_577 = tpu.memref_slice %arg5[%scan3A_453, %scatter3A_575, %scatter3A_576] : memref<2x64x128xf32, #tpu.memory_space<vmem>> -> memref<1x64x128xf32, #tpu.memory_space<vmem>>
        %scatter3A_578 = tpu.memref_squeeze %scatter3A_577 : memref<1x64x128xf32, #tpu.memory_space<vmem>> -> memref<64x128xf32, #tpu.memory_space<vmem>>
        tpu.vector_store_idx %scatter3A_578[%shift_right_arithmetic3A_41, %add3A_574], %gather3A_573 : memref<64x128xf32, #tpu.memory_space<vmem>>[vector<16xi32>, vector<16xi32>], vector<16xf32>,
        %gather3A_579 = arith.constant 0 : i32
        %gather3A_580 = arith.constant 0 : i32
        %gather3A_581 = tpu.memref_slice %arg4[%scan3A_452, %gather3A_579, %gather3A_580] : memref<2x64x128xf32, #tpu.memory_space<vmem>> -> memref<1x64x128xf32, #tpu.memory_space<vmem>>
        %gather3A_582 = tpu.memref_squeeze %gather3A_581 : memref<1x64x128xf32, #tpu.memory_space<vmem>> -> memref<64x128xf32, #tpu.memory_space<vmem>>
        %gather3A_583 = tpu.vector_load_idx %gather3A_582[%add3A_550, %add3A_12] : memref<64x128xf32, #tpu.memory_space<vmem>>[vector<16xi32>, vector<16xi32>], vector<16xf32>,
        %add3A_584 = arith.addi %mul3A_106, %add3A_550 : vector<16xi32>
        %scatter3A_585 = arith.constant 0 : i32
        %scatter3A_586 = arith.constant 0 : i32
        %scatter3A_587 = tpu.memref_slice %arg5[%scan3A_453, %scatter3A_585, %scatter3A_586] : memref<2x64x128xf32, #tpu.memory_space<vmem>> -> memref<1x64x128xf32, #tpu.memory_space<vmem>>
        %scatter3A_588 = tpu.memref_squeeze %scatter3A_587 : memref<1x64x128xf32, #tpu.memory_space<vmem>> -> memref<64x128xf32, #tpu.memory_space<vmem>>
        tpu.vector_store_idx %scatter3A_588[%shift_right_arithmetic3A_47, %add3A_584], %gather3A_583 : memref<64x128xf32, #tpu.memory_space<vmem>>[vector<16xi32>, vector<16xi32>], vector<16xf32>,
        %gather3A_589 = arith.constant 0 : i32
        %gather3A_590 = arith.constant 0 : i32
        %gather3A_591 = tpu.memref_slice %arg4[%scan3A_452, %gather3A_589, %gather3A_590] : memref<2x64x128xf32, #tpu.memory_space<vmem>> -> memref<1x64x128xf32, #tpu.memory_space<vmem>>
        %gather3A_592 = tpu.memref_squeeze %gather3A_591 : memref<1x64x128xf32, #tpu.memory_space<vmem>> -> memref<64x128xf32, #tpu.memory_space<vmem>>
        %gather3A_593 = tpu.vector_load_idx %gather3A_592[%add3A_550, %add3A_15] : memref<64x128xf32, #tpu.memory_space<vmem>>[vector<16xi32>, vector<16xi32>], vector<16xf32>,
        %add3A_594 = arith.addi %mul3A_115, %add3A_550 : vector<16xi32>
        %scatter3A_595 = arith.constant 0 : i32
        %scatter3A_596 = arith.constant 0 : i32
        %scatter3A_597 = tpu.memref_slice %arg5[%scan3A_453, %scatter3A_595, %scatter3A_596] : memref<2x64x128xf32, #tpu.memory_space<vmem>> -> memref<1x64x128xf32, #tpu.memory_space<vmem>>
        %scatter3A_598 = tpu.memref_squeeze %scatter3A_597 : memref<1x64x128xf32, #tpu.memory_space<vmem>> -> memref<64x128xf32, #tpu.memory_space<vmem>>
        tpu.vector_store_idx %scatter3A_598[%shift_right_arithmetic3A_53, %add3A_594], %gather3A_593 : memref<64x128xf32, #tpu.memory_space<vmem>>[vector<16xi32>, vector<16xi32>], vector<16xf32>,
        %gather3A_599 = arith.constant 0 : i32
        %gather3A_600 = arith.constant 0 : i32
        %gather3A_601 = tpu.memref_slice %arg4[%scan3A_452, %gather3A_599, %gather3A_600] : memref<2x64x128xf32, #tpu.memory_space<vmem>> -> memref<1x64x128xf32, #tpu.memory_space<vmem>>
        %gather3A_602 = tpu.memref_squeeze %gather3A_601 : memref<1x64x128xf32, #tpu.memory_space<vmem>> -> memref<64x128xf32, #tpu.memory_space<vmem>>
        %gather3A_603 = tpu.vector_load_idx %gather3A_602[%add3A_550, %add3A_18] : memref<64x128xf32, #tpu.memory_space<vmem>>[vector<16xi32>, vector<16xi32>], vector<16xf32>,
        %add3A_604 = arith.addi %mul3A_124, %add3A_550 : vector<16xi32>
        %scatter3A_605 = arith.constant 0 : i32
        %scatter3A_606 = arith.constant 0 : i32
        %scatter3A_607 = tpu.memref_slice %arg5[%scan3A_453, %scatter3A_605, %scatter3A_606] : memref<2x64x128xf32, #tpu.memory_space<vmem>> -> memref<1x64x128xf32, #tpu.memory_space<vmem>>
        %scatter3A_608 = tpu.memref_squeeze %scatter3A_607 : memref<1x64x128xf32, #tpu.memory_space<vmem>> -> memref<64x128xf32, #tpu.memory_space<vmem>>
        tpu.vector_store_idx %scatter3A_608[%shift_right_arithmetic3A_59, %add3A_604], %gather3A_603 : memref<64x128xf32, #tpu.memory_space<vmem>>[vector<16xi32>, vector<16xi32>], vector<16xf32>,
        %gather3A_609 = arith.constant 0 : i32
        %gather3A_610 = arith.constant 0 : i32
        %gather3A_611 = tpu.memref_slice %arg4[%scan3A_452, %gather3A_609, %gather3A_610] : memref<2x64x128xf32, #tpu.memory_space<vmem>> -> memref<1x64x128xf32, #tpu.memory_space<vmem>>
        %gather3A_612 = tpu.memref_squeeze %gather3A_611 : memref<1x64x128xf32, #tpu.memory_space<vmem>> -> memref<64x128xf32, #tpu.memory_space<vmem>>
        %gather3A_613 = tpu.vector_load_idx %gather3A_612[%add3A_550, %add3A_21] : memref<64x128xf32, #tpu.memory_space<vmem>>[vector<16xi32>, vector<16xi32>], vector<16xf32>,
        %add3A_614 = arith.addi %mul3A_133, %add3A_550 : vector<16xi32>
        %scatter3A_615 = arith.constant 0 : i32
        %scatter3A_616 = arith.constant 0 : i32
        %scatter3A_617 = tpu.memref_slice %arg5[%scan3A_453, %scatter3A_615, %scatter3A_616] : memref<2x64x128xf32, #tpu.memory_space<vmem>> -> memref<1x64x128xf32, #tpu.memory_space<vmem>>
        %scatter3A_618 = tpu.memref_squeeze %scatter3A_617 : memref<1x64x128xf32, #tpu.memory_space<vmem>> -> memref<64x128xf32, #tpu.memory_space<vmem>>
        tpu.vector_store_idx %scatter3A_618[%shift_right_arithmetic3A_65, %add3A_614], %gather3A_613 : memref<64x128xf32, #tpu.memory_space<vmem>>[vector<16xi32>, vector<16xi32>], vector<16xf32>,
        %gather3A_619 = arith.constant 0 : i32
        %gather3A_620 = arith.constant 0 : i32
        %gather3A_621 = tpu.memref_slice %arg4[%scan3A_452, %gather3A_619, %gather3A_620] : memref<2x64x128xf32, #tpu.memory_space<vmem>> -> memref<1x64x128xf32, #tpu.memory_space<vmem>>
        %gather3A_622 = tpu.memref_squeeze %gather3A_621 : memref<1x64x128xf32, #tpu.memory_space<vmem>> -> memref<64x128xf32, #tpu.memory_space<vmem>>
        %gather3A_623 = tpu.vector_load_idx %gather3A_622[%add3A_550, %add3A_24] : memref<64x128xf32, #tpu.memory_space<vmem>>[vector<16xi32>, vector<16xi32>], vector<16xf32>,
        %add3A_624 = arith.addi %mul3A_142, %add3A_550 : vector<16xi32>
        %scatter3A_625 = arith.constant 0 : i32
        %scatter3A_626 = arith.constant 0 : i32
        %scatter3A_627 = tpu.memref_slice %arg5[%scan3A_453, %scatter3A_625, %scatter3A_626] : memref<2x64x128xf32, #tpu.memory_space<vmem>> -> memref<1x64x128xf32, #tpu.memory_space<vmem>>
        %scatter3A_628 = tpu.memref_squeeze %scatter3A_627 : memref<1x64x128xf32, #tpu.memory_space<vmem>> -> memref<64x128xf32, #tpu.memory_space<vmem>>
        tpu.vector_store_idx %scatter3A_628[%shift_right_arithmetic3A_71, %add3A_624], %gather3A_623 : memref<64x128xf32, #tpu.memory_space<vmem>>[vector<16xi32>, vector<16xi32>], vector<16xf32>,
        %add3A_629 = arith.constant 16 : i32
        %add3A_630 = vector.broadcast %add3A_629 : i32 to vector<16xi32>
        %add3A_631 = arith.addi %add3A_630, %and3A_547 : vector<16xi32>
        %gather3A_632 = arith.constant 0 : i32
        %gather3A_633 = arith.constant 0 : i32
        %gather3A_634 = tpu.memref_slice %arg4[%scan3A_452, %gather3A_632, %gather3A_633] : memref<2x64x128xf32, #tpu.memory_space<vmem>> -> memref<1x64x128xf32, #tpu.memory_space<vmem>>
        %gather3A_635 = tpu.memref_squeeze %gather3A_634 : memref<1x64x128xf32, #tpu.memory_space<vmem>> -> memref<64x128xf32, #tpu.memory_space<vmem>>
        %gather3A_636 = tpu.vector_load_idx %gather3A_635[%add3A_631, %add3A_3] : memref<64x128xf32, #tpu.memory_space<vmem>>[vector<16xi32>, vector<16xi32>], vector<16xf32>,
        %add3A_637 = arith.addi %mul3A_79, %add3A_631 : vector<16xi32>
        %scatter3A_638 = arith.constant 0 : i32
        %scatter3A_639 = arith.constant 0 : i32
        %scatter3A_640 = tpu.memref_slice %arg5[%scan3A_453, %scatter3A_638, %scatter3A_639] : memref<2x64x128xf32, #tpu.memory_space<vmem>> -> memref<1x64x128xf32, #tpu.memory_space<vmem>>
        %scatter3A_641 = tpu.memref_squeeze %scatter3A_640 : memref<1x64x128xf32, #tpu.memory_space<vmem>> -> memref<64x128xf32, #tpu.memory_space<vmem>>
        tpu.vector_store_idx %scatter3A_641[%shift_right_arithmetic3A_29, %add3A_637], %gather3A_636 : memref<64x128xf32, #tpu.memory_space<vmem>>[vector<16xi32>, vector<16xi32>], vector<16xf32>,
        %gather3A_642 = arith.constant 0 : i32
        %gather3A_643 = arith.constant 0 : i32
        %gather3A_644 = tpu.memref_slice %arg4[%scan3A_452, %gather3A_642, %gather3A_643] : memref<2x64x128xf32, #tpu.memory_space<vmem>> -> memref<1x64x128xf32, #tpu.memory_space<vmem>>
        %gather3A_645 = tpu.memref_squeeze %gather3A_644 : memref<1x64x128xf32, #tpu.memory_space<vmem>> -> memref<64x128xf32, #tpu.memory_space<vmem>>
        %gather3A_646 = tpu.vector_load_idx %gather3A_645[%add3A_631, %add3A_6] : memref<64x128xf32, #tpu.memory_space<vmem>>[vector<16xi32>, vector<16xi32>], vector<16xf32>,
        %add3A_647 = arith.addi %mul3A_88, %add3A_631 : vector<16xi32>
        %scatter3A_648 = arith.constant 0 : i32
        %scatter3A_649 = arith.constant 0 : i32
        %scatter3A_650 = tpu.memref_slice %arg5[%scan3A_453, %scatter3A_648, %scatter3A_649] : memref<2x64x128xf32, #tpu.memory_space<vmem>> -> memref<1x64x128xf32, #tpu.memory_space<vmem>>
        %scatter3A_651 = tpu.memref_squeeze %scatter3A_650 : memref<1x64x128xf32, #tpu.memory_space<vmem>> -> memref<64x128xf32, #tpu.memory_space<vmem>>
        tpu.vector_store_idx %scatter3A_651[%shift_right_arithmetic3A_35, %add3A_647], %gather3A_646 : memref<64x128xf32, #tpu.memory_space<vmem>>[vector<16xi32>, vector<16xi32>], vector<16xf32>,
        %gather3A_652 = arith.constant 0 : i32
        %gather3A_653 = arith.constant 0 : i32
        %gather3A_654 = tpu.memref_slice %arg4[%scan3A_452, %gather3A_652, %gather3A_653] : memref<2x64x128xf32, #tpu.memory_space<vmem>> -> memref<1x64x128xf32, #tpu.memory_space<vmem>>
        %gather3A_655 = tpu.memref_squeeze %gather3A_654 : memref<1x64x128xf32, #tpu.memory_space<vmem>> -> memref<64x128xf32, #tpu.memory_space<vmem>>
        %gather3A_656 = tpu.vector_load_idx %gather3A_655[%add3A_631, %add3A_9] : memref<64x128xf32, #tpu.memory_space<vmem>>[vector<16xi32>, vector<16xi32>], vector<16xf32>,
        %add3A_657 = arith.addi %mul3A_97, %add3A_631 : vector<16xi32>
        %scatter3A_658 = arith.constant 0 : i32
        %scatter3A_659 = arith.constant 0 : i32
        %scatter3A_660 = tpu.memref_slice %arg5[%scan3A_453, %scatter3A_658, %scatter3A_659] : memref<2x64x128xf32, #tpu.memory_space<vmem>> -> memref<1x64x128xf32, #tpu.memory_space<vmem>>
        %scatter3A_661 = tpu.memref_squeeze %scatter3A_660 : memref<1x64x128xf32, #tpu.memory_space<vmem>> -> memref<64x128xf32, #tpu.memory_space<vmem>>
        tpu.vector_store_idx %scatter3A_661[%shift_right_arithmetic3A_41, %add3A_657], %gather3A_656 : memref<64x128xf32, #tpu.memory_space<vmem>>[vector<16xi32>, vector<16xi32>], vector<16xf32>,
        %gather3A_662 = arith.constant 0 : i32
        %gather3A_663 = arith.constant 0 : i32
        %gather3A_664 = tpu.memref_slice %arg4[%scan3A_452, %gather3A_662, %gather3A_663] : memref<2x64x128xf32, #tpu.memory_space<vmem>> -> memref<1x64x128xf32, #tpu.memory_space<vmem>>
        %gather3A_665 = tpu.memref_squeeze %gather3A_664 : memref<1x64x128xf32, #tpu.memory_space<vmem>> -> memref<64x128xf32, #tpu.memory_space<vmem>>
        %gather3A_666 = tpu.vector_load_idx %gather3A_665[%add3A_631, %add3A_12] : memref<64x128xf32, #tpu.memory_space<vmem>>[vector<16xi32>, vector<16xi32>], vector<16xf32>,
        %add3A_667 = arith.addi %mul3A_106, %add3A_631 : vector<16xi32>
        %scatter3A_668 = arith.constant 0 : i32
        %scatter3A_669 = arith.constant 0 : i32
        %scatter3A_670 = tpu.memref_slice %arg5[%scan3A_453, %scatter3A_668, %scatter3A_669] : memref<2x64x128xf32, #tpu.memory_space<vmem>> -> memref<1x64x128xf32, #tpu.memory_space<vmem>>
        %scatter3A_671 = tpu.memref_squeeze %scatter3A_670 : memref<1x64x128xf32, #tpu.memory_space<vmem>> -> memref<64x128xf32, #tpu.memory_space<vmem>>
        tpu.vector_store_idx %scatter3A_671[%shift_right_arithmetic3A_47, %add3A_667], %gather3A_666 : memref<64x128xf32, #tpu.memory_space<vmem>>[vector<16xi32>, vector<16xi32>], vector<16xf32>,
        %gather3A_672 = arith.constant 0 : i32
        %gather3A_673 = arith.constant 0 : i32
        %gather3A_674 = tpu.memref_slice %arg4[%scan3A_452, %gather3A_672, %gather3A_673] : memref<2x64x128xf32, #tpu.memory_space<vmem>> -> memref<1x64x128xf32, #tpu.memory_space<vmem>>
        %gather3A_675 = tpu.memref_squeeze %gather3A_674 : memref<1x64x128xf32, #tpu.memory_space<vmem>> -> memref<64x128xf32, #tpu.memory_space<vmem>>
        %gather3A_676 = tpu.vector_load_idx %gather3A_675[%add3A_631, %add3A_15] : memref<64x128xf32, #tpu.memory_space<vmem>>[vector<16xi32>, vector<16xi32>], vector<16xf32>,
        %add3A_677 = arith.addi %mul3A_115, %add3A_631 : vector<16xi32>
        %scatter3A_678 = arith.constant 0 : i32
        %scatter3A_679 = arith.constant 0 : i32
        %scatter3A_680 = tpu.memref_slice %arg5[%scan3A_453, %scatter3A_678, %scatter3A_679] : memref<2x64x128xf32, #tpu.memory_space<vmem>> -> memref<1x64x128xf32, #tpu.memory_space<vmem>>
        %scatter3A_681 = tpu.memref_squeeze %scatter3A_680 : memref<1x64x128xf32, #tpu.memory_space<vmem>> -> memref<64x128xf32, #tpu.memory_space<vmem>>
        tpu.vector_store_idx %scatter3A_681[%shift_right_arithmetic3A_53, %add3A_677], %gather3A_676 : memref<64x128xf32, #tpu.memory_space<vmem>>[vector<16xi32>, vector<16xi32>], vector<16xf32>,
        %gather3A_682 = arith.constant 0 : i32
        %gather3A_683 = arith.constant 0 : i32
        %gather3A_684 = tpu.memref_slice %arg4[%scan3A_452, %gather3A_682, %gather3A_683] : memref<2x64x128xf32, #tpu.memory_space<vmem>> -> memref<1x64x128xf32, #tpu.memory_space<vmem>>
        %gather3A_685 = tpu.memref_squeeze %gather3A_684 : memref<1x64x128xf32, #tpu.memory_space<vmem>> -> memref<64x128xf32, #tpu.memory_space<vmem>>
        %gather3A_686 = tpu.vector_load_idx %gather3A_685[%add3A_631, %add3A_18] : memref<64x128xf32, #tpu.memory_space<vmem>>[vector<16xi32>, vector<16xi32>], vector<16xf32>,
        %add3A_687 = arith.addi %mul3A_124, %add3A_631 : vector<16xi32>
        %scatter3A_688 = arith.constant 0 : i32
        %scatter3A_689 = arith.constant 0 : i32
        %scatter3A_690 = tpu.memref_slice %arg5[%scan3A_453, %scatter3A_688, %scatter3A_689] : memref<2x64x128xf32, #tpu.memory_space<vmem>> -> memref<1x64x128xf32, #tpu.memory_space<vmem>>
        %scatter3A_691 = tpu.memref_squeeze %scatter3A_690 : memref<1x64x128xf32, #tpu.memory_space<vmem>> -> memref<64x128xf32, #tpu.memory_space<vmem>>
        tpu.vector_store_idx %scatter3A_691[%shift_right_arithmetic3A_59, %add3A_687], %gather3A_686 : memref<64x128xf32, #tpu.memory_space<vmem>>[vector<16xi32>, vector<16xi32>], vector<16xf32>,
        %gather3A_692 = arith.constant 0 : i32
        %gather3A_693 = arith.constant 0 : i32
        %gather3A_694 = tpu.memref_slice %arg4[%scan3A_452, %gather3A_692, %gather3A_693] : memref<2x64x128xf32, #tpu.memory_space<vmem>> -> memref<1x64x128xf32, #tpu.memory_space<vmem>>
        %gather3A_695 = tpu.memref_squeeze %gather3A_694 : memref<1x64x128xf32, #tpu.memory_space<vmem>> -> memref<64x128xf32, #tpu.memory_space<vmem>>
        %gather3A_696 = tpu.vector_load_idx %gather3A_695[%add3A_631, %add3A_21] : memref<64x128xf32, #tpu.memory_space<vmem>>[vector<16xi32>, vector<16xi32>], vector<16xf32>,
        %add3A_697 = arith.addi %mul3A_133, %add3A_631 : vector<16xi32>
        %scatter3A_698 = arith.constant 0 : i32
        %scatter3A_699 = arith.constant 0 : i32
        %scatter3A_700 = tpu.memref_slice %arg5[%scan3A_453, %scatter3A_698, %scatter3A_699] : memref<2x64x128xf32, #tpu.memory_space<vmem>> -> memref<1x64x128xf32, #tpu.memory_space<vmem>>
        %scatter3A_701 = tpu.memref_squeeze %scatter3A_700 : memref<1x64x128xf32, #tpu.memory_space<vmem>> -> memref<64x128xf32, #tpu.memory_space<vmem>>
        tpu.vector_store_idx %scatter3A_701[%shift_right_arithmetic3A_65, %add3A_697], %gather3A_696 : memref<64x128xf32, #tpu.memory_space<vmem>>[vector<16xi32>, vector<16xi32>], vector<16xf32>,
        %gather3A_702 = arith.constant 0 : i32
        %gather3A_703 = arith.constant 0 : i32
        %gather3A_704 = tpu.memref_slice %arg4[%scan3A_452, %gather3A_702, %gather3A_703] : memref<2x64x128xf32, #tpu.memory_space<vmem>> -> memref<1x64x128xf32, #tpu.memory_space<vmem>>
        %gather3A_705 = tpu.memref_squeeze %gather3A_704 : memref<1x64x128xf32, #tpu.memory_space<vmem>> -> memref<64x128xf32, #tpu.memory_space<vmem>>
        %gather3A_706 = tpu.vector_load_idx %gather3A_705[%add3A_631, %add3A_24] : memref<64x128xf32, #tpu.memory_space<vmem>>[vector<16xi32>, vector<16xi32>], vector<16xf32>,
        %add3A_707 = arith.addi %mul3A_142, %add3A_631 : vector<16xi32>
        %scatter3A_708 = arith.constant 0 : i32
        %scatter3A_709 = arith.constant 0 : i32
        %scatter3A_710 = tpu.memref_slice %arg5[%scan3A_453, %scatter3A_708, %scatter3A_709] : memref<2x64x128xf32, #tpu.memory_space<vmem>> -> memref<1x64x128xf32, #tpu.memory_space<vmem>>
        %scatter3A_711 = tpu.memref_squeeze %scatter3A_710 : memref<1x64x128xf32, #tpu.memory_space<vmem>> -> memref<64x128xf32, #tpu.memory_space<vmem>>
        tpu.vector_store_idx %scatter3A_711[%shift_right_arithmetic3A_71, %add3A_707], %gather3A_706 : memref<64x128xf32, #tpu.memory_space<vmem>>[vector<16xi32>, vector<16xi32>], vector<16xf32>,
        %add3A_712 = arith.constant 32 : i32
        %add3A_713 = vector.broadcast %add3A_712 : i32 to vector<16xi32>
        %add3A_714 = arith.addi %add3A_713, %and3A_547 : vector<16xi32>
        %gather3A_715 = arith.constant 0 : i32
        %gather3A_716 = arith.constant 0 : i32
        %gather3A_717 = tpu.memref_slice %arg4[%scan3A_452, %gather3A_715, %gather3A_716] : memref<2x64x128xf32, #tpu.memory_space<vmem>> -> memref<1x64x128xf32, #tpu.memory_space<vmem>>
        %gather3A_718 = tpu.memref_squeeze %gather3A_717 : memref<1x64x128xf32, #tpu.memory_space<vmem>> -> memref<64x128xf32, #tpu.memory_space<vmem>>
        %gather3A_719 = tpu.vector_load_idx %gather3A_718[%add3A_714, %add3A_3] : memref<64x128xf32, #tpu.memory_space<vmem>>[vector<16xi32>, vector<16xi32>], vector<16xf32>,
        %add3A_720 = arith.addi %mul3A_79, %add3A_714 : vector<16xi32>
        %scatter3A_721 = arith.constant 0 : i32
        %scatter3A_722 = arith.constant 0 : i32
        %scatter3A_723 = tpu.memref_slice %arg5[%scan3A_453, %scatter3A_721, %scatter3A_722] : memref<2x64x128xf32, #tpu.memory_space<vmem>> -> memref<1x64x128xf32, #tpu.memory_space<vmem>>
        %scatter3A_724 = tpu.memref_squeeze %scatter3A_723 : memref<1x64x128xf32, #tpu.memory_space<vmem>> -> memref<64x128xf32, #tpu.memory_space<vmem>>
        tpu.vector_store_idx %scatter3A_724[%shift_right_arithmetic3A_29, %add3A_720], %gather3A_719 : memref<64x128xf32, #tpu.memory_space<vmem>>[vector<16xi32>, vector<16xi32>], vector<16xf32>,
        %gather3A_725 = arith.constant 0 : i32
        %gather3A_726 = arith.constant 0 : i32
        %gather3A_727 = tpu.memref_slice %arg4[%scan3A_452, %gather3A_725, %gather3A_726] : memref<2x64x128xf32, #tpu.memory_space<vmem>> -> memref<1x64x128xf32, #tpu.memory_space<vmem>>
        %gather3A_728 = tpu.memref_squeeze %gather3A_727 : memref<1x64x128xf32, #tpu.memory_space<vmem>> -> memref<64x128xf32, #tpu.memory_space<vmem>>
        %gather3A_729 = tpu.vector_load_idx %gather3A_728[%add3A_714, %add3A_6] : memref<64x128xf32, #tpu.memory_space<vmem>>[vector<16xi32>, vector<16xi32>], vector<16xf32>,
        %add3A_730 = arith.addi %mul3A_88, %add3A_714 : vector<16xi32>
        %scatter3A_731 = arith.constant 0 : i32
        %scatter3A_732 = arith.constant 0 : i32
        %scatter3A_733 = tpu.memref_slice %arg5[%scan3A_453, %scatter3A_731, %scatter3A_732] : memref<2x64x128xf32, #tpu.memory_space<vmem>> -> memref<1x64x128xf32, #tpu.memory_space<vmem>>
        %scatter3A_734 = tpu.memref_squeeze %scatter3A_733 : memref<1x64x128xf32, #tpu.memory_space<vmem>> -> memref<64x128xf32, #tpu.memory_space<vmem>>
        tpu.vector_store_idx %scatter3A_734[%shift_right_arithmetic3A_35, %add3A_730], %gather3A_729 : memref<64x128xf32, #tpu.memory_space<vmem>>[vector<16xi32>, vector<16xi32>], vector<16xf32>,
        %gather3A_735 = arith.constant 0 : i32
        %gather3A_736 = arith.constant 0 : i32
        %gather3A_737 = tpu.memref_slice %arg4[%scan3A_452, %gather3A_735, %gather3A_736] : memref<2x64x128xf32, #tpu.memory_space<vmem>> -> memref<1x64x128xf32, #tpu.memory_space<vmem>>
        %gather3A_738 = tpu.memref_squeeze %gather3A_737 : memref<1x64x128xf32, #tpu.memory_space<vmem>> -> memref<64x128xf32, #tpu.memory_space<vmem>>
        %gather3A_739 = tpu.vector_load_idx %gather3A_738[%add3A_714, %add3A_9] : memref<64x128xf32, #tpu.memory_space<vmem>>[vector<16xi32>, vector<16xi32>], vector<16xf32>,
        %add3A_740 = arith.addi %mul3A_97, %add3A_714 : vector<16xi32>
        %scatter3A_741 = arith.constant 0 : i32
        %scatter3A_742 = arith.constant 0 : i32
        %scatter3A_743 = tpu.memref_slice %arg5[%scan3A_453, %scatter3A_741, %scatter3A_742] : memref<2x64x128xf32, #tpu.memory_space<vmem>> -> memref<1x64x128xf32, #tpu.memory_space<vmem>>
        %scatter3A_744 = tpu.memref_squeeze %scatter3A_743 : memref<1x64x128xf32, #tpu.memory_space<vmem>> -> memref<64x128xf32, #tpu.memory_space<vmem>>
        tpu.vector_store_idx %scatter3A_744[%shift_right_arithmetic3A_41, %add3A_740], %gather3A_739 : memref<64x128xf32, #tpu.memory_space<vmem>>[vector<16xi32>, vector<16xi32>], vector<16xf32>,
        %gather3A_745 = arith.constant 0 : i32
        %gather3A_746 = arith.constant 0 : i32
        %gather3A_747 = tpu.memref_slice %arg4[%scan3A_452, %gather3A_745, %gather3A_746] : memref<2x64x128xf32, #tpu.memory_space<vmem>> -> memref<1x64x128xf32, #tpu.memory_space<vmem>>
        %gather3A_748 = tpu.memref_squeeze %gather3A_747 : memref<1x64x128xf32, #tpu.memory_space<vmem>> -> memref<64x128xf32, #tpu.memory_space<vmem>>
        %gather3A_749 = tpu.vector_load_idx %gather3A_748[%add3A_714, %add3A_12] : memref<64x128xf32, #tpu.memory_space<vmem>>[vector<16xi32>, vector<16xi32>], vector<16xf32>,
        %add3A_750 = arith.addi %mul3A_106, %add3A_714 : vector<16xi32>
        %scatter3A_751 = arith.constant 0 : i32
        %scatter3A_752 = arith.constant 0 : i32
        %scatter3A_753 = tpu.memref_slice %arg5[%scan3A_453, %scatter3A_751, %scatter3A_752] : memref<2x64x128xf32, #tpu.memory_space<vmem>> -> memref<1x64x128xf32, #tpu.memory_space<vmem>>
        %scatter3A_754 = tpu.memref_squeeze %scatter3A_753 : memref<1x64x128xf32, #tpu.memory_space<vmem>> -> memref<64x128xf32, #tpu.memory_space<vmem>>
        tpu.vector_store_idx %scatter3A_754[%shift_right_arithmetic3A_47, %add3A_750], %gather3A_749 : memref<64x128xf32, #tpu.memory_space<vmem>>[vector<16xi32>, vector<16xi32>], vector<16xf32>,
        %gather3A_755 = arith.constant 0 : i32
        %gather3A_756 = arith.constant 0 : i32
        %gather3A_757 = tpu.memref_slice %arg4[%scan3A_452, %gather3A_755, %gather3A_756] : memref<2x64x128xf32, #tpu.memory_space<vmem>> -> memref<1x64x128xf32, #tpu.memory_space<vmem>>
        %gather3A_758 = tpu.memref_squeeze %gather3A_757 : memref<1x64x128xf32, #tpu.memory_space<vmem>> -> memref<64x128xf32, #tpu.memory_space<vmem>>
        %gather3A_759 = tpu.vector_load_idx %gather3A_758[%add3A_714, %add3A_15] : memref<64x128xf32, #tpu.memory_space<vmem>>[vector<16xi32>, vector<16xi32>], vector<16xf32>,
        %add3A_760 = arith.addi %mul3A_115, %add3A_714 : vector<16xi32>
        %scatter3A_761 = arith.constant 0 : i32
        %scatter3A_762 = arith.constant 0 : i32
        %scatter3A_763 = tpu.memref_slice %arg5[%scan3A_453, %scatter3A_761, %scatter3A_762] : memref<2x64x128xf32, #tpu.memory_space<vmem>> -> memref<1x64x128xf32, #tpu.memory_space<vmem>>
        %scatter3A_764 = tpu.memref_squeeze %scatter3A_763 : memref<1x64x128xf32, #tpu.memory_space<vmem>> -> memref<64x128xf32, #tpu.memory_space<vmem>>
        tpu.vector_store_idx %scatter3A_764[%shift_right_arithmetic3A_53, %add3A_760], %gather3A_759 : memref<64x128xf32, #tpu.memory_space<vmem>>[vector<16xi32>, vector<16xi32>], vector<16xf32>,
        %gather3A_765 = arith.constant 0 : i32
        %gather3A_766 = arith.constant 0 : i32
        %gather3A_767 = tpu.memref_slice %arg4[%scan3A_452, %gather3A_765, %gather3A_766] : memref<2x64x128xf32, #tpu.memory_space<vmem>> -> memref<1x64x128xf32, #tpu.memory_space<vmem>>
        %gather3A_768 = tpu.memref_squeeze %gather3A_767 : memref<1x64x128xf32, #tpu.memory_space<vmem>> -> memref<64x128xf32, #tpu.memory_space<vmem>>
        %gather3A_769 = tpu.vector_load_idx %gather3A_768[%add3A_714, %add3A_18] : memref<64x128xf32, #tpu.memory_space<vmem>>[vector<16xi32>, vector<16xi32>], vector<16xf32>,
        %add3A_770 = arith.addi %mul3A_124, %add3A_714 : vector<16xi32>
        %scatter3A_771 = arith.constant 0 : i32
        %scatter3A_772 = arith.constant 0 : i32
        %scatter3A_773 = tpu.memref_slice %arg5[%scan3A_453, %scatter3A_771, %scatter3A_772] : memref<2x64x128xf32, #tpu.memory_space<vmem>> -> memref<1x64x128xf32, #tpu.memory_space<vmem>>
        %scatter3A_774 = tpu.memref_squeeze %scatter3A_773 : memref<1x64x128xf32, #tpu.memory_space<vmem>> -> memref<64x128xf32, #tpu.memory_space<vmem>>
        tpu.vector_store_idx %scatter3A_774[%shift_right_arithmetic3A_59, %add3A_770], %gather3A_769 : memref<64x128xf32, #tpu.memory_space<vmem>>[vector<16xi32>, vector<16xi32>], vector<16xf32>,
        %gather3A_775 = arith.constant 0 : i32
        %gather3A_776 = arith.constant 0 : i32
        %gather3A_777 = tpu.memref_slice %arg4[%scan3A_452, %gather3A_775, %gather3A_776] : memref<2x64x128xf32, #tpu.memory_space<vmem>> -> memref<1x64x128xf32, #tpu.memory_space<vmem>>
        %gather3A_778 = tpu.memref_squeeze %gather3A_777 : memref<1x64x128xf32, #tpu.memory_space<vmem>> -> memref<64x128xf32, #tpu.memory_space<vmem>>
        %gather3A_779 = tpu.vector_load_idx %gather3A_778[%add3A_714, %add3A_21] : memref<64x128xf32, #tpu.memory_space<vmem>>[vector<16xi32>, vector<16xi32>], vector<16xf32>,
        %add3A_780 = arith.addi %mul3A_133, %add3A_714 : vector<16xi32>
        %scatter3A_781 = arith.constant 0 : i32
        %scatter3A_782 = arith.constant 0 : i32
        %scatter3A_783 = tpu.memref_slice %arg5[%scan3A_453, %scatter3A_781, %scatter3A_782] : memref<2x64x128xf32, #tpu.memory_space<vmem>> -> memref<1x64x128xf32, #tpu.memory_space<vmem>>
        %scatter3A_784 = tpu.memref_squeeze %scatter3A_783 : memref<1x64x128xf32, #tpu.memory_space<vmem>> -> memref<64x128xf32, #tpu.memory_space<vmem>>
        tpu.vector_store_idx %scatter3A_784[%shift_right_arithmetic3A_65, %add3A_780], %gather3A_779 : memref<64x128xf32, #tpu.memory_space<vmem>>[vector<16xi32>, vector<16xi32>], vector<16xf32>,
        %gather3A_785 = arith.constant 0 : i32
        %gather3A_786 = arith.constant 0 : i32
        %gather3A_787 = tpu.memref_slice %arg4[%scan3A_452, %gather3A_785, %gather3A_786] : memref<2x64x128xf32, #tpu.memory_space<vmem>> -> memref<1x64x128xf32, #tpu.memory_space<vmem>>
        %gather3A_788 = tpu.memref_squeeze %gather3A_787 : memref<1x64x128xf32, #tpu.memory_space<vmem>> -> memref<64x128xf32, #tpu.memory_space<vmem>>
        %gather3A_789 = tpu.vector_load_idx %gather3A_788[%add3A_714, %add3A_24] : memref<64x128xf32, #tpu.memory_space<vmem>>[vector<16xi32>, vector<16xi32>], vector<16xf32>,
        %add3A_790 = arith.addi %mul3A_142, %add3A_714 : vector<16xi32>
        %scatter3A_791 = arith.constant 0 : i32
        %scatter3A_792 = arith.constant 0 : i32
        %scatter3A_793 = tpu.memref_slice %arg5[%scan3A_453, %scatter3A_791, %scatter3A_792] : memref<2x64x128xf32, #tpu.memory_space<vmem>> -> memref<1x64x128xf32, #tpu.memory_space<vmem>>
        %scatter3A_794 = tpu.memref_squeeze %scatter3A_793 : memref<1x64x128xf32, #tpu.memory_space<vmem>> -> memref<64x128xf32, #tpu.memory_space<vmem>>
        tpu.vector_store_idx %scatter3A_794[%shift_right_arithmetic3A_71, %add3A_790], %gather3A_789 : memref<64x128xf32, #tpu.memory_space<vmem>>[vector<16xi32>, vector<16xi32>], vector<16xf32>,
        %add3A_795 = arith.constant 48 : i32
        %add3A_796 = vector.broadcast %add3A_795 : i32 to vector<16xi32>
        %add3A_797 = arith.addi %add3A_796, %and3A_547 : vector<16xi32>
        %gather3A_798 = arith.constant 0 : i32
        %gather3A_799 = arith.constant 0 : i32
        %gather3A_800 = tpu.memref_slice %arg4[%scan3A_452, %gather3A_798, %gather3A_799] : memref<2x64x128xf32, #tpu.memory_space<vmem>> -> memref<1x64x128xf32, #tpu.memory_space<vmem>>
        %gather3A_801 = tpu.memref_squeeze %gather3A_800 : memref<1x64x128xf32, #tpu.memory_space<vmem>> -> memref<64x128xf32, #tpu.memory_space<vmem>>
        %gather3A_802 = tpu.vector_load_idx %gather3A_801[%add3A_797, %add3A_3] : memref<64x128xf32, #tpu.memory_space<vmem>>[vector<16xi32>, vector<16xi32>], vector<16xf32>,
        %add3A_803 = arith.addi %mul3A_79, %add3A_797 : vector<16xi32>
        %scatter3A_804 = arith.constant 0 : i32
        %scatter3A_805 = arith.constant 0 : i32
        %scatter3A_806 = tpu.memref_slice %arg5[%scan3A_453, %scatter3A_804, %scatter3A_805] : memref<2x64x128xf32, #tpu.memory_space<vmem>> -> memref<1x64x128xf32, #tpu.memory_space<vmem>>
        %scatter3A_807 = tpu.memref_squeeze %scatter3A_806 : memref<1x64x128xf32, #tpu.memory_space<vmem>> -> memref<64x128xf32, #tpu.memory_space<vmem>>
        tpu.vector_store_idx %scatter3A_807[%shift_right_arithmetic3A_29, %add3A_803], %gather3A_802 : memref<64x128xf32, #tpu.memory_space<vmem>>[vector<16xi32>, vector<16xi32>], vector<16xf32>,
        %gather3A_808 = arith.constant 0 : i32
        %gather3A_809 = arith.constant 0 : i32
        %gather3A_810 = tpu.memref_slice %arg4[%scan3A_452, %gather3A_808, %gather3A_809] : memref<2x64x128xf32, #tpu.memory_space<vmem>> -> memref<1x64x128xf32, #tpu.memory_space<vmem>>
        %gather3A_811 = tpu.memref_squeeze %gather3A_810 : memref<1x64x128xf32, #tpu.memory_space<vmem>> -> memref<64x128xf32, #tpu.memory_space<vmem>>
        %gather3A_812 = tpu.vector_load_idx %gather3A_811[%add3A_797, %add3A_6] : memref<64x128xf32, #tpu.memory_space<vmem>>[vector<16xi32>, vector<16xi32>], vector<16xf32>,
        %add3A_813 = arith.addi %mul3A_88, %add3A_797 : vector<16xi32>
        %scatter3A_814 = arith.constant 0 : i32
        %scatter3A_815 = arith.constant 0 : i32
        %scatter3A_816 = tpu.memref_slice %arg5[%scan3A_453, %scatter3A_814, %scatter3A_815] : memref<2x64x128xf32, #tpu.memory_space<vmem>> -> memref<1x64x128xf32, #tpu.memory_space<vmem>>
        %scatter3A_817 = tpu.memref_squeeze %scatter3A_816 : memref<1x64x128xf32, #tpu.memory_space<vmem>> -> memref<64x128xf32, #tpu.memory_space<vmem>>
        tpu.vector_store_idx %scatter3A_817[%shift_right_arithmetic3A_35, %add3A_813], %gather3A_812 : memref<64x128xf32, #tpu.memory_space<vmem>>[vector<16xi32>, vector<16xi32>], vector<16xf32>,
        %gather3A_818 = arith.constant 0 : i32
        %gather3A_819 = arith.constant 0 : i32
        %gather3A_820 = tpu.memref_slice %arg4[%scan3A_452, %gather3A_818, %gather3A_819] : memref<2x64x128xf32, #tpu.memory_space<vmem>> -> memref<1x64x128xf32, #tpu.memory_space<vmem>>
        %gather3A_821 = tpu.memref_squeeze %gather3A_820 : memref<1x64x128xf32, #tpu.memory_space<vmem>> -> memref<64x128xf32, #tpu.memory_space<vmem>>
        %gather3A_822 = tpu.vector_load_idx %gather3A_821[%add3A_797, %add3A_9] : memref<64x128xf32, #tpu.memory_space<vmem>>[vector<16xi32>, vector<16xi32>], vector<16xf32>,
        %add3A_823 = arith.addi %mul3A_97, %add3A_797 : vector<16xi32>
        %scatter3A_824 = arith.constant 0 : i32
        %scatter3A_825 = arith.constant 0 : i32
        %scatter3A_826 = tpu.memref_slice %arg5[%scan3A_453, %scatter3A_824, %scatter3A_825] : memref<2x64x128xf32, #tpu.memory_space<vmem>> -> memref<1x64x128xf32, #tpu.memory_space<vmem>>
        %scatter3A_827 = tpu.memref_squeeze %scatter3A_826 : memref<1x64x128xf32, #tpu.memory_space<vmem>> -> memref<64x128xf32, #tpu.memory_space<vmem>>
        tpu.vector_store_idx %scatter3A_827[%shift_right_arithmetic3A_41, %add3A_823], %gather3A_822 : memref<64x128xf32, #tpu.memory_space<vmem>>[vector<16xi32>, vector<16xi32>], vector<16xf32>,
        %gather3A_828 = arith.constant 0 : i32
        %gather3A_829 = arith.constant 0 : i32
        %gather3A_830 = tpu.memref_slice %arg4[%scan3A_452, %gather3A_828, %gather3A_829] : memref<2x64x128xf32, #tpu.memory_space<vmem>> -> memref<1x64x128xf32, #tpu.memory_space<vmem>>
        %gather3A_831 = tpu.memref_squeeze %gather3A_830 : memref<1x64x128xf32, #tpu.memory_space<vmem>> -> memref<64x128xf32, #tpu.memory_space<vmem>>
        %gather3A_832 = tpu.vector_load_idx %gather3A_831[%add3A_797, %add3A_12] : memref<64x128xf32, #tpu.memory_space<vmem>>[vector<16xi32>, vector<16xi32>], vector<16xf32>,
        %add3A_833 = arith.addi %mul3A_106, %add3A_797 : vector<16xi32>
        %scatter3A_834 = arith.constant 0 : i32
        %scatter3A_835 = arith.constant 0 : i32
        %scatter3A_836 = tpu.memref_slice %arg5[%scan3A_453, %scatter3A_834, %scatter3A_835] : memref<2x64x128xf32, #tpu.memory_space<vmem>> -> memref<1x64x128xf32, #tpu.memory_space<vmem>>
        %scatter3A_837 = tpu.memref_squeeze %scatter3A_836 : memref<1x64x128xf32, #tpu.memory_space<vmem>> -> memref<64x128xf32, #tpu.memory_space<vmem>>
        tpu.vector_store_idx %scatter3A_837[%shift_right_arithmetic3A_47, %add3A_833], %gather3A_832 : memref<64x128xf32, #tpu.memory_space<vmem>>[vector<16xi32>, vector<16xi32>], vector<16xf32>,
        %gather3A_838 = arith.constant 0 : i32
        %gather3A_839 = arith.constant 0 : i32
        %gather3A_840 = tpu.memref_slice %arg4[%scan3A_452, %gather3A_838, %gather3A_839] : memref<2x64x128xf32, #tpu.memory_space<vmem>> -> memref<1x64x128xf32, #tpu.memory_space<vmem>>
        %gather3A_841 = tpu.memref_squeeze %gather3A_840 : memref<1x64x128xf32, #tpu.memory_space<vmem>> -> memref<64x128xf32, #tpu.memory_space<vmem>>
        %gather3A_842 = tpu.vector_load_idx %gather3A_841[%add3A_797, %add3A_15] : memref<64x128xf32, #tpu.memory_space<vmem>>[vector<16xi32>, vector<16xi32>], vector<16xf32>,
        %add3A_843 = arith.addi %mul3A_115, %add3A_797 : vector<16xi32>
        %scatter3A_844 = arith.constant 0 : i32
        %scatter3A_845 = arith.constant 0 : i32
        %scatter3A_846 = tpu.memref_slice %arg5[%scan3A_453, %scatter3A_844, %scatter3A_845] : memref<2x64x128xf32, #tpu.memory_space<vmem>> -> memref<1x64x128xf32, #tpu.memory_space<vmem>>
        %scatter3A_847 = tpu.memref_squeeze %scatter3A_846 : memref<1x64x128xf32, #tpu.memory_space<vmem>> -> memref<64x128xf32, #tpu.memory_space<vmem>>
        tpu.vector_store_idx %scatter3A_847[%shift_right_arithmetic3A_53, %add3A_843], %gather3A_842 : memref<64x128xf32, #tpu.memory_space<vmem>>[vector<16xi32>, vector<16xi32>], vector<16xf32>,
        %gather3A_848 = arith.constant 0 : i32
        %gather3A_849 = arith.constant 0 : i32
        %gather3A_850 = tpu.memref_slice %arg4[%scan3A_452, %gather3A_848, %gather3A_849] : memref<2x64x128xf32, #tpu.memory_space<vmem>> -> memref<1x64x128xf32, #tpu.memory_space<vmem>>
        %gather3A_851 = tpu.memref_squeeze %gather3A_850 : memref<1x64x128xf32, #tpu.memory_space<vmem>> -> memref<64x128xf32, #tpu.memory_space<vmem>>
        %gather3A_852 = tpu.vector_load_idx %gather3A_851[%add3A_797, %add3A_18] : memref<64x128xf32, #tpu.memory_space<vmem>>[vector<16xi32>, vector<16xi32>], vector<16xf32>,
        %add3A_853 = arith.addi %mul3A_124, %add3A_797 : vector<16xi32>
        %scatter3A_854 = arith.constant 0 : i32
        %scatter3A_855 = arith.constant 0 : i32
        %scatter3A_856 = tpu.memref_slice %arg5[%scan3A_453, %scatter3A_854, %scatter3A_855] : memref<2x64x128xf32, #tpu.memory_space<vmem>> -> memref<1x64x128xf32, #tpu.memory_space<vmem>>
        %scatter3A_857 = tpu.memref_squeeze %scatter3A_856 : memref<1x64x128xf32, #tpu.memory_space<vmem>> -> memref<64x128xf32, #tpu.memory_space<vmem>>
        tpu.vector_store_idx %scatter3A_857[%shift_right_arithmetic3A_59, %add3A_853], %gather3A_852 : memref<64x128xf32, #tpu.memory_space<vmem>>[vector<16xi32>, vector<16xi32>], vector<16xf32>,
        %gather3A_858 = arith.constant 0 : i32
        %gather3A_859 = arith.constant 0 : i32
        %gather3A_860 = tpu.memref_slice %arg4[%scan3A_452, %gather3A_858, %gather3A_859] : memref<2x64x128xf32, #tpu.memory_space<vmem>> -> memref<1x64x128xf32, #tpu.memory_space<vmem>>
        %gather3A_861 = tpu.memref_squeeze %gather3A_860 : memref<1x64x128xf32, #tpu.memory_space<vmem>> -> memref<64x128xf32, #tpu.memory_space<vmem>>
        %gather3A_862 = tpu.vector_load_idx %gather3A_861[%add3A_797, %add3A_21] : memref<64x128xf32, #tpu.memory_space<vmem>>[vector<16xi32>, vector<16xi32>], vector<16xf32>,
        %add3A_863 = arith.addi %mul3A_133, %add3A_797 : vector<16xi32>
        %scatter3A_864 = arith.constant 0 : i32
        %scatter3A_865 = arith.constant 0 : i32
        %scatter3A_866 = tpu.memref_slice %arg5[%scan3A_453, %scatter3A_864, %scatter3A_865] : memref<2x64x128xf32, #tpu.memory_space<vmem>> -> memref<1x64x128xf32, #tpu.memory_space<vmem>>
        %scatter3A_867 = tpu.memref_squeeze %scatter3A_866 : memref<1x64x128xf32, #tpu.memory_space<vmem>> -> memref<64x128xf32, #tpu.memory_space<vmem>>
        tpu.vector_store_idx %scatter3A_867[%shift_right_arithmetic3A_65, %add3A_863], %gather3A_862 : memref<64x128xf32, #tpu.memory_space<vmem>>[vector<16xi32>, vector<16xi32>], vector<16xf32>,
        %gather3A_868 = arith.constant 0 : i32
        %gather3A_869 = arith.constant 0 : i32
        %gather3A_870 = tpu.memref_slice %arg4[%scan3A_452, %gather3A_868, %gather3A_869] : memref<2x64x128xf32, #tpu.memory_space<vmem>> -> memref<1x64x128xf32, #tpu.memory_space<vmem>>
        %gather3A_871 = tpu.memref_squeeze %gather3A_870 : memref<1x64x128xf32, #tpu.memory_space<vmem>> -> memref<64x128xf32, #tpu.memory_space<vmem>>
        %gather3A_872 = tpu.vector_load_idx %gather3A_871[%add3A_797, %add3A_24] : memref<64x128xf32, #tpu.memory_space<vmem>>[vector<16xi32>, vector<16xi32>], vector<16xf32>,
        %add3A_873 = arith.addi %mul3A_142, %add3A_797 : vector<16xi32>
        %scatter3A_874 = arith.constant 0 : i32
        %scatter3A_875 = arith.constant 0 : i32
        %scatter3A_876 = tpu.memref_slice %arg5[%scan3A_453, %scatter3A_874, %scatter3A_875] : memref<2x64x128xf32, #tpu.memory_space<vmem>> -> memref<1x64x128xf32, #tpu.memory_space<vmem>>
        %scatter3A_877 = tpu.memref_squeeze %scatter3A_876 : memref<1x64x128xf32, #tpu.memory_space<vmem>> -> memref<64x128xf32, #tpu.memory_space<vmem>>
        tpu.vector_store_idx %scatter3A_877[%shift_right_arithmetic3A_71, %add3A_873], %gather3A_872 : memref<64x128xf32, #tpu.memory_space<vmem>>[vector<16xi32>, vector<16xi32>], vector<16xf32>,
        %scan3A_878 = arith.constant 0 : i32
        scf.yield %scan3A_878 : i32
      }
      %scan3A_460 = arith.constant 16 : i32
      %mul3A_461 = arith.constant 246 : i32
      %mul3A_462 = arith.muli %add3A, %mul3A_461 : i32
      %add3A_463 = arith.addi %mul3A_462, %add3A_307 : i32
      %min3A_464 = arith.constant 7812 : i32
      %min3A_465 = arith.minsi %add3A_463, %min3A_464 : i32
      %mul3A_466 = arith.constant 64 : i32
      %mul3A_467 = arith.muli %min3A_465, %mul3A_466 : i32
      %dma_start3A_468 = arith.constant 0 : i32
      %dma_start3A_469 = arith.constant 0 : i32
      %dma_start3A_470 = arith.constant 0 : i32
      %dma_start3A_471 = tpu.memref_slice %arg5[%dma_start3A_468, %dma_start3A_469, %dma_start3A_470] : memref<2x64x128xf32, #tpu.memory_space<vmem>> -> memref<1x64x128xf32, #tpu.memory_space<vmem>>
      %dma_start3A_472 = tpu.memref_squeeze %dma_start3A_471 : memref<1x64x128xf32, #tpu.memory_space<vmem>> -> memref<64x128xf32, #tpu.memory_space<vmem>>
      %dma_start3A_473 = arith.constant 0 : i32
      %dma_start3A_474 = tpu.memref_slice %arg3[%mul3A_467, %dma_start3A_473] : memref<500032x128xf32, #tpu.memory_space<hbm>> -> memref<64x128xf32, #tpu.memory_space<hbm>>
      %dma_start3A_475 = arith.constant 0 : i32
      %dma_start3A_476 = tpu.memref_slice %arg3[%mul3A_467, %dma_start3A_475] : memref<500032x128xf32, #tpu.memory_space<hbm>> -> memref<64x128xf32, #tpu.memory_space<hbm>>
      %dma_start3A_477 = arith.constant 0 : i32
      %dma_start3A_478 = arith.constant 0 : i32
      %dma_start3A_479 = tpu.memref_slice %arg5[%dma_start3A_468, %dma_start3A_477, %dma_start3A_478] : memref<2x64x128xf32, #tpu.memory_space<vmem>> -> memref<1x64x128xf32, #tpu.memory_space<vmem>>
      %dma_start3A_480 = tpu.memref_squeeze %dma_start3A_479 : memref<1x64x128xf32, #tpu.memory_space<vmem>> -> memref<64x128xf32, #tpu.memory_space<vmem>>
      tpu.enqueue_dma source(%dma_start3A_480 : memref<64x128xf32, #tpu.memory_space<vmem>>) target(%dma_start3A_476 : memref<64x128xf32, #tpu.memory_space<hbm>>) target_semaphore(%arg8 : memref<!tpu.dma_semaphore, #tpu.memory_space<semaphore_mem>>)
      %mul3A_481 = arith.constant 2 : i32
      %mul3A_482 = arith.muli %mul3A_481, %scan3A_302 : i32
      %add3A_483 = arith.constant 1 : i32
      %add3A_484 = arith.addi %mul3A_482, %add3A_483 : i32
      %dma_wait3A_485 = arith.constant 1 : i32
      %dma_wait3A_486 = arith.constant 0 : i32
      %dma_wait3A_487 = arith.constant 0 : i32
      %dma_wait3A_488 = tpu.memref_slice %arg4[%dma_wait3A_485, %dma_wait3A_486, %dma_wait3A_487] : memref<2x64x128xf32, #tpu.memory_space<vmem>> -> memref<1x64x128xf32, #tpu.memory_space<vmem>>
      %dma_wait3A_489 = tpu.memref_squeeze %dma_wait3A_488 : memref<1x64x128xf32, #tpu.memory_space<vmem>> -> memref<64x128xf32, #tpu.memory_space<vmem>>
      %dma_wait3A_490 = arith.constant 0 : i32
      %dma_wait3A_491 = arith.constant 0 : i32
      %dma_wait3A_492 = tpu.memref_slice %arg3[%dma_wait3A_490, %dma_wait3A_491] : memref<500032x128xf32, #tpu.memory_space<hbm>> -> memref<64x128xf32, #tpu.memory_space<hbm>>
      %dma_wait3A_493 = arith.constant 0 : i32
      %dma_wait3A_494 = arith.constant 0 : i32
      %dma_wait3A_495 = tpu.memref_slice %arg4[%dma_wait3A_485, %dma_wait3A_493, %dma_wait3A_494] : memref<2x64x128xf32, #tpu.memory_space<vmem>> -> memref<1x64x128xf32, #tpu.memory_space<vmem>>
      %dma_wait3A_496 = tpu.memref_squeeze %dma_wait3A_495 : memref<1x64x128xf32, #tpu.memory_space<vmem>> -> memref<64x128xf32, #tpu.memory_space<vmem>>
      %dma_wait3A_497 = arith.constant 0 : i32
      %dma_wait3A_498 = arith.constant 0 : i32
      %dma_wait3A_499 = tpu.memref_slice %arg3[%dma_wait3A_497, %dma_wait3A_498] : memref<500032x128xf32, #tpu.memory_space<hbm>> -> memref<64x128xf32, #tpu.memory_space<hbm>>
      tpu.wait_dma2 semaphore(%arg7 : memref<!tpu.dma_semaphore, #tpu.memory_space<semaphore_mem>>) src(%dma_wait3A_499 : memref<64x128xf32, #tpu.memory_space<hbm>>) dst(%dma_wait3A_496 : memref<64x128xf32, #tpu.memory_space<vmem>>)
      %add3A_500 = arith.constant 1 : i32
      %add3A_501 = arith.addi %scan3A_302, %add3A_500 : i32
      %lt3A = arith.constant 123 : i32
      %lt3A_502 = arith.cmpi slt, %add3A_501, %lt3A : i32
      %convert_element_type3A_503 = arith.extui %lt3A_502 : i1 to i32
      %cond3A_504 = arith.constant 0 : i32
      %cond3A_505 = arith.cmpi ne, %convert_element_type3A_503, %cond3A_504 : i32
      scf.if %cond3A_505 {
        %add3A_541 = arith.constant 1 : i32
        %add3A_542 = arith.addi %add3A_484, %add3A_541 : i32
        %mul3A_543 = arith.constant 246 : i32
        %mul3A_544 = arith.muli %add3A, %mul3A_543 : i32
        %add3A_545 = arith.addi %mul3A_544, %add3A_542 : i32
        %min3A_546 = arith.constant 7812 : i32
        %min3A_547 = arith.minsi %add3A_545, %min3A_546 : i32
        %mul3A_548 = arith.constant 128 : i32
        %mul3A_549 = arith.muli %min3A_547, %mul3A_548 : i32
        %dma_start3A_550 = arith.constant 0 : i32
        %dma_start3A_551 = arith.constant 0 : i32
        %dma_start3A_552 = arith.constant 0 : i32
        %dma_start3A_553 = tpu.memref_slice %arg4[%dma_start3A_550, %dma_start3A_551, %dma_start3A_552] : memref<2x64x128xf32, #tpu.memory_space<vmem>> -> memref<1x8x128xf32, #tpu.memory_space<vmem>>
        %dma_start3A_554 = tpu.memref_squeeze %dma_start3A_553 : memref<1x8x128xf32, #tpu.memory_space<vmem>> -> memref<8x128xf32, #tpu.memory_space<vmem>>
        %dma_start3A_555 = arith.constant 0 : i32
        %dma_start3A_556 = tpu.memref_slice %arg2[%dma_start3A_555, %mul3A_549] : memref<64x1000000xf32, #tpu.memory_space<hbm>> -> memref<8x128xf32, #tpu.memory_space<hbm>>
        %dma_start3A_557 = arith.constant 0 : i32
        %dma_start3A_558 = arith.constant 0 : i32
        %dma_start3A_559 = tpu.memref_slice %arg4[%dma_start3A_550, %dma_start3A_557, %dma_start3A_558] : memref<2x64x128xf32, #tpu.memory_space<vmem>> -> memref<1x8x128xf32, #tpu.memory_space<vmem>>
        %dma_start3A_560 = tpu.memref_squeeze %dma_start3A_559 : memref<1x8x128xf32, #tpu.memory_space<vmem>> -> memref<8x128xf32, #tpu.memory_space<vmem>>
        %dma_start3A_561 = arith.constant 0 : i32
        %dma_start3A_562 = tpu.memref_slice %arg2[%dma_start3A_561, %mul3A_549] : memref<64x1000000xf32, #tpu.memory_space<hbm>> -> memref<8x128xf32, #tpu.memory_space<hbm>>
        tpu.enqueue_dma source(%dma_start3A_562 : memref<8x128xf32, #tpu.memory_space<hbm>>) target(%dma_start3A_560 : memref<8x128xf32, #tpu.memory_space<vmem>>) target_semaphore(%arg6 : memref<!tpu.dma_semaphore, #tpu.memory_space<semaphore_mem>>)
        %mul3A_563 = arith.constant 128 : i32
        %mul3A_564 = arith.muli %min3A_547, %mul3A_563 : i32
        %dma_start3A_565 = arith.constant 0 : i32
        %dma_start3A_566 = arith.constant 8 : i32
        %dma_start3A_567 = arith.constant 0 : i32
        %dma_start3A_568 = tpu.memref_slice %arg4[%dma_start3A_565, %dma_start3A_566, %dma_start3A_567] : memref<2x64x128xf32, #tpu.memory_space<vmem>> -> memref<1x8x128xf32, #tpu.memory_space<vmem>>
        %dma_start3A_569 = tpu.memref_squeeze %dma_start3A_568 : memref<1x8x128xf32, #tpu.memory_space<vmem>> -> memref<8x128xf32, #tpu.memory_space<vmem>>
        %dma_start3A_570 = arith.constant 8 : i32
        %dma_start3A_571 = tpu.memref_slice %arg2[%dma_start3A_570, %mul3A_564] : memref<64x1000000xf32, #tpu.memory_space<hbm>> -> memref<8x128xf32, #tpu.memory_space<hbm>>
        %dma_start3A_572 = arith.constant 8 : i32
        %dma_start3A_573 = arith.constant 0 : i32
        %dma_start3A_574 = tpu.memref_slice %arg4[%dma_start3A_565, %dma_start3A_572, %dma_start3A_573] : memref<2x64x128xf32, #tpu.memory_space<vmem>> -> memref<1x8x128xf32, #tpu.memory_space<vmem>>
        %dma_start3A_575 = tpu.memref_squeeze %dma_start3A_574 : memref<1x8x128xf32, #tpu.memory_space<vmem>> -> memref<8x128xf32, #tpu.memory_space<vmem>>
        %dma_start3A_576 = arith.constant 8 : i32
        %dma_start3A_577 = tpu.memref_slice %arg2[%dma_start3A_576, %mul3A_564] : memref<64x1000000xf32, #tpu.memory_space<hbm>> -> memref<8x128xf32, #tpu.memory_space<hbm>>
        tpu.enqueue_dma source(%dma_start3A_577 : memref<8x128xf32, #tpu.memory_space<hbm>>) target(%dma_start3A_575 : memref<8x128xf32, #tpu.memory_space<vmem>>) target_semaphore(%arg6 : memref<!tpu.dma_semaphore, #tpu.memory_space<semaphore_mem>>)
        %mul3A_578 = arith.constant 128 : i32
        %mul3A_579 = arith.muli %min3A_547, %mul3A_578 : i32
        %dma_start3A_580 = arith.constant 0 : i32
        %dma_start3A_581 = arith.constant 16 : i32
        %dma_start3A_582 = arith.constant 0 : i32
        %dma_start3A_583 = tpu.memref_slice %arg4[%dma_start3A_580, %dma_start3A_581, %dma_start3A_582] : memref<2x64x128xf32, #tpu.memory_space<vmem>> -> memref<1x8x128xf32, #tpu.memory_space<vmem>>
        %dma_start3A_584 = tpu.memref_squeeze %dma_start3A_583 : memref<1x8x128xf32, #tpu.memory_space<vmem>> -> memref<8x128xf32, #tpu.memory_space<vmem>>
        %dma_start3A_585 = arith.constant 16 : i32
        %dma_start3A_586 = tpu.memref_slice %arg2[%dma_start3A_585, %mul3A_579] : memref<64x1000000xf32, #tpu.memory_space<hbm>> -> memref<8x128xf32, #tpu.memory_space<hbm>>
        %dma_start3A_587 = arith.constant 16 : i32
        %dma_start3A_588 = arith.constant 0 : i32
        %dma_start3A_589 = tpu.memref_slice %arg4[%dma_start3A_580, %dma_start3A_587, %dma_start3A_588] : memref<2x64x128xf32, #tpu.memory_space<vmem>> -> memref<1x8x128xf32, #tpu.memory_space<vmem>>
        %dma_start3A_590 = tpu.memref_squeeze %dma_start3A_589 : memref<1x8x128xf32, #tpu.memory_space<vmem>> -> memref<8x128xf32, #tpu.memory_space<vmem>>
        %dma_start3A_591 = arith.constant 16 : i32
        %dma_start3A_592 = tpu.memref_slice %arg2[%dma_start3A_591, %mul3A_579] : memref<64x1000000xf32, #tpu.memory_space<hbm>> -> memref<8x128xf32, #tpu.memory_space<hbm>>
        tpu.enqueue_dma source(%dma_start3A_592 : memref<8x128xf32, #tpu.memory_space<hbm>>) target(%dma_start3A_590 : memref<8x128xf32, #tpu.memory_space<vmem>>) target_semaphore(%arg6 : memref<!tpu.dma_semaphore, #tpu.memory_space<semaphore_mem>>)
        %mul3A_593 = arith.constant 128 : i32
        %mul3A_594 = arith.muli %min3A_547, %mul3A_593 : i32
        %dma_start3A_595 = arith.constant 0 : i32
        %dma_start3A_596 = arith.constant 24 : i32
        %dma_start3A_597 = arith.constant 0 : i32
        %dma_start3A_598 = tpu.memref_slice %arg4[%dma_start3A_595, %dma_start3A_596, %dma_start3A_597] : memref<2x64x128xf32, #tpu.memory_space<vmem>> -> memref<1x8x128xf32, #tpu.memory_space<vmem>>
        %dma_start3A_599 = tpu.memref_squeeze %dma_start3A_598 : memref<1x8x128xf32, #tpu.memory_space<vmem>> -> memref<8x128xf32, #tpu.memory_space<vmem>>
        %dma_start3A_600 = arith.constant 24 : i32
        %dma_start3A_601 = tpu.memref_slice %arg2[%dma_start3A_600, %mul3A_594] : memref<64x1000000xf32, #tpu.memory_space<hbm>> -> memref<8x128xf32, #tpu.memory_space<hbm>>
        %dma_start3A_602 = arith.constant 24 : i32
        %dma_start3A_603 = arith.constant 0 : i32
        %dma_start3A_604 = tpu.memref_slice %arg4[%dma_start3A_595, %dma_start3A_602, %dma_start3A_603] : memref<2x64x128xf32, #tpu.memory_space<vmem>> -> memref<1x8x128xf32, #tpu.memory_space<vmem>>
        %dma_start3A_605 = tpu.memref_squeeze %dma_start3A_604 : memref<1x8x128xf32, #tpu.memory_space<vmem>> -> memref<8x128xf32, #tpu.memory_space<vmem>>
        %dma_start3A_606 = arith.constant 24 : i32
        %dma_start3A_607 = tpu.memref_slice %arg2[%dma_start3A_606, %mul3A_594] : memref<64x1000000xf32, #tpu.memory_space<hbm>> -> memref<8x128xf32, #tpu.memory_space<hbm>>
        tpu.enqueue_dma source(%dma_start3A_607 : memref<8x128xf32, #tpu.memory_space<hbm>>) target(%dma_start3A_605 : memref<8x128xf32, #tpu.memory_space<vmem>>) target_semaphore(%arg6 : memref<!tpu.dma_semaphore, #tpu.memory_space<semaphore_mem>>)
        %mul3A_608 = arith.constant 128 : i32
        %mul3A_609 = arith.muli %min3A_547, %mul3A_608 : i32
        %dma_start3A_610 = arith.constant 0 : i32
        %dma_start3A_611 = arith.constant 32 : i32
        %dma_start3A_612 = arith.constant 0 : i32
        %dma_start3A_613 = tpu.memref_slice %arg4[%dma_start3A_610, %dma_start3A_611, %dma_start3A_612] : memref<2x64x128xf32, #tpu.memory_space<vmem>> -> memref<1x8x128xf32, #tpu.memory_space<vmem>>
        %dma_start3A_614 = tpu.memref_squeeze %dma_start3A_613 : memref<1x8x128xf32, #tpu.memory_space<vmem>> -> memref<8x128xf32, #tpu.memory_space<vmem>>
        %dma_start3A_615 = arith.constant 32 : i32
        %dma_start3A_616 = tpu.memref_slice %arg2[%dma_start3A_615, %mul3A_609] : memref<64x1000000xf32, #tpu.memory_space<hbm>> -> memref<8x128xf32, #tpu.memory_space<hbm>>
        %dma_start3A_617 = arith.constant 32 : i32
        %dma_start3A_618 = arith.constant 0 : i32
        %dma_start3A_619 = tpu.memref_slice %arg4[%dma_start3A_610, %dma_start3A_617, %dma_start3A_618] : memref<2x64x128xf32, #tpu.memory_space<vmem>> -> memref<1x8x128xf32, #tpu.memory_space<vmem>>
        %dma_start3A_620 = tpu.memref_squeeze %dma_start3A_619 : memref<1x8x128xf32, #tpu.memory_space<vmem>> -> memref<8x128xf32, #tpu.memory_space<vmem>>
        %dma_start3A_621 = arith.constant 32 : i32
        %dma_start3A_622 = tpu.memref_slice %arg2[%dma_start3A_621, %mul3A_609] : memref<64x1000000xf32, #tpu.memory_space<hbm>> -> memref<8x128xf32, #tpu.memory_space<hbm>>
        tpu.enqueue_dma source(%dma_start3A_622 : memref<8x128xf32, #tpu.memory_space<hbm>>) target(%dma_start3A_620 : memref<8x128xf32, #tpu.memory_space<vmem>>) target_semaphore(%arg6 : memref<!tpu.dma_semaphore, #tpu.memory_space<semaphore_mem>>)
        %mul3A_623 = arith.constant 128 : i32
        %mul3A_624 = arith.muli %min3A_547, %mul3A_623 : i32
        %dma_start3A_625 = arith.constant 0 : i32
        %dma_start3A_626 = arith.constant 40 : i32
        %dma_start3A_627 = arith.constant 0 : i32
        %dma_start3A_628 = tpu.memref_slice %arg4[%dma_start3A_625, %dma_start3A_626, %dma_start3A_627] : memref<2x64x128xf32, #tpu.memory_space<vmem>> -> memref<1x8x128xf32, #tpu.memory_space<vmem>>
        %dma_start3A_629 = tpu.memref_squeeze %dma_start3A_628 : memref<1x8x128xf32, #tpu.memory_space<vmem>> -> memref<8x128xf32, #tpu.memory_space<vmem>>
        %dma_start3A_630 = arith.constant 40 : i32
        %dma_start3A_631 = tpu.memref_slice %arg2[%dma_start3A_630, %mul3A_624] : memref<64x1000000xf32, #tpu.memory_space<hbm>> -> memref<8x128xf32, #tpu.memory_space<hbm>>
        %dma_start3A_632 = arith.constant 40 : i32
        %dma_start3A_633 = arith.constant 0 : i32
        %dma_start3A_634 = tpu.memref_slice %arg4[%dma_start3A_625, %dma_start3A_632, %dma_start3A_633] : memref<2x64x128xf32, #tpu.memory_space<vmem>> -> memref<1x8x128xf32, #tpu.memory_space<vmem>>
        %dma_start3A_635 = tpu.memref_squeeze %dma_start3A_634 : memref<1x8x128xf32, #tpu.memory_space<vmem>> -> memref<8x128xf32, #tpu.memory_space<vmem>>
        %dma_start3A_636 = arith.constant 40 : i32
        %dma_start3A_637 = tpu.memref_slice %arg2[%dma_start3A_636, %mul3A_624] : memref<64x1000000xf32, #tpu.memory_space<hbm>> -> memref<8x128xf32, #tpu.memory_space<hbm>>
        tpu.enqueue_dma source(%dma_start3A_637 : memref<8x128xf32, #tpu.memory_space<hbm>>) target(%dma_start3A_635 : memref<8x128xf32, #tpu.memory_space<vmem>>) target_semaphore(%arg6 : memref<!tpu.dma_semaphore, #tpu.memory_space<semaphore_mem>>)
        %mul3A_638 = arith.constant 128 : i32
        %mul3A_639 = arith.muli %min3A_547, %mul3A_638 : i32
        %dma_start3A_640 = arith.constant 0 : i32
        %dma_start3A_641 = arith.constant 48 : i32
        %dma_start3A_642 = arith.constant 0 : i32
        %dma_start3A_643 = tpu.memref_slice %arg4[%dma_start3A_640, %dma_start3A_641, %dma_start3A_642] : memref<2x64x128xf32, #tpu.memory_space<vmem>> -> memref<1x8x128xf32, #tpu.memory_space<vmem>>
        %dma_start3A_644 = tpu.memref_squeeze %dma_start3A_643 : memref<1x8x128xf32, #tpu.memory_space<vmem>> -> memref<8x128xf32, #tpu.memory_space<vmem>>
        %dma_start3A_645 = arith.constant 48 : i32
        %dma_start3A_646 = tpu.memref_slice %arg2[%dma_start3A_645, %mul3A_639] : memref<64x1000000xf32, #tpu.memory_space<hbm>> -> memref<8x128xf32, #tpu.memory_space<hbm>>
        %dma_start3A_647 = arith.constant 48 : i32
        %dma_start3A_648 = arith.constant 0 : i32
        %dma_start3A_649 = tpu.memref_slice %arg4[%dma_start3A_640, %dma_start3A_647, %dma_start3A_648] : memref<2x64x128xf32, #tpu.memory_space<vmem>> -> memref<1x8x128xf32, #tpu.memory_space<vmem>>
        %dma_start3A_650 = tpu.memref_squeeze %dma_start3A_649 : memref<1x8x128xf32, #tpu.memory_space<vmem>> -> memref<8x128xf32, #tpu.memory_space<vmem>>
        %dma_start3A_651 = arith.constant 48 : i32
        %dma_start3A_652 = tpu.memref_slice %arg2[%dma_start3A_651, %mul3A_639] : memref<64x1000000xf32, #tpu.memory_space<hbm>> -> memref<8x128xf32, #tpu.memory_space<hbm>>
        tpu.enqueue_dma source(%dma_start3A_652 : memref<8x128xf32, #tpu.memory_space<hbm>>) target(%dma_start3A_650 : memref<8x128xf32, #tpu.memory_space<vmem>>) target_semaphore(%arg6 : memref<!tpu.dma_semaphore, #tpu.memory_space<semaphore_mem>>)
        %mul3A_653 = arith.constant 128 : i32
        %mul3A_654 = arith.muli %min3A_547, %mul3A_653 : i32
        %dma_start3A_655 = arith.constant 0 : i32
        %dma_start3A_656 = arith.constant 56 : i32
        %dma_start3A_657 = arith.constant 0 : i32
        %dma_start3A_658 = tpu.memref_slice %arg4[%dma_start3A_655, %dma_start3A_656, %dma_start3A_657] : memref<2x64x128xf32, #tpu.memory_space<vmem>> -> memref<1x8x128xf32, #tpu.memory_space<vmem>>
        %dma_start3A_659 = tpu.memref_squeeze %dma_start3A_658 : memref<1x8x128xf32, #tpu.memory_space<vmem>> -> memref<8x128xf32, #tpu.memory_space<vmem>>
        %dma_start3A_660 = arith.constant 56 : i32
        %dma_start3A_661 = tpu.memref_slice %arg2[%dma_start3A_660, %mul3A_654] : memref<64x1000000xf32, #tpu.memory_space<hbm>> -> memref<8x128xf32, #tpu.memory_space<hbm>>
        %dma_start3A_662 = arith.constant 56 : i32
        %dma_start3A_663 = arith.constant 0 : i32
        %dma_start3A_664 = tpu.memref_slice %arg4[%dma_start3A_655, %dma_start3A_662, %dma_start3A_663] : memref<2x64x128xf32, #tpu.memory_space<vmem>> -> memref<1x8x128xf32, #tpu.memory_space<vmem>>
        %dma_start3A_665 = tpu.memref_squeeze %dma_start3A_664 : memref<1x8x128xf32, #tpu.memory_space<vmem>> -> memref<8x128xf32, #tpu.memory_space<vmem>>
        %dma_start3A_666 = arith.constant 56 : i32
        %dma_start3A_667 = tpu.memref_slice %arg2[%dma_start3A_666, %mul3A_654] : memref<64x1000000xf32, #tpu.memory_space<hbm>> -> memref<8x128xf32, #tpu.memory_space<hbm>>
        tpu.enqueue_dma source(%dma_start3A_667 : memref<8x128xf32, #tpu.memory_space<hbm>>) target(%dma_start3A_665 : memref<8x128xf32, #tpu.memory_space<vmem>>) target_semaphore(%arg6 : memref<!tpu.dma_semaphore, #tpu.memory_space<semaphore_mem>>)
      } else {
      }
      %gt3A_506 = arith.constant 0 : i32
      %gt3A_507 = arith.cmpi sgt, %scan3A_302, %gt3A_506 : i32
      %convert_element_type3A_508 = arith.extui %gt3A_507 : i1 to i32
      %cond3A_509 = arith.constant 0 : i32
      %cond3A_510 = arith.cmpi ne, %convert_element_type3A_508, %cond3A_509 : i32
      scf.if %cond3A_510 {
        %dma_wait3A_541 = arith.constant 1 : i32
        %dma_wait3A_542 = arith.constant 0 : i32
        %dma_wait3A_543 = arith.constant 0 : i32
        %dma_wait3A_544 = tpu.memref_slice %arg5[%dma_wait3A_541, %dma_wait3A_542, %dma_wait3A_543] : memref<2x64x128xf32, #tpu.memory_space<vmem>> -> memref<1x64x128xf32, #tpu.memory_space<vmem>>
        %dma_wait3A_545 = tpu.memref_squeeze %dma_wait3A_544 : memref<1x64x128xf32, #tpu.memory_space<vmem>> -> memref<64x128xf32, #tpu.memory_space<vmem>>
        %dma_wait3A_546 = arith.constant 0 : i32
        %dma_wait3A_547 = arith.constant 0 : i32
        %dma_wait3A_548 = tpu.memref_slice %arg3[%dma_wait3A_546, %dma_wait3A_547] : memref<500032x128xf32, #tpu.memory_space<hbm>> -> memref<64x128xf32, #tpu.memory_space<hbm>>
        %dma_wait3A_549 = arith.constant 0 : i32
        %dma_wait3A_550 = arith.constant 0 : i32
        %dma_wait3A_551 = tpu.memref_slice %arg5[%dma_wait3A_541, %dma_wait3A_549, %dma_wait3A_550] : memref<2x64x128xf32, #tpu.memory_space<vmem>> -> memref<1x64x128xf32, #tpu.memory_space<vmem>>
        %dma_wait3A_552 = tpu.memref_squeeze %dma_wait3A_551 : memref<1x64x128xf32, #tpu.memory_space<vmem>> -> memref<64x128xf32, #tpu.memory_space<vmem>>
        %dma_wait3A_553 = arith.constant 0 : i32
        %dma_wait3A_554 = arith.constant 0 : i32
        %dma_wait3A_555 = tpu.memref_slice %arg3[%dma_wait3A_553, %dma_wait3A_554] : memref<500032x128xf32, #tpu.memory_space<hbm>> -> memref<64x128xf32, #tpu.memory_space<hbm>>
        tpu.wait_dma2 semaphore(%arg9 : memref<!tpu.dma_semaphore, #tpu.memory_space<semaphore_mem>>) src(%dma_wait3A_555 : memref<64x128xf32, #tpu.memory_space<hbm>>) dst(%dma_wait3A_552 : memref<64x128xf32, #tpu.memory_space<vmem>>)
      } else {
      }
      %scan3A_511 = arith.constant 1 : i32
      %scan3A_512 = arith.constant 1 : i32
      %scan3A_513 = arith.constant 0 : i32
      %scan3A_514 = arith.constant 0 : i32
      %scan3A_515 = arith.constant 16 : i32
      %scan3A_516 = arith.addi %scan3A_514, %scan3A_515 : i32
      %scan3A_517 = arith.constant 1 : i32
      %scan3A_518 = scf.for %scan3A_541 = %scan3A_514 to %scan3A_516 step %scan3A_517 iter_args(%scan3A_542 = %scan3A_513) -> (i32)  : i32 {
        %add3A_543 = vector.broadcast %scan3A_541 : i32 to vector<16xi32>
        %add3A_544 = arith.addi %add3A_543, %iota3A : vector<16xi32>
        %and3A_545 = arith.constant 15 : i32
        %and3A_546 = vector.broadcast %and3A_545 : i32 to vector<16xi32>
        %and3A_547 = arith.andi %add3A_544, %and3A_546 : vector<16xi32>
        %add3A_548 = arith.constant 0 : i32
        %add3A_549 = vector.broadcast %add3A_548 : i32 to vector<16xi32>
        %add3A_550 = arith.addi %add3A_549, %and3A_547 : vector<16xi32>
        %gather3A = arith.constant 0 : i32
        %gather3A_551 = arith.constant 0 : i32
        %gather3A_552 = tpu.memref_slice %arg4[%scan3A_511, %gather3A, %gather3A_551] : memref<2x64x128xf32, #tpu.memory_space<vmem>> -> memref<1x64x128xf32, #tpu.memory_space<vmem>>
        %gather3A_553 = tpu.memref_squeeze %gather3A_552 : memref<1x64x128xf32, #tpu.memory_space<vmem>> -> memref<64x128xf32, #tpu.memory_space<vmem>>
        %gather3A_554 = tpu.vector_load_idx %gather3A_553[%add3A_550, %add3A_3] : memref<64x128xf32, #tpu.memory_space<vmem>>[vector<16xi32>, vector<16xi32>], vector<16xf32>,
        %add3A_555 = arith.addi %mul3A_79, %add3A_550 : vector<16xi32>
        %scatter3A = arith.constant 0 : i32
        %scatter3A_556 = arith.constant 0 : i32
        %scatter3A_557 = tpu.memref_slice %arg5[%scan3A_512, %scatter3A, %scatter3A_556] : memref<2x64x128xf32, #tpu.memory_space<vmem>> -> memref<1x64x128xf32, #tpu.memory_space<vmem>>
        %scatter3A_558 = tpu.memref_squeeze %scatter3A_557 : memref<1x64x128xf32, #tpu.memory_space<vmem>> -> memref<64x128xf32, #tpu.memory_space<vmem>>
        tpu.vector_store_idx %scatter3A_558[%shift_right_arithmetic3A_29, %add3A_555], %gather3A_554 : memref<64x128xf32, #tpu.memory_space<vmem>>[vector<16xi32>, vector<16xi32>], vector<16xf32>,
        %gather3A_559 = arith.constant 0 : i32
        %gather3A_560 = arith.constant 0 : i32
        %gather3A_561 = tpu.memref_slice %arg4[%scan3A_511, %gather3A_559, %gather3A_560] : memref<2x64x128xf32, #tpu.memory_space<vmem>> -> memref<1x64x128xf32, #tpu.memory_space<vmem>>
        %gather3A_562 = tpu.memref_squeeze %gather3A_561 : memref<1x64x128xf32, #tpu.memory_space<vmem>> -> memref<64x128xf32, #tpu.memory_space<vmem>>
        %gather3A_563 = tpu.vector_load_idx %gather3A_562[%add3A_550, %add3A_6] : memref<64x128xf32, #tpu.memory_space<vmem>>[vector<16xi32>, vector<16xi32>], vector<16xf32>,
        %add3A_564 = arith.addi %mul3A_88, %add3A_550 : vector<16xi32>
        %scatter3A_565 = arith.constant 0 : i32
        %scatter3A_566 = arith.constant 0 : i32
        %scatter3A_567 = tpu.memref_slice %arg5[%scan3A_512, %scatter3A_565, %scatter3A_566] : memref<2x64x128xf32, #tpu.memory_space<vmem>> -> memref<1x64x128xf32, #tpu.memory_space<vmem>>
        %scatter3A_568 = tpu.memref_squeeze %scatter3A_567 : memref<1x64x128xf32, #tpu.memory_space<vmem>> -> memref<64x128xf32, #tpu.memory_space<vmem>>
        tpu.vector_store_idx %scatter3A_568[%shift_right_arithmetic3A_35, %add3A_564], %gather3A_563 : memref<64x128xf32, #tpu.memory_space<vmem>>[vector<16xi32>, vector<16xi32>], vector<16xf32>,
        %gather3A_569 = arith.constant 0 : i32
        %gather3A_570 = arith.constant 0 : i32
        %gather3A_571 = tpu.memref_slice %arg4[%scan3A_511, %gather3A_569, %gather3A_570] : memref<2x64x128xf32, #tpu.memory_space<vmem>> -> memref<1x64x128xf32, #tpu.memory_space<vmem>>
        %gather3A_572 = tpu.memref_squeeze %gather3A_571 : memref<1x64x128xf32, #tpu.memory_space<vmem>> -> memref<64x128xf32, #tpu.memory_space<vmem>>
        %gather3A_573 = tpu.vector_load_idx %gather3A_572[%add3A_550, %add3A_9] : memref<64x128xf32, #tpu.memory_space<vmem>>[vector<16xi32>, vector<16xi32>], vector<16xf32>,
        %add3A_574 = arith.addi %mul3A_97, %add3A_550 : vector<16xi32>
        %scatter3A_575 = arith.constant 0 : i32
        %scatter3A_576 = arith.constant 0 : i32
        %scatter3A_577 = tpu.memref_slice %arg5[%scan3A_512, %scatter3A_575, %scatter3A_576] : memref<2x64x128xf32, #tpu.memory_space<vmem>> -> memref<1x64x128xf32, #tpu.memory_space<vmem>>
        %scatter3A_578 = tpu.memref_squeeze %scatter3A_577 : memref<1x64x128xf32, #tpu.memory_space<vmem>> -> memref<64x128xf32, #tpu.memory_space<vmem>>
        tpu.vector_store_idx %scatter3A_578[%shift_right_arithmetic3A_41, %add3A_574], %gather3A_573 : memref<64x128xf32, #tpu.memory_space<vmem>>[vector<16xi32>, vector<16xi32>], vector<16xf32>,
        %gather3A_579 = arith.constant 0 : i32
        %gather3A_580 = arith.constant 0 : i32
        %gather3A_581 = tpu.memref_slice %arg4[%scan3A_511, %gather3A_579, %gather3A_580] : memref<2x64x128xf32, #tpu.memory_space<vmem>> -> memref<1x64x128xf32, #tpu.memory_space<vmem>>
        %gather3A_582 = tpu.memref_squeeze %gather3A_581 : memref<1x64x128xf32, #tpu.memory_space<vmem>> -> memref<64x128xf32, #tpu.memory_space<vmem>>
        %gather3A_583 = tpu.vector_load_idx %gather3A_582[%add3A_550, %add3A_12] : memref<64x128xf32, #tpu.memory_space<vmem>>[vector<16xi32>, vector<16xi32>], vector<16xf32>,
        %add3A_584 = arith.addi %mul3A_106, %add3A_550 : vector<16xi32>
        %scatter3A_585 = arith.constant 0 : i32
        %scatter3A_586 = arith.constant 0 : i32
        %scatter3A_587 = tpu.memref_slice %arg5[%scan3A_512, %scatter3A_585, %scatter3A_586] : memref<2x64x128xf32, #tpu.memory_space<vmem>> -> memref<1x64x128xf32, #tpu.memory_space<vmem>>
        %scatter3A_588 = tpu.memref_squeeze %scatter3A_587 : memref<1x64x128xf32, #tpu.memory_space<vmem>> -> memref<64x128xf32, #tpu.memory_space<vmem>>
        tpu.vector_store_idx %scatter3A_588[%shift_right_arithmetic3A_47, %add3A_584], %gather3A_583 : memref<64x128xf32, #tpu.memory_space<vmem>>[vector<16xi32>, vector<16xi32>], vector<16xf32>,
        %gather3A_589 = arith.constant 0 : i32
        %gather3A_590 = arith.constant 0 : i32
        %gather3A_591 = tpu.memref_slice %arg4[%scan3A_511, %gather3A_589, %gather3A_590] : memref<2x64x128xf32, #tpu.memory_space<vmem>> -> memref<1x64x128xf32, #tpu.memory_space<vmem>>
        %gather3A_592 = tpu.memref_squeeze %gather3A_591 : memref<1x64x128xf32, #tpu.memory_space<vmem>> -> memref<64x128xf32, #tpu.memory_space<vmem>>
        %gather3A_593 = tpu.vector_load_idx %gather3A_592[%add3A_550, %add3A_15] : memref<64x128xf32, #tpu.memory_space<vmem>>[vector<16xi32>, vector<16xi32>], vector<16xf32>,
        %add3A_594 = arith.addi %mul3A_115, %add3A_550 : vector<16xi32>
        %scatter3A_595 = arith.constant 0 : i32
        %scatter3A_596 = arith.constant 0 : i32
        %scatter3A_597 = tpu.memref_slice %arg5[%scan3A_512, %scatter3A_595, %scatter3A_596] : memref<2x64x128xf32, #tpu.memory_space<vmem>> -> memref<1x64x128xf32, #tpu.memory_space<vmem>>
        %scatter3A_598 = tpu.memref_squeeze %scatter3A_597 : memref<1x64x128xf32, #tpu.memory_space<vmem>> -> memref<64x128xf32, #tpu.memory_space<vmem>>
        tpu.vector_store_idx %scatter3A_598[%shift_right_arithmetic3A_53, %add3A_594], %gather3A_593 : memref<64x128xf32, #tpu.memory_space<vmem>>[vector<16xi32>, vector<16xi32>], vector<16xf32>,
        %gather3A_599 = arith.constant 0 : i32
        %gather3A_600 = arith.constant 0 : i32
        %gather3A_601 = tpu.memref_slice %arg4[%scan3A_511, %gather3A_599, %gather3A_600] : memref<2x64x128xf32, #tpu.memory_space<vmem>> -> memref<1x64x128xf32, #tpu.memory_space<vmem>>
        %gather3A_602 = tpu.memref_squeeze %gather3A_601 : memref<1x64x128xf32, #tpu.memory_space<vmem>> -> memref<64x128xf32, #tpu.memory_space<vmem>>
        %gather3A_603 = tpu.vector_load_idx %gather3A_602[%add3A_550, %add3A_18] : memref<64x128xf32, #tpu.memory_space<vmem>>[vector<16xi32>, vector<16xi32>], vector<16xf32>,
        %add3A_604 = arith.addi %mul3A_124, %add3A_550 : vector<16xi32>
        %scatter3A_605 = arith.constant 0 : i32
        %scatter3A_606 = arith.constant 0 : i32
        %scatter3A_607 = tpu.memref_slice %arg5[%scan3A_512, %scatter3A_605, %scatter3A_606] : memref<2x64x128xf32, #tpu.memory_space<vmem>> -> memref<1x64x128xf32, #tpu.memory_space<vmem>>
        %scatter3A_608 = tpu.memref_squeeze %scatter3A_607 : memref<1x64x128xf32, #tpu.memory_space<vmem>> -> memref<64x128xf32, #tpu.memory_space<vmem>>
        tpu.vector_store_idx %scatter3A_608[%shift_right_arithmetic3A_59, %add3A_604], %gather3A_603 : memref<64x128xf32, #tpu.memory_space<vmem>>[vector<16xi32>, vector<16xi32>], vector<16xf32>,
        %gather3A_609 = arith.constant 0 : i32
        %gather3A_610 = arith.constant 0 : i32
        %gather3A_611 = tpu.memref_slice %arg4[%scan3A_511, %gather3A_609, %gather3A_610] : memref<2x64x128xf32, #tpu.memory_space<vmem>> -> memref<1x64x128xf32, #tpu.memory_space<vmem>>
        %gather3A_612 = tpu.memref_squeeze %gather3A_611 : memref<1x64x128xf32, #tpu.memory_space<vmem>> -> memref<64x128xf32, #tpu.memory_space<vmem>>
        %gather3A_613 = tpu.vector_load_idx %gather3A_612[%add3A_550, %add3A_21] : memref<64x128xf32, #tpu.memory_space<vmem>>[vector<16xi32>, vector<16xi32>], vector<16xf32>,
        %add3A_614 = arith.addi %mul3A_133, %add3A_550 : vector<16xi32>
        %scatter3A_615 = arith.constant 0 : i32
        %scatter3A_616 = arith.constant 0 : i32
        %scatter3A_617 = tpu.memref_slice %arg5[%scan3A_512, %scatter3A_615, %scatter3A_616] : memref<2x64x128xf32, #tpu.memory_space<vmem>> -> memref<1x64x128xf32, #tpu.memory_space<vmem>>
        %scatter3A_618 = tpu.memref_squeeze %scatter3A_617 : memref<1x64x128xf32, #tpu.memory_space<vmem>> -> memref<64x128xf32, #tpu.memory_space<vmem>>
        tpu.vector_store_idx %scatter3A_618[%shift_right_arithmetic3A_65, %add3A_614], %gather3A_613 : memref<64x128xf32, #tpu.memory_space<vmem>>[vector<16xi32>, vector<16xi32>], vector<16xf32>,
        %gather3A_619 = arith.constant 0 : i32
        %gather3A_620 = arith.constant 0 : i32
        %gather3A_621 = tpu.memref_slice %arg4[%scan3A_511, %gather3A_619, %gather3A_620] : memref<2x64x128xf32, #tpu.memory_space<vmem>> -> memref<1x64x128xf32, #tpu.memory_space<vmem>>
        %gather3A_622 = tpu.memref_squeeze %gather3A_621 : memref<1x64x128xf32, #tpu.memory_space<vmem>> -> memref<64x128xf32, #tpu.memory_space<vmem>>
        %gather3A_623 = tpu.vector_load_idx %gather3A_622[%add3A_550, %add3A_24] : memref<64x128xf32, #tpu.memory_space<vmem>>[vector<16xi32>, vector<16xi32>], vector<16xf32>,
        %add3A_624 = arith.addi %mul3A_142, %add3A_550 : vector<16xi32>
        %scatter3A_625 = arith.constant 0 : i32
        %scatter3A_626 = arith.constant 0 : i32
        %scatter3A_627 = tpu.memref_slice %arg5[%scan3A_512, %scatter3A_625, %scatter3A_626] : memref<2x64x128xf32, #tpu.memory_space<vmem>> -> memref<1x64x128xf32, #tpu.memory_space<vmem>>
        %scatter3A_628 = tpu.memref_squeeze %scatter3A_627 : memref<1x64x128xf32, #tpu.memory_space<vmem>> -> memref<64x128xf32, #tpu.memory_space<vmem>>
        tpu.vector_store_idx %scatter3A_628[%shift_right_arithmetic3A_71, %add3A_624], %gather3A_623 : memref<64x128xf32, #tpu.memory_space<vmem>>[vector<16xi32>, vector<16xi32>], vector<16xf32>,
        %add3A_629 = arith.constant 16 : i32
        %add3A_630 = vector.broadcast %add3A_629 : i32 to vector<16xi32>
        %add3A_631 = arith.addi %add3A_630, %and3A_547 : vector<16xi32>
        %gather3A_632 = arith.constant 0 : i32
        %gather3A_633 = arith.constant 0 : i32
        %gather3A_634 = tpu.memref_slice %arg4[%scan3A_511, %gather3A_632, %gather3A_633] : memref<2x64x128xf32, #tpu.memory_space<vmem>> -> memref<1x64x128xf32, #tpu.memory_space<vmem>>
        %gather3A_635 = tpu.memref_squeeze %gather3A_634 : memref<1x64x128xf32, #tpu.memory_space<vmem>> -> memref<64x128xf32, #tpu.memory_space<vmem>>
        %gather3A_636 = tpu.vector_load_idx %gather3A_635[%add3A_631, %add3A_3] : memref<64x128xf32, #tpu.memory_space<vmem>>[vector<16xi32>, vector<16xi32>], vector<16xf32>,
        %add3A_637 = arith.addi %mul3A_79, %add3A_631 : vector<16xi32>
        %scatter3A_638 = arith.constant 0 : i32
        %scatter3A_639 = arith.constant 0 : i32
        %scatter3A_640 = tpu.memref_slice %arg5[%scan3A_512, %scatter3A_638, %scatter3A_639] : memref<2x64x128xf32, #tpu.memory_space<vmem>> -> memref<1x64x128xf32, #tpu.memory_space<vmem>>
        %scatter3A_641 = tpu.memref_squeeze %scatter3A_640 : memref<1x64x128xf32, #tpu.memory_space<vmem>> -> memref<64x128xf32, #tpu.memory_space<vmem>>
        tpu.vector_store_idx %scatter3A_641[%shift_right_arithmetic3A_29, %add3A_637], %gather3A_636 : memref<64x128xf32, #tpu.memory_space<vmem>>[vector<16xi32>, vector<16xi32>], vector<16xf32>,
        %gather3A_642 = arith.constant 0 : i32
        %gather3A_643 = arith.constant 0 : i32
        %gather3A_644 = tpu.memref_slice %arg4[%scan3A_511, %gather3A_642, %gather3A_643] : memref<2x64x128xf32, #tpu.memory_space<vmem>> -> memref<1x64x128xf32, #tpu.memory_space<vmem>>
        %gather3A_645 = tpu.memref_squeeze %gather3A_644 : memref<1x64x128xf32, #tpu.memory_space<vmem>> -> memref<64x128xf32, #tpu.memory_space<vmem>>
        %gather3A_646 = tpu.vector_load_idx %gather3A_645[%add3A_631, %add3A_6] : memref<64x128xf32, #tpu.memory_space<vmem>>[vector<16xi32>, vector<16xi32>], vector<16xf32>,
        %add3A_647 = arith.addi %mul3A_88, %add3A_631 : vector<16xi32>
        %scatter3A_648 = arith.constant 0 : i32
        %scatter3A_649 = arith.constant 0 : i32
        %scatter3A_650 = tpu.memref_slice %arg5[%scan3A_512, %scatter3A_648, %scatter3A_649] : memref<2x64x128xf32, #tpu.memory_space<vmem>> -> memref<1x64x128xf32, #tpu.memory_space<vmem>>
        %scatter3A_651 = tpu.memref_squeeze %scatter3A_650 : memref<1x64x128xf32, #tpu.memory_space<vmem>> -> memref<64x128xf32, #tpu.memory_space<vmem>>
        tpu.vector_store_idx %scatter3A_651[%shift_right_arithmetic3A_35, %add3A_647], %gather3A_646 : memref<64x128xf32, #tpu.memory_space<vmem>>[vector<16xi32>, vector<16xi32>], vector<16xf32>,
        %gather3A_652 = arith.constant 0 : i32
        %gather3A_653 = arith.constant 0 : i32
        %gather3A_654 = tpu.memref_slice %arg4[%scan3A_511, %gather3A_652, %gather3A_653] : memref<2x64x128xf32, #tpu.memory_space<vmem>> -> memref<1x64x128xf32, #tpu.memory_space<vmem>>
        %gather3A_655 = tpu.memref_squeeze %gather3A_654 : memref<1x64x128xf32, #tpu.memory_space<vmem>> -> memref<64x128xf32, #tpu.memory_space<vmem>>
        %gather3A_656 = tpu.vector_load_idx %gather3A_655[%add3A_631, %add3A_9] : memref<64x128xf32, #tpu.memory_space<vmem>>[vector<16xi32>, vector<16xi32>], vector<16xf32>,
        %add3A_657 = arith.addi %mul3A_97, %add3A_631 : vector<16xi32>
        %scatter3A_658 = arith.constant 0 : i32
        %scatter3A_659 = arith.constant 0 : i32
        %scatter3A_660 = tpu.memref_slice %arg5[%scan3A_512, %scatter3A_658, %scatter3A_659] : memref<2x64x128xf32, #tpu.memory_space<vmem>> -> memref<1x64x128xf32, #tpu.memory_space<vmem>>
        %scatter3A_661 = tpu.memref_squeeze %scatter3A_660 : memref<1x64x128xf32, #tpu.memory_space<vmem>> -> memref<64x128xf32, #tpu.memory_space<vmem>>
        tpu.vector_store_idx %scatter3A_661[%shift_right_arithmetic3A_41, %add3A_657], %gather3A_656 : memref<64x128xf32, #tpu.memory_space<vmem>>[vector<16xi32>, vector<16xi32>], vector<16xf32>,
        %gather3A_662 = arith.constant 0 : i32
        %gather3A_663 = arith.constant 0 : i32
        %gather3A_664 = tpu.memref_slice %arg4[%scan3A_511, %gather3A_662, %gather3A_663] : memref<2x64x128xf32, #tpu.memory_space<vmem>> -> memref<1x64x128xf32, #tpu.memory_space<vmem>>
        %gather3A_665 = tpu.memref_squeeze %gather3A_664 : memref<1x64x128xf32, #tpu.memory_space<vmem>> -> memref<64x128xf32, #tpu.memory_space<vmem>>
        %gather3A_666 = tpu.vector_load_idx %gather3A_665[%add3A_631, %add3A_12] : memref<64x128xf32, #tpu.memory_space<vmem>>[vector<16xi32>, vector<16xi32>], vector<16xf32>,
        %add3A_667 = arith.addi %mul3A_106, %add3A_631 : vector<16xi32>
        %scatter3A_668 = arith.constant 0 : i32
        %scatter3A_669 = arith.constant 0 : i32
        %scatter3A_670 = tpu.memref_slice %arg5[%scan3A_512, %scatter3A_668, %scatter3A_669] : memref<2x64x128xf32, #tpu.memory_space<vmem>> -> memref<1x64x128xf32, #tpu.memory_space<vmem>>
        %scatter3A_671 = tpu.memref_squeeze %scatter3A_670 : memref<1x64x128xf32, #tpu.memory_space<vmem>> -> memref<64x128xf32, #tpu.memory_space<vmem>>
        tpu.vector_store_idx %scatter3A_671[%shift_right_arithmetic3A_47, %add3A_667], %gather3A_666 : memref<64x128xf32, #tpu.memory_space<vmem>>[vector<16xi32>, vector<16xi32>], vector<16xf32>,
        %gather3A_672 = arith.constant 0 : i32
        %gather3A_673 = arith.constant 0 : i32
        %gather3A_674 = tpu.memref_slice %arg4[%scan3A_511, %gather3A_672, %gather3A_673] : memref<2x64x128xf32, #tpu.memory_space<vmem>> -> memref<1x64x128xf32, #tpu.memory_space<vmem>>
        %gather3A_675 = tpu.memref_squeeze %gather3A_674 : memref<1x64x128xf32, #tpu.memory_space<vmem>> -> memref<64x128xf32, #tpu.memory_space<vmem>>
        %gather3A_676 = tpu.vector_load_idx %gather3A_675[%add3A_631, %add3A_15] : memref<64x128xf32, #tpu.memory_space<vmem>>[vector<16xi32>, vector<16xi32>], vector<16xf32>,
        %add3A_677 = arith.addi %mul3A_115, %add3A_631 : vector<16xi32>
        %scatter3A_678 = arith.constant 0 : i32
        %scatter3A_679 = arith.constant 0 : i32
        %scatter3A_680 = tpu.memref_slice %arg5[%scan3A_512, %scatter3A_678, %scatter3A_679] : memref<2x64x128xf32, #tpu.memory_space<vmem>> -> memref<1x64x128xf32, #tpu.memory_space<vmem>>
        %scatter3A_681 = tpu.memref_squeeze %scatter3A_680 : memref<1x64x128xf32, #tpu.memory_space<vmem>> -> memref<64x128xf32, #tpu.memory_space<vmem>>
        tpu.vector_store_idx %scatter3A_681[%shift_right_arithmetic3A_53, %add3A_677], %gather3A_676 : memref<64x128xf32, #tpu.memory_space<vmem>>[vector<16xi32>, vector<16xi32>], vector<16xf32>,
        %gather3A_682 = arith.constant 0 : i32
        %gather3A_683 = arith.constant 0 : i32
        %gather3A_684 = tpu.memref_slice %arg4[%scan3A_511, %gather3A_682, %gather3A_683] : memref<2x64x128xf32, #tpu.memory_space<vmem>> -> memref<1x64x128xf32, #tpu.memory_space<vmem>>
        %gather3A_685 = tpu.memref_squeeze %gather3A_684 : memref<1x64x128xf32, #tpu.memory_space<vmem>> -> memref<64x128xf32, #tpu.memory_space<vmem>>
        %gather3A_686 = tpu.vector_load_idx %gather3A_685[%add3A_631, %add3A_18] : memref<64x128xf32, #tpu.memory_space<vmem>>[vector<16xi32>, vector<16xi32>], vector<16xf32>,
        %add3A_687 = arith.addi %mul3A_124, %add3A_631 : vector<16xi32>
        %scatter3A_688 = arith.constant 0 : i32
        %scatter3A_689 = arith.constant 0 : i32
        %scatter3A_690 = tpu.memref_slice %arg5[%scan3A_512, %scatter3A_688, %scatter3A_689] : memref<2x64x128xf32, #tpu.memory_space<vmem>> -> memref<1x64x128xf32, #tpu.memory_space<vmem>>
        %scatter3A_691 = tpu.memref_squeeze %scatter3A_690 : memref<1x64x128xf32, #tpu.memory_space<vmem>> -> memref<64x128xf32, #tpu.memory_space<vmem>>
        tpu.vector_store_idx %scatter3A_691[%shift_right_arithmetic3A_59, %add3A_687], %gather3A_686 : memref<64x128xf32, #tpu.memory_space<vmem>>[vector<16xi32>, vector<16xi32>], vector<16xf32>,
        %gather3A_692 = arith.constant 0 : i32
        %gather3A_693 = arith.constant 0 : i32
        %gather3A_694 = tpu.memref_slice %arg4[%scan3A_511, %gather3A_692, %gather3A_693] : memref<2x64x128xf32, #tpu.memory_space<vmem>> -> memref<1x64x128xf32, #tpu.memory_space<vmem>>
        %gather3A_695 = tpu.memref_squeeze %gather3A_694 : memref<1x64x128xf32, #tpu.memory_space<vmem>> -> memref<64x128xf32, #tpu.memory_space<vmem>>
        %gather3A_696 = tpu.vector_load_idx %gather3A_695[%add3A_631, %add3A_21] : memref<64x128xf32, #tpu.memory_space<vmem>>[vector<16xi32>, vector<16xi32>], vector<16xf32>,
        %add3A_697 = arith.addi %mul3A_133, %add3A_631 : vector<16xi32>
        %scatter3A_698 = arith.constant 0 : i32
        %scatter3A_699 = arith.constant 0 : i32
        %scatter3A_700 = tpu.memref_slice %arg5[%scan3A_512, %scatter3A_698, %scatter3A_699] : memref<2x64x128xf32, #tpu.memory_space<vmem>> -> memref<1x64x128xf32, #tpu.memory_space<vmem>>
        %scatter3A_701 = tpu.memref_squeeze %scatter3A_700 : memref<1x64x128xf32, #tpu.memory_space<vmem>> -> memref<64x128xf32, #tpu.memory_space<vmem>>
        tpu.vector_store_idx %scatter3A_701[%shift_right_arithmetic3A_65, %add3A_697], %gather3A_696 : memref<64x128xf32, #tpu.memory_space<vmem>>[vector<16xi32>, vector<16xi32>], vector<16xf32>,
        %gather3A_702 = arith.constant 0 : i32
        %gather3A_703 = arith.constant 0 : i32
        %gather3A_704 = tpu.memref_slice %arg4[%scan3A_511, %gather3A_702, %gather3A_703] : memref<2x64x128xf32, #tpu.memory_space<vmem>> -> memref<1x64x128xf32, #tpu.memory_space<vmem>>
        %gather3A_705 = tpu.memref_squeeze %gather3A_704 : memref<1x64x128xf32, #tpu.memory_space<vmem>> -> memref<64x128xf32, #tpu.memory_space<vmem>>
        %gather3A_706 = tpu.vector_load_idx %gather3A_705[%add3A_631, %add3A_24] : memref<64x128xf32, #tpu.memory_space<vmem>>[vector<16xi32>, vector<16xi32>], vector<16xf32>,
        %add3A_707 = arith.addi %mul3A_142, %add3A_631 : vector<16xi32>
        %scatter3A_708 = arith.constant 0 : i32
        %scatter3A_709 = arith.constant 0 : i32
        %scatter3A_710 = tpu.memref_slice %arg5[%scan3A_512, %scatter3A_708, %scatter3A_709] : memref<2x64x128xf32, #tpu.memory_space<vmem>> -> memref<1x64x128xf32, #tpu.memory_space<vmem>>
        %scatter3A_711 = tpu.memref_squeeze %scatter3A_710 : memref<1x64x128xf32, #tpu.memory_space<vmem>> -> memref<64x128xf32, #tpu.memory_space<vmem>>
        tpu.vector_store_idx %scatter3A_711[%shift_right_arithmetic3A_71, %add3A_707], %gather3A_706 : memref<64x128xf32, #tpu.memory_space<vmem>>[vector<16xi32>, vector<16xi32>], vector<16xf32>,
        %add3A_712 = arith.constant 32 : i32
        %add3A_713 = vector.broadcast %add3A_712 : i32 to vector<16xi32>
        %add3A_714 = arith.addi %add3A_713, %and3A_547 : vector<16xi32>
        %gather3A_715 = arith.constant 0 : i32
        %gather3A_716 = arith.constant 0 : i32
        %gather3A_717 = tpu.memref_slice %arg4[%scan3A_511, %gather3A_715, %gather3A_716] : memref<2x64x128xf32, #tpu.memory_space<vmem>> -> memref<1x64x128xf32, #tpu.memory_space<vmem>>
        %gather3A_718 = tpu.memref_squeeze %gather3A_717 : memref<1x64x128xf32, #tpu.memory_space<vmem>> -> memref<64x128xf32, #tpu.memory_space<vmem>>
        %gather3A_719 = tpu.vector_load_idx %gather3A_718[%add3A_714, %add3A_3] : memref<64x128xf32, #tpu.memory_space<vmem>>[vector<16xi32>, vector<16xi32>], vector<16xf32>,
        %add3A_720 = arith.addi %mul3A_79, %add3A_714 : vector<16xi32>
        %scatter3A_721 = arith.constant 0 : i32
        %scatter3A_722 = arith.constant 0 : i32
        %scatter3A_723 = tpu.memref_slice %arg5[%scan3A_512, %scatter3A_721, %scatter3A_722] : memref<2x64x128xf32, #tpu.memory_space<vmem>> -> memref<1x64x128xf32, #tpu.memory_space<vmem>>
        %scatter3A_724 = tpu.memref_squeeze %scatter3A_723 : memref<1x64x128xf32, #tpu.memory_space<vmem>> -> memref<64x128xf32, #tpu.memory_space<vmem>>
        tpu.vector_store_idx %scatter3A_724[%shift_right_arithmetic3A_29, %add3A_720], %gather3A_719 : memref<64x128xf32, #tpu.memory_space<vmem>>[vector<16xi32>, vector<16xi32>], vector<16xf32>,
        %gather3A_725 = arith.constant 0 : i32
        %gather3A_726 = arith.constant 0 : i32
        %gather3A_727 = tpu.memref_slice %arg4[%scan3A_511, %gather3A_725, %gather3A_726] : memref<2x64x128xf32, #tpu.memory_space<vmem>> -> memref<1x64x128xf32, #tpu.memory_space<vmem>>
        %gather3A_728 = tpu.memref_squeeze %gather3A_727 : memref<1x64x128xf32, #tpu.memory_space<vmem>> -> memref<64x128xf32, #tpu.memory_space<vmem>>
        %gather3A_729 = tpu.vector_load_idx %gather3A_728[%add3A_714, %add3A_6] : memref<64x128xf32, #tpu.memory_space<vmem>>[vector<16xi32>, vector<16xi32>], vector<16xf32>,
        %add3A_730 = arith.addi %mul3A_88, %add3A_714 : vector<16xi32>
        %scatter3A_731 = arith.constant 0 : i32
        %scatter3A_732 = arith.constant 0 : i32
        %scatter3A_733 = tpu.memref_slice %arg5[%scan3A_512, %scatter3A_731, %scatter3A_732] : memref<2x64x128xf32, #tpu.memory_space<vmem>> -> memref<1x64x128xf32, #tpu.memory_space<vmem>>
        %scatter3A_734 = tpu.memref_squeeze %scatter3A_733 : memref<1x64x128xf32, #tpu.memory_space<vmem>> -> memref<64x128xf32, #tpu.memory_space<vmem>>
        tpu.vector_store_idx %scatter3A_734[%shift_right_arithmetic3A_35, %add3A_730], %gather3A_729 : memref<64x128xf32, #tpu.memory_space<vmem>>[vector<16xi32>, vector<16xi32>], vector<16xf32>,
        %gather3A_735 = arith.constant 0 : i32
        %gather3A_736 = arith.constant 0 : i32
        %gather3A_737 = tpu.memref_slice %arg4[%scan3A_511, %gather3A_735, %gather3A_736] : memref<2x64x128xf32, #tpu.memory_space<vmem>> -> memref<1x64x128xf32, #tpu.memory_space<vmem>>
        %gather3A_738 = tpu.memref_squeeze %gather3A_737 : memref<1x64x128xf32, #tpu.memory_space<vmem>> -> memref<64x128xf32, #tpu.memory_space<vmem>>
        %gather3A_739 = tpu.vector_load_idx %gather3A_738[%add3A_714, %add3A_9] : memref<64x128xf32, #tpu.memory_space<vmem>>[vector<16xi32>, vector<16xi32>], vector<16xf32>,
        %add3A_740 = arith.addi %mul3A_97, %add3A_714 : vector<16xi32>
        %scatter3A_741 = arith.constant 0 : i32
        %scatter3A_742 = arith.constant 0 : i32
        %scatter3A_743 = tpu.memref_slice %arg5[%scan3A_512, %scatter3A_741, %scatter3A_742] : memref<2x64x128xf32, #tpu.memory_space<vmem>> -> memref<1x64x128xf32, #tpu.memory_space<vmem>>
        %scatter3A_744 = tpu.memref_squeeze %scatter3A_743 : memref<1x64x128xf32, #tpu.memory_space<vmem>> -> memref<64x128xf32, #tpu.memory_space<vmem>>
        tpu.vector_store_idx %scatter3A_744[%shift_right_arithmetic3A_41, %add3A_740], %gather3A_739 : memref<64x128xf32, #tpu.memory_space<vmem>>[vector<16xi32>, vector<16xi32>], vector<16xf32>,
        %gather3A_745 = arith.constant 0 : i32
        %gather3A_746 = arith.constant 0 : i32
        %gather3A_747 = tpu.memref_slice %arg4[%scan3A_511, %gather3A_745, %gather3A_746] : memref<2x64x128xf32, #tpu.memory_space<vmem>> -> memref<1x64x128xf32, #tpu.memory_space<vmem>>
        %gather3A_748 = tpu.memref_squeeze %gather3A_747 : memref<1x64x128xf32, #tpu.memory_space<vmem>> -> memref<64x128xf32, #tpu.memory_space<vmem>>
        %gather3A_749 = tpu.vector_load_idx %gather3A_748[%add3A_714, %add3A_12] : memref<64x128xf32, #tpu.memory_space<vmem>>[vector<16xi32>, vector<16xi32>], vector<16xf32>,
        %add3A_750 = arith.addi %mul3A_106, %add3A_714 : vector<16xi32>
        %scatter3A_751 = arith.constant 0 : i32
        %scatter3A_752 = arith.constant 0 : i32
        %scatter3A_753 = tpu.memref_slice %arg5[%scan3A_512, %scatter3A_751, %scatter3A_752] : memref<2x64x128xf32, #tpu.memory_space<vmem>> -> memref<1x64x128xf32, #tpu.memory_space<vmem>>
        %scatter3A_754 = tpu.memref_squeeze %scatter3A_753 : memref<1x64x128xf32, #tpu.memory_space<vmem>> -> memref<64x128xf32, #tpu.memory_space<vmem>>
        tpu.vector_store_idx %scatter3A_754[%shift_right_arithmetic3A_47, %add3A_750], %gather3A_749 : memref<64x128xf32, #tpu.memory_space<vmem>>[vector<16xi32>, vector<16xi32>], vector<16xf32>,
        %gather3A_755 = arith.constant 0 : i32
        %gather3A_756 = arith.constant 0 : i32
        %gather3A_757 = tpu.memref_slice %arg4[%scan3A_511, %gather3A_755, %gather3A_756] : memref<2x64x128xf32, #tpu.memory_space<vmem>> -> memref<1x64x128xf32, #tpu.memory_space<vmem>>
        %gather3A_758 = tpu.memref_squeeze %gather3A_757 : memref<1x64x128xf32, #tpu.memory_space<vmem>> -> memref<64x128xf32, #tpu.memory_space<vmem>>
        %gather3A_759 = tpu.vector_load_idx %gather3A_758[%add3A_714, %add3A_15] : memref<64x128xf32, #tpu.memory_space<vmem>>[vector<16xi32>, vector<16xi32>], vector<16xf32>,
        %add3A_760 = arith.addi %mul3A_115, %add3A_714 : vector<16xi32>
        %scatter3A_761 = arith.constant 0 : i32
        %scatter3A_762 = arith.constant 0 : i32
        %scatter3A_763 = tpu.memref_slice %arg5[%scan3A_512, %scatter3A_761, %scatter3A_762] : memref<2x64x128xf32, #tpu.memory_space<vmem>> -> memref<1x64x128xf32, #tpu.memory_space<vmem>>
        %scatter3A_764 = tpu.memref_squeeze %scatter3A_763 : memref<1x64x128xf32, #tpu.memory_space<vmem>> -> memref<64x128xf32, #tpu.memory_space<vmem>>
        tpu.vector_store_idx %scatter3A_764[%shift_right_arithmetic3A_53, %add3A_760], %gather3A_759 : memref<64x128xf32, #tpu.memory_space<vmem>>[vector<16xi32>, vector<16xi32>], vector<16xf32>,
        %gather3A_765 = arith.constant 0 : i32
        %gather3A_766 = arith.constant 0 : i32
        %gather3A_767 = tpu.memref_slice %arg4[%scan3A_511, %gather3A_765, %gather3A_766] : memref<2x64x128xf32, #tpu.memory_space<vmem>> -> memref<1x64x128xf32, #tpu.memory_space<vmem>>
        %gather3A_768 = tpu.memref_squeeze %gather3A_767 : memref<1x64x128xf32, #tpu.memory_space<vmem>> -> memref<64x128xf32, #tpu.memory_space<vmem>>
        %gather3A_769 = tpu.vector_load_idx %gather3A_768[%add3A_714, %add3A_18] : memref<64x128xf32, #tpu.memory_space<vmem>>[vector<16xi32>, vector<16xi32>], vector<16xf32>,
        %add3A_770 = arith.addi %mul3A_124, %add3A_714 : vector<16xi32>
        %scatter3A_771 = arith.constant 0 : i32
        %scatter3A_772 = arith.constant 0 : i32
        %scatter3A_773 = tpu.memref_slice %arg5[%scan3A_512, %scatter3A_771, %scatter3A_772] : memref<2x64x128xf32, #tpu.memory_space<vmem>> -> memref<1x64x128xf32, #tpu.memory_space<vmem>>
        %scatter3A_774 = tpu.memref_squeeze %scatter3A_773 : memref<1x64x128xf32, #tpu.memory_space<vmem>> -> memref<64x128xf32, #tpu.memory_space<vmem>>
        tpu.vector_store_idx %scatter3A_774[%shift_right_arithmetic3A_59, %add3A_770], %gather3A_769 : memref<64x128xf32, #tpu.memory_space<vmem>>[vector<16xi32>, vector<16xi32>], vector<16xf32>,
        %gather3A_775 = arith.constant 0 : i32
        %gather3A_776 = arith.constant 0 : i32
        %gather3A_777 = tpu.memref_slice %arg4[%scan3A_511, %gather3A_775, %gather3A_776] : memref<2x64x128xf32, #tpu.memory_space<vmem>> -> memref<1x64x128xf32, #tpu.memory_space<vmem>>
        %gather3A_778 = tpu.memref_squeeze %gather3A_777 : memref<1x64x128xf32, #tpu.memory_space<vmem>> -> memref<64x128xf32, #tpu.memory_space<vmem>>
        %gather3A_779 = tpu.vector_load_idx %gather3A_778[%add3A_714, %add3A_21] : memref<64x128xf32, #tpu.memory_space<vmem>>[vector<16xi32>, vector<16xi32>], vector<16xf32>,
        %add3A_780 = arith.addi %mul3A_133, %add3A_714 : vector<16xi32>
        %scatter3A_781 = arith.constant 0 : i32
        %scatter3A_782 = arith.constant 0 : i32
        %scatter3A_783 = tpu.memref_slice %arg5[%scan3A_512, %scatter3A_781, %scatter3A_782] : memref<2x64x128xf32, #tpu.memory_space<vmem>> -> memref<1x64x128xf32, #tpu.memory_space<vmem>>
        %scatter3A_784 = tpu.memref_squeeze %scatter3A_783 : memref<1x64x128xf32, #tpu.memory_space<vmem>> -> memref<64x128xf32, #tpu.memory_space<vmem>>
        tpu.vector_store_idx %scatter3A_784[%shift_right_arithmetic3A_65, %add3A_780], %gather3A_779 : memref<64x128xf32, #tpu.memory_space<vmem>>[vector<16xi32>, vector<16xi32>], vector<16xf32>,
        %gather3A_785 = arith.constant 0 : i32
        %gather3A_786 = arith.constant 0 : i32
        %gather3A_787 = tpu.memref_slice %arg4[%scan3A_511, %gather3A_785, %gather3A_786] : memref<2x64x128xf32, #tpu.memory_space<vmem>> -> memref<1x64x128xf32, #tpu.memory_space<vmem>>
        %gather3A_788 = tpu.memref_squeeze %gather3A_787 : memref<1x64x128xf32, #tpu.memory_space<vmem>> -> memref<64x128xf32, #tpu.memory_space<vmem>>
        %gather3A_789 = tpu.vector_load_idx %gather3A_788[%add3A_714, %add3A_24] : memref<64x128xf32, #tpu.memory_space<vmem>>[vector<16xi32>, vector<16xi32>], vector<16xf32>,
        %add3A_790 = arith.addi %mul3A_142, %add3A_714 : vector<16xi32>
        %scatter3A_791 = arith.constant 0 : i32
        %scatter3A_792 = arith.constant 0 : i32
        %scatter3A_793 = tpu.memref_slice %arg5[%scan3A_512, %scatter3A_791, %scatter3A_792] : memref<2x64x128xf32, #tpu.memory_space<vmem>> -> memref<1x64x128xf32, #tpu.memory_space<vmem>>
        %scatter3A_794 = tpu.memref_squeeze %scatter3A_793 : memref<1x64x128xf32, #tpu.memory_space<vmem>> -> memref<64x128xf32, #tpu.memory_space<vmem>>
        tpu.vector_store_idx %scatter3A_794[%shift_right_arithmetic3A_71, %add3A_790], %gather3A_789 : memref<64x128xf32, #tpu.memory_space<vmem>>[vector<16xi32>, vector<16xi32>], vector<16xf32>,
        %add3A_795 = arith.constant 48 : i32
        %add3A_796 = vector.broadcast %add3A_795 : i32 to vector<16xi32>
        %add3A_797 = arith.addi %add3A_796, %and3A_547 : vector<16xi32>
        %gather3A_798 = arith.constant 0 : i32
        %gather3A_799 = arith.constant 0 : i32
        %gather3A_800 = tpu.memref_slice %arg4[%scan3A_511, %gather3A_798, %gather3A_799] : memref<2x64x128xf32, #tpu.memory_space<vmem>> -> memref<1x64x128xf32, #tpu.memory_space<vmem>>
        %gather3A_801 = tpu.memref_squeeze %gather3A_800 : memref<1x64x128xf32, #tpu.memory_space<vmem>> -> memref<64x128xf32, #tpu.memory_space<vmem>>
        %gather3A_802 = tpu.vector_load_idx %gather3A_801[%add3A_797, %add3A_3] : memref<64x128xf32, #tpu.memory_space<vmem>>[vector<16xi32>, vector<16xi32>], vector<16xf32>,
        %add3A_803 = arith.addi %mul3A_79, %add3A_797 : vector<16xi32>
        %scatter3A_804 = arith.constant 0 : i32
        %scatter3A_805 = arith.constant 0 : i32
        %scatter3A_806 = tpu.memref_slice %arg5[%scan3A_512, %scatter3A_804, %scatter3A_805] : memref<2x64x128xf32, #tpu.memory_space<vmem>> -> memref<1x64x128xf32, #tpu.memory_space<vmem>>
        %scatter3A_807 = tpu.memref_squeeze %scatter3A_806 : memref<1x64x128xf32, #tpu.memory_space<vmem>> -> memref<64x128xf32, #tpu.memory_space<vmem>>
        tpu.vector_store_idx %scatter3A_807[%shift_right_arithmetic3A_29, %add3A_803], %gather3A_802 : memref<64x128xf32, #tpu.memory_space<vmem>>[vector<16xi32>, vector<16xi32>], vector<16xf32>,
        %gather3A_808 = arith.constant 0 : i32
        %gather3A_809 = arith.constant 0 : i32
        %gather3A_810 = tpu.memref_slice %arg4[%scan3A_511, %gather3A_808, %gather3A_809] : memref<2x64x128xf32, #tpu.memory_space<vmem>> -> memref<1x64x128xf32, #tpu.memory_space<vmem>>
        %gather3A_811 = tpu.memref_squeeze %gather3A_810 : memref<1x64x128xf32, #tpu.memory_space<vmem>> -> memref<64x128xf32, #tpu.memory_space<vmem>>
        %gather3A_812 = tpu.vector_load_idx %gather3A_811[%add3A_797, %add3A_6] : memref<64x128xf32, #tpu.memory_space<vmem>>[vector<16xi32>, vector<16xi32>], vector<16xf32>,
        %add3A_813 = arith.addi %mul3A_88, %add3A_797 : vector<16xi32>
        %scatter3A_814 = arith.constant 0 : i32
        %scatter3A_815 = arith.constant 0 : i32
        %scatter3A_816 = tpu.memref_slice %arg5[%scan3A_512, %scatter3A_814, %scatter3A_815] : memref<2x64x128xf32, #tpu.memory_space<vmem>> -> memref<1x64x128xf32, #tpu.memory_space<vmem>>
        %scatter3A_817 = tpu.memref_squeeze %scatter3A_816 : memref<1x64x128xf32, #tpu.memory_space<vmem>> -> memref<64x128xf32, #tpu.memory_space<vmem>>
        tpu.vector_store_idx %scatter3A_817[%shift_right_arithmetic3A_35, %add3A_813], %gather3A_812 : memref<64x128xf32, #tpu.memory_space<vmem>>[vector<16xi32>, vector<16xi32>], vector<16xf32>,
        %gather3A_818 = arith.constant 0 : i32
        %gather3A_819 = arith.constant 0 : i32
        %gather3A_820 = tpu.memref_slice %arg4[%scan3A_511, %gather3A_818, %gather3A_819] : memref<2x64x128xf32, #tpu.memory_space<vmem>> -> memref<1x64x128xf32, #tpu.memory_space<vmem>>
        %gather3A_821 = tpu.memref_squeeze %gather3A_820 : memref<1x64x128xf32, #tpu.memory_space<vmem>> -> memref<64x128xf32, #tpu.memory_space<vmem>>
        %gather3A_822 = tpu.vector_load_idx %gather3A_821[%add3A_797, %add3A_9] : memref<64x128xf32, #tpu.memory_space<vmem>>[vector<16xi32>, vector<16xi32>], vector<16xf32>,
        %add3A_823 = arith.addi %mul3A_97, %add3A_797 : vector<16xi32>
        %scatter3A_824 = arith.constant 0 : i32
        %scatter3A_825 = arith.constant 0 : i32
        %scatter3A_826 = tpu.memref_slice %arg5[%scan3A_512, %scatter3A_824, %scatter3A_825] : memref<2x64x128xf32, #tpu.memory_space<vmem>> -> memref<1x64x128xf32, #tpu.memory_space<vmem>>
        %scatter3A_827 = tpu.memref_squeeze %scatter3A_826 : memref<1x64x128xf32, #tpu.memory_space<vmem>> -> memref<64x128xf32, #tpu.memory_space<vmem>>
        tpu.vector_store_idx %scatter3A_827[%shift_right_arithmetic3A_41, %add3A_823], %gather3A_822 : memref<64x128xf32, #tpu.memory_space<vmem>>[vector<16xi32>, vector<16xi32>], vector<16xf32>,
        %gather3A_828 = arith.constant 0 : i32
        %gather3A_829 = arith.constant 0 : i32
        %gather3A_830 = tpu.memref_slice %arg4[%scan3A_511, %gather3A_828, %gather3A_829] : memref<2x64x128xf32, #tpu.memory_space<vmem>> -> memref<1x64x128xf32, #tpu.memory_space<vmem>>
        %gather3A_831 = tpu.memref_squeeze %gather3A_830 : memref<1x64x128xf32, #tpu.memory_space<vmem>> -> memref<64x128xf32, #tpu.memory_space<vmem>>
        %gather3A_832 = tpu.vector_load_idx %gather3A_831[%add3A_797, %add3A_12] : memref<64x128xf32, #tpu.memory_space<vmem>>[vector<16xi32>, vector<16xi32>], vector<16xf32>,
        %add3A_833 = arith.addi %mul3A_106, %add3A_797 : vector<16xi32>
        %scatter3A_834 = arith.constant 0 : i32
        %scatter3A_835 = arith.constant 0 : i32
        %scatter3A_836 = tpu.memref_slice %arg5[%scan3A_512, %scatter3A_834, %scatter3A_835] : memref<2x64x128xf32, #tpu.memory_space<vmem>> -> memref<1x64x128xf32, #tpu.memory_space<vmem>>
        %scatter3A_837 = tpu.memref_squeeze %scatter3A_836 : memref<1x64x128xf32, #tpu.memory_space<vmem>> -> memref<64x128xf32, #tpu.memory_space<vmem>>
        tpu.vector_store_idx %scatter3A_837[%shift_right_arithmetic3A_47, %add3A_833], %gather3A_832 : memref<64x128xf32, #tpu.memory_space<vmem>>[vector<16xi32>, vector<16xi32>], vector<16xf32>,
        %gather3A_838 = arith.constant 0 : i32
        %gather3A_839 = arith.constant 0 : i32
        %gather3A_840 = tpu.memref_slice %arg4[%scan3A_511, %gather3A_838, %gather3A_839] : memref<2x64x128xf32, #tpu.memory_space<vmem>> -> memref<1x64x128xf32, #tpu.memory_space<vmem>>
        %gather3A_841 = tpu.memref_squeeze %gather3A_840 : memref<1x64x128xf32, #tpu.memory_space<vmem>> -> memref<64x128xf32, #tpu.memory_space<vmem>>
        %gather3A_842 = tpu.vector_load_idx %gather3A_841[%add3A_797, %add3A_15] : memref<64x128xf32, #tpu.memory_space<vmem>>[vector<16xi32>, vector<16xi32>], vector<16xf32>,
        %add3A_843 = arith.addi %mul3A_115, %add3A_797 : vector<16xi32>
        %scatter3A_844 = arith.constant 0 : i32
        %scatter3A_845 = arith.constant 0 : i32
        %scatter3A_846 = tpu.memref_slice %arg5[%scan3A_512, %scatter3A_844, %scatter3A_845] : memref<2x64x128xf32, #tpu.memory_space<vmem>> -> memref<1x64x128xf32, #tpu.memory_space<vmem>>
        %scatter3A_847 = tpu.memref_squeeze %scatter3A_846 : memref<1x64x128xf32, #tpu.memory_space<vmem>> -> memref<64x128xf32, #tpu.memory_space<vmem>>
        tpu.vector_store_idx %scatter3A_847[%shift_right_arithmetic3A_53, %add3A_843], %gather3A_842 : memref<64x128xf32, #tpu.memory_space<vmem>>[vector<16xi32>, vector<16xi32>], vector<16xf32>,
        %gather3A_848 = arith.constant 0 : i32
        %gather3A_849 = arith.constant 0 : i32
        %gather3A_850 = tpu.memref_slice %arg4[%scan3A_511, %gather3A_848, %gather3A_849] : memref<2x64x128xf32, #tpu.memory_space<vmem>> -> memref<1x64x128xf32, #tpu.memory_space<vmem>>
        %gather3A_851 = tpu.memref_squeeze %gather3A_850 : memref<1x64x128xf32, #tpu.memory_space<vmem>> -> memref<64x128xf32, #tpu.memory_space<vmem>>
        %gather3A_852 = tpu.vector_load_idx %gather3A_851[%add3A_797, %add3A_18] : memref<64x128xf32, #tpu.memory_space<vmem>>[vector<16xi32>, vector<16xi32>], vector<16xf32>,
        %add3A_853 = arith.addi %mul3A_124, %add3A_797 : vector<16xi32>
        %scatter3A_854 = arith.constant 0 : i32
        %scatter3A_855 = arith.constant 0 : i32
        %scatter3A_856 = tpu.memref_slice %arg5[%scan3A_512, %scatter3A_854, %scatter3A_855] : memref<2x64x128xf32, #tpu.memory_space<vmem>> -> memref<1x64x128xf32, #tpu.memory_space<vmem>>
        %scatter3A_857 = tpu.memref_squeeze %scatter3A_856 : memref<1x64x128xf32, #tpu.memory_space<vmem>> -> memref<64x128xf32, #tpu.memory_space<vmem>>
        tpu.vector_store_idx %scatter3A_857[%shift_right_arithmetic3A_59, %add3A_853], %gather3A_852 : memref<64x128xf32, #tpu.memory_space<vmem>>[vector<16xi32>, vector<16xi32>], vector<16xf32>,
        %gather3A_858 = arith.constant 0 : i32
        %gather3A_859 = arith.constant 0 : i32
        %gather3A_860 = tpu.memref_slice %arg4[%scan3A_511, %gather3A_858, %gather3A_859] : memref<2x64x128xf32, #tpu.memory_space<vmem>> -> memref<1x64x128xf32, #tpu.memory_space<vmem>>
        %gather3A_861 = tpu.memref_squeeze %gather3A_860 : memref<1x64x128xf32, #tpu.memory_space<vmem>> -> memref<64x128xf32, #tpu.memory_space<vmem>>
        %gather3A_862 = tpu.vector_load_idx %gather3A_861[%add3A_797, %add3A_21] : memref<64x128xf32, #tpu.memory_space<vmem>>[vector<16xi32>, vector<16xi32>], vector<16xf32>,
        %add3A_863 = arith.addi %mul3A_133, %add3A_797 : vector<16xi32>
        %scatter3A_864 = arith.constant 0 : i32
        %scatter3A_865 = arith.constant 0 : i32
        %scatter3A_866 = tpu.memref_slice %arg5[%scan3A_512, %scatter3A_864, %scatter3A_865] : memref<2x64x128xf32, #tpu.memory_space<vmem>> -> memref<1x64x128xf32, #tpu.memory_space<vmem>>
        %scatter3A_867 = tpu.memref_squeeze %scatter3A_866 : memref<1x64x128xf32, #tpu.memory_space<vmem>> -> memref<64x128xf32, #tpu.memory_space<vmem>>
        tpu.vector_store_idx %scatter3A_867[%shift_right_arithmetic3A_65, %add3A_863], %gather3A_862 : memref<64x128xf32, #tpu.memory_space<vmem>>[vector<16xi32>, vector<16xi32>], vector<16xf32>,
        %gather3A_868 = arith.constant 0 : i32
        %gather3A_869 = arith.constant 0 : i32
        %gather3A_870 = tpu.memref_slice %arg4[%scan3A_511, %gather3A_868, %gather3A_869] : memref<2x64x128xf32, #tpu.memory_space<vmem>> -> memref<1x64x128xf32, #tpu.memory_space<vmem>>
        %gather3A_871 = tpu.memref_squeeze %gather3A_870 : memref<1x64x128xf32, #tpu.memory_space<vmem>> -> memref<64x128xf32, #tpu.memory_space<vmem>>
        %gather3A_872 = tpu.vector_load_idx %gather3A_871[%add3A_797, %add3A_24] : memref<64x128xf32, #tpu.memory_space<vmem>>[vector<16xi32>, vector<16xi32>], vector<16xf32>,
        %add3A_873 = arith.addi %mul3A_142, %add3A_797 : vector<16xi32>
        %scatter3A_874 = arith.constant 0 : i32
        %scatter3A_875 = arith.constant 0 : i32
        %scatter3A_876 = tpu.memref_slice %arg5[%scan3A_512, %scatter3A_874, %scatter3A_875] : memref<2x64x128xf32, #tpu.memory_space<vmem>> -> memref<1x64x128xf32, #tpu.memory_space<vmem>>
        %scatter3A_877 = tpu.memref_squeeze %scatter3A_876 : memref<1x64x128xf32, #tpu.memory_space<vmem>> -> memref<64x128xf32, #tpu.memory_space<vmem>>
        tpu.vector_store_idx %scatter3A_877[%shift_right_arithmetic3A_71, %add3A_873], %gather3A_872 : memref<64x128xf32, #tpu.memory_space<vmem>>[vector<16xi32>, vector<16xi32>], vector<16xf32>,
        %scan3A_878 = arith.constant 0 : i32
        scf.yield %scan3A_878 : i32
      }
      %scan3A_519 = arith.constant 16 : i32
      %mul3A_520 = arith.constant 246 : i32
      %mul3A_521 = arith.muli %add3A, %mul3A_520 : i32
      %add3A_522 = arith.addi %mul3A_521, %add3A_484 : i32
      %min3A_523 = arith.constant 7812 : i32
      %min3A_524 = arith.minsi %add3A_522, %min3A_523 : i32
      %mul3A_525 = arith.constant 64 : i32
      %mul3A_526 = arith.muli %min3A_524, %mul3A_525 : i32
      %dma_start3A_527 = arith.constant 1 : i32
      %dma_start3A_528 = arith.constant 0 : i32
      %dma_start3A_529 = arith.constant 0 : i32
      %dma_start3A_530 = tpu.memref_slice %arg5[%dma_start3A_527, %dma_start3A_528, %dma_start3A_529] : memref<2x64x128xf32, #tpu.memory_space<vmem>> -> memref<1x64x128xf32, #tpu.memory_space<vmem>>
      %dma_start3A_531 = tpu.memref_squeeze %dma_start3A_530 : memref<1x64x128xf32, #tpu.memory_space<vmem>> -> memref<64x128xf32, #tpu.memory_space<vmem>>
      %dma_start3A_532 = arith.constant 0 : i32
      %dma_start3A_533 = tpu.memref_slice %arg3[%mul3A_526, %dma_start3A_532] : memref<500032x128xf32, #tpu.memory_space<hbm>> -> memref<64x128xf32, #tpu.memory_space<hbm>>
      %dma_start3A_534 = arith.constant 0 : i32
      %dma_start3A_535 = tpu.memref_slice %arg3[%mul3A_526, %dma_start3A_534] : memref<500032x128xf32, #tpu.memory_space<hbm>> -> memref<64x128xf32, #tpu.memory_space<hbm>>
      %dma_start3A_536 = arith.constant 0 : i32
      %dma_start3A_537 = arith.constant 0 : i32
      %dma_start3A_538 = tpu.memref_slice %arg5[%dma_start3A_527, %dma_start3A_536, %dma_start3A_537] : memref<2x64x128xf32, #tpu.memory_space<vmem>> -> memref<1x64x128xf32, #tpu.memory_space<vmem>>
      %dma_start3A_539 = tpu.memref_squeeze %dma_start3A_538 : memref<1x64x128xf32, #tpu.memory_space<vmem>> -> memref<64x128xf32, #tpu.memory_space<vmem>>
      tpu.enqueue_dma source(%dma_start3A_539 : memref<64x128xf32, #tpu.memory_space<vmem>>) target(%dma_start3A_535 : memref<64x128xf32, #tpu.memory_space<hbm>>) target_semaphore(%arg9 : memref<!tpu.dma_semaphore, #tpu.memory_space<semaphore_mem>>)
      %scan3A_540 = arith.constant 0 : i32
      scf.yield %scan3A_540 : i32
    }
    %scan3A_272 = arith.constant 123 : i32
    %dma_wait3A = arith.constant 0 : i32
    %dma_wait3A_273 = arith.constant 0 : i32
    %dma_wait3A_274 = arith.constant 0 : i32
    %dma_wait3A_275 = tpu.memref_slice %arg5[%dma_wait3A, %dma_wait3A_273, %dma_wait3A_274] : memref<2x64x128xf32, #tpu.memory_space<vmem>> -> memref<1x64x128xf32, #tpu.memory_space<vmem>>
    %dma_wait3A_276 = tpu.memref_squeeze %dma_wait3A_275 : memref<1x64x128xf32, #tpu.memory_space<vmem>> -> memref<64x128xf32, #tpu.memory_space<vmem>>
    %dma_wait3A_277 = arith.constant 0 : i32
    %dma_wait3A_278 = arith.constant 0 : i32
    %dma_wait3A_279 = tpu.memref_slice %arg3[%dma_wait3A_277, %dma_wait3A_278] : memref<500032x128xf32, #tpu.memory_space<hbm>> -> memref<64x128xf32, #tpu.memory_space<hbm>>
    %dma_wait3A_280 = arith.constant 0 : i32
    %dma_wait3A_281 = arith.constant 0 : i32
    %dma_wait3A_282 = tpu.memref_slice %arg5[%dma_wait3A, %dma_wait3A_280, %dma_wait3A_281] : memref<2x64x128xf32, #tpu.memory_space<vmem>> -> memref<1x64x128xf32, #tpu.memory_space<vmem>>
    %dma_wait3A_283 = tpu.memref_squeeze %dma_wait3A_282 : memref<1x64x128xf32, #tpu.memory_space<vmem>> -> memref<64x128xf32, #tpu.memory_space<vmem>>
    %dma_wait3A_284 = arith.constant 0 : i32
    %dma_wait3A_285 = arith.constant 0 : i32
    %dma_wait3A_286 = tpu.memref_slice %arg3[%dma_wait3A_284, %dma_wait3A_285] : memref<500032x128xf32, #tpu.memory_space<hbm>> -> memref<64x128xf32, #tpu.memory_space<hbm>>
    tpu.wait_dma2 semaphore(%arg8 : memref<!tpu.dma_semaphore, #tpu.memory_space<semaphore_mem>>) src(%dma_wait3A_286 : memref<64x128xf32, #tpu.memory_space<hbm>>) dst(%dma_wait3A_283 : memref<64x128xf32, #tpu.memory_space<vmem>>)
    %dma_wait3A_287 = arith.constant 1 : i32
    %dma_wait3A_288 = arith.constant 0 : i32
    %dma_wait3A_289 = arith.constant 0 : i32
    %dma_wait3A_290 = tpu.memref_slice %arg5[%dma_wait3A_287, %dma_wait3A_288, %dma_wait3A_289] : memref<2x64x128xf32, #tpu.memory_space<vmem>> -> memref<1x64x128xf32, #tpu.memory_space<vmem>>
    %dma_wait3A_291 = tpu.memref_squeeze %dma_wait3A_290 : memref<1x64x128xf32, #tpu.memory_space<vmem>> -> memref<64x128xf32, #tpu.memory_space<vmem>>
    %dma_wait3A_292 = arith.constant 0 : i32
    %dma_wait3A_293 = arith.constant 0 : i32
    %dma_wait3A_294 = tpu.memref_slice %arg3[%dma_wait3A_292, %dma_wait3A_293] : memref<500032x128xf32, #tpu.memory_space<hbm>> -> memref<64x128xf32, #tpu.memory_space<hbm>>
    %dma_wait3A_295 = arith.constant 0 : i32
    %dma_wait3A_296 = arith.constant 0 : i32
    %dma_wait3A_297 = tpu.memref_slice %arg5[%dma_wait3A_287, %dma_wait3A_295, %dma_wait3A_296] : memref<2x64x128xf32, #tpu.memory_space<vmem>> -> memref<1x64x128xf32, #tpu.memory_space<vmem>>
    %dma_wait3A_298 = tpu.memref_squeeze %dma_wait3A_297 : memref<1x64x128xf32, #tpu.memory_space<vmem>> -> memref<64x128xf32, #tpu.memory_space<vmem>>
    %dma_wait3A_299 = arith.constant 0 : i32
    %dma_wait3A_300 = arith.constant 0 : i32
    %dma_wait3A_301 = tpu.memref_slice %arg3[%dma_wait3A_299, %dma_wait3A_300] : memref<500032x128xf32, #tpu.memory_space<hbm>> -> memref<64x128xf32, #tpu.memory_space<hbm>>
    tpu.wait_dma2 semaphore(%arg9 : memref<!tpu.dma_semaphore, #tpu.memory_space<semaphore_mem>>) src(%dma_wait3A_301 : memref<64x128xf32, #tpu.memory_space<hbm>>) dst(%dma_wait3A_298 : memref<64x128xf32, #tpu.memory_space<vmem>>)
    return
  }
}

</mosaic_0001>

<sc_bundles>
// kernel: _sc_table_fmt.3.cloned.1.call-start
scs
__scs_entry_jumppad:
0x0: {  	(pc) =	sbr.rel $0x88, $3  }
0x1: {  	(tag) =	ssettag $0x0;
	lr =	simm.s32 $0x1  }
0x2: {  	[smem:$0x3FA0] =	sst lr;
	_ =	strace $0xD0000000  }
0x3: {  	_ = 	snop  }
0x4: {  	_ = 	snop  }
0x5: {  	_ = 	snop  }
0x6: {  	_ = 	snop  }
0x7: {  	_ = 	snop  }
__scs_overlays_trampoline_lowered:
0x8: {  	[smem:$0x3FAF] =	sst s0  }
0x9: {  	[smem:$0x3FB0] =	sst s1  }
0xa: {  	[smem:$0x3FB1] =	sst s2  }
0xb: {  	[smem:$0x3FB2] =	sst s3  }
0xc: {  	[smem:$0x3FB3] =	sst s4  }
0xd: {  	[smem:$0x3FB4] =	sst s5  }
0xe: {  	[smem:$0x3FB5] =	sst s6  }
0xf: {  	[smem:$0x3FB6] =	sst s7  }
0x10: {  	[smem:$0x3FB7] =	sst s8  }
0x11: {  	[smem:$0x3FB8] =	sst s9;
	s0 =	simm.s32 @!p0 $0x0  }
0x12: {  	s1 =	sld [smem:$0x3F9E];
	s0 =	simm.s32 @p0 $0x1  }
0x13: {  	[smem:$0x3FB9] =	sst s0;
	s0 =	simm.s32 @!p1 $0x0  }
0x14: {  	s2 =	sld [smem:$0x3F9D];
	s0 =	simm.s32 @p1 $0x1  }
0x15: {  	[smem:$0x3FBA] =	sst s0;
	s0 =	simm.s32 @!p2 $0x0  }
0x16: {  	s3 =	sld [smem:$0x3FDB];
	s0 =	simm.s32 @p2 $0x1  }
0x17: {  	s4 =	simm.s32 $0x1BF5;
	[smem:$0x3FBC] =	sst s0  }
0x18: {  	s0 =	sld [smem:$0x3F9F];
	_ =	swait.ge [sflag:s4], $0x0  }
0x19: {  	s7 =	sld [smem:$0x3FA0]  }
0x1a: {  	s8 =	sadd.s32 $0xFFFFE003, lr  }
0x1b: {  	s9 =	sadd.s32 $0xFFFFFEF7, lr;
	s5 =	simm.s32 $0xFFFFFFFF;
	p2 =	slt.u32 s8, $0xFFFFF086  }
0x1c: {  	p1 =	slt.u32 s9, $0xF7A;
	s5 =	simm.s32 @!p2 $0x0  }
0x1d: {  	s5 =	simm.s32 @p1 $0x1;
	p0 =	seq.s32 s7, s2  }
0x1e: {  	s7 =	smul.u32 @!p0 $0xF7A, s2;
	p2 =	seq.s32 @!p0 s5, $0x0  }
0x1f: {  	s9 =	smul.u32 $0xF7A, s1;
	s8 =	simm.s32 @!p0 $0x1BF5;
	p2 =	por !p2, p0  }
0x20: {  	[sflag:s8] =	ssyncset.s32 @!p0 $0xFFFFF086;
	s6 =	sadd.s32 @!p0 s3, s7;
	s7 =	simm.s32 @!p0 $0x108  }
0x21: {  	s3 =	sadd.s32 s3, s9;
	s6 =	sadd.s32 @!p0 $0x88, s6;
	s7 =	simm.s32 @p2 $0x1082  }
0x22: {  	[simem:s7], [sflag:s8] =	dma.local @!p0 [hbm:s6], $0xF7A  }
0x23: {  	s9 =	sor.u32 $0xD0000000, s2;
	s6 =	simm.s32 $0x108;
	_ =	swait.ge @!p0 [sflag:s8], $0x0  }
0x24: {  	s3 =	sadd.s32 $0x88, s3;
	s6 =	simm.s32 @!p1 $0x1082;
	[sflag:s4] =	ssyncset.s32 $0xFFFFF086  }
0x25: {  	[simem:s6], [sflag:s4] =	dma.local [hbm:s3], $0xF7A  }
0x26: {  	[smem:$0x3FA0] =	sst s1;
	(tag) =	ssettag s2;
	_ =	strace s9  }
0x27: {  	s1 =	sld [smem:$0x3FB0]  }
0x28: {  	s2 =	sld [smem:$0x3FB1]  }
0x29: {  	s4 =	sld [smem:$0x3FB3]  }
0x2a: {  	p0 =	seq.s32 s5, $0x0;
	s5 =	sld [smem:$0x3FB4]  }
0x2b: {  	s6 =	sld [smem:$0x3FB5]  }
0x2c: {  	s7 =	sld [smem:$0x3FB6]  }
0x2d: {  	s3 =	simm.s32 $0x108;
	s8 =	sld [smem:$0x3FB7]  }
0x2e: {  	s3 =	simm.s32 @!p0 $0x1082;
	s9 =	sld [smem:$0x3FB8]  }
0x2f: {  	lr =	sadd.s32 s0, s3;
	s0 =	sld [smem:$0x3FAF]  }
0x30: {  	s3 =	sld [smem:$0x3FB2]  }
0x31: {  	[smem:$0x3FBB] =	sst s10  }
0x32: {  	s10 =	sld [smem:$0x3FB9];
	_ =	sdelay $0x3  }
0x33: {  	p0 =	seq.s32 s10, $0x1;
	s10 =	sld [smem:$0x3FBB];
	_ =	sdelay $0x3  }
0x34: {  	[smem:$0x3FBB] =	sst s10  }
0x35: {  	s10 =	sld [smem:$0x3FBA];
	_ =	sdelay $0x3  }
0x36: {  	p1 =	seq.s32 s10, $0x1;
	s10 =	sld [smem:$0x3FBB];
	_ =	sdelay $0x3  }
0x37: {  	[smem:$0x3FBB] =	sst s10  }
0x38: {  	s10 =	sld [smem:$0x3FBC]  }
0x39: {  	_ = 	snop;
	(pc) =	sbr.ind lr, $3  }
0x3a: {  	_ = 	snop  }
0x3b: {  	_ = 	snop  }
0x3c: {  	p2 =	seq.s32 s10, $0x1;
	s10 =	sld [smem:$0x3FBB]  }
0x3d: {  	_ =	shalt  }
0x3e: {  	_ =	shalt  }
0x3f: {  	_ =	shalt  }
0x40: {  	_ =	shalt  }
0x41: {  	_ =	shalt  }
0x42: {  	_ =	shalt  }
0x43: {  	_ =	shalt  }
0x44: {  	_ =	shalt  }
0x45: {  	_ =	shalt  }
0x46: {  	_ =	shalt  }
0x47: {  	_ =	shalt  }
0x48: {  	_ =	shalt  }
0x49: {  	_ =	shalt  }
0x4a: {  	_ =	shalt  }
0x4b: {  	_ =	shalt  }
0x4c: {  	_ =	shalt  }
0x4d: {  	_ =	shalt  }
0x4e: {  	_ =	shalt  }
0x4f: {  	_ =	shalt  }
0x50: {  	_ =	shalt  }
0x51: {  	_ =	shalt  }
0x52: {  	_ =	shalt  }
0x53: {  	_ =	shalt  }
0x54: {  	_ =	shalt  }
0x55: {  	_ =	shalt  }
0x56: {  	_ =	shalt  }
0x57: {  	_ =	shalt  }
0x58: {  	_ =	shalt  }
0x59: {  	_ =	shalt  }
0x5a: {  	_ =	shalt  }
0x5b: {  	_ =	shalt  }
0x5c: {  	_ =	shalt  }
0x5d: {  	_ =	shalt  }
0x5e: {  	_ =	shalt  }
0x5f: {  	_ =	shalt  }
0x60: {  	_ =	shalt  }
0x61: {  	_ =	shalt  }
0x62: {  	_ =	shalt  }
0x63: {  	_ =	shalt  }
0x64: {  	_ =	shalt  }
0x65: {  	_ =	shalt  }
0x66: {  	_ =	shalt  }
0x67: {  	_ =	shalt  }
0x68: {  	_ =	shalt  }
0x69: {  	_ =	shalt  }
0x6a: {  	_ =	shalt  }
0x6b: {  	_ =	shalt  }
0x6c: {  	_ =	shalt  }
0x6d: {  	_ =	shalt  }
0x6e: {  	_ =	shalt  }
0x6f: {  	_ =	shalt  }
0x70: {  	_ =	shalt  }
0x71: {  	_ =	shalt  }
0x72: {  	_ =	shalt  }
0x73: {  	_ =	shalt  }
0x74: {  	_ =	shalt  }
0x75: {  	_ =	shalt  }
0x76: {  	_ =	shalt  }
0x77: {  	_ =	shalt  }
0x78: {  	_ =	shalt  }
0x79: {  	_ =	shalt  }
0x7a: {  	_ =	shalt  }
0x7b: {  	_ =	shalt  }
0x7c: {  	_ =	shalt  }
0x7d: {  	_ =	shalt  }
0x7e: {  	_ =	shalt  }
0x7f: {  	_ =	shalt  }
0x80: {  	_ =	shalt  }
0x81: {  	_ =	shalt  }
0x82: {  	_ =	shalt  }
0x83: {  	_ =	shalt  }
0x84: {  	_ =	shalt  }
0x85: {  	_ =	shalt  }
0x86: {  	_ =	shalt  }
0x87: {  	_ =	shalt  }
.Lfunc_end0:
.L_simem_size_0:
called_computation_lowered:
.L_overlay_start_0:
0x88: {  	s2 =	sld [smem:$0x3FD9]  }
0x89: {  	s3 =	sld [smem:$0x3FFE];
	_ =	sdelay $0x1  }
0x8a: {  	s1 =	srdreg.scid  }
0x8b: {  	s0 =	sand.u32 $0x1, s1  }
0x8c: {  	s18 =	sshll.u32 s0, $0xA;
	s2 =	sadd.s32 s3, s2  }
0x8d: {  	s2 =	sadd.s32 s2, s18  }
0x8e: {  	[smem:$0x3FC7] =	sst s2  }
0x8f: {  	_ = 	snop  }
0x90: {  	s2 =	sld [smem:$0x3FC9]  }
0x91: {  	s19 =	sld [smem:$0x3FD0];
	(tm) =	ssettm $0x1  }
0x92: {  	s4 =	sld [smem:$0x3FFB];
	_ =	sdelay $0x3  }
0x93: {  	_ =	strace s4  }
0x94: {  	s4 =	sld [smem:$0x3FFC];
	_ =	sdelay $0x3  }
0x95: {  	_ =	strace s4  }
0x96: {  	s4 =	sld [smem:$0x3FFD];
	_ =	sdelay $0x3  }
0x97: {  	_ =	strace s4  }
0x98: {  	_ =	strace $0x8FFFFFFF  }
0x99: {  	s20 =	sld [smem:$0x3FDB];
	_ =	sdelay $0x1  }
0x9a: {  	s5 =	simm.s32 $_scs_section_size  }
0x9b: {  	s6 =	simm.s32 $_size__tile_overlayer_lowered;
	s7 =	simm.s32 $_tile_overlayer_lowered  }
0x9c: {  	s23 =	simm.s32 $0x1BFF;
	s22 =	sshll.u32 s7, $0x1;
	s4 =	sadd.s32 s5, s20  }
0x9d: {  	s8 =	simm.s32 $0x0;
	s21 =	sshll.u32 s6, $0x1;
	s6 =	sadd.s32 s22, s4  }
0x9e: {  	[timem:s8], [sflag:s23] =	dma.local [hbm:s6], s21  }
0x9f: {  	_ =	swait.ge [sflag:s23], s21  }
0xa0: {  	s5 =	ssub.s32 $0x0, s21;
	[sflag:s23] =	ssyncset.done $0x0  }
0xa1: {  	[sflag:s23] =	ssyncadd.s32 s5;
	_ =	sdelay $0x1  }
0xa2: {  	s24 =	simm.s32 $0x1B8B  }
0xa3: {  	_ =	swait.ge [sflag:s24], $0x1  }
0xa4: {  	[sflag:s24] =	ssyncset.done $0x0  }
0xa5: {  	s25 =	simm.s32 $0x1B8E;
	[sflag:s24] =	ssyncadd.s32 $0xFFFFFFFF  }
0xa6: {  	s26 =	simm.s32 $execute0_lowered;
	[smem:$0x3FD2] =	sst s25  }
0xa7: {  	s5 =	sshll.u32 s26, $0x1;
	_ =	strace $0x80000046;
	[dreg:$0x1] =	wrdreg $0xFFFFFFFF  }
0xa8: {  	s28 =	simm.s32 $_size_execute0_lowered;
	s4 =	sadd.s32 s4, s5;
	[dreg:$0x0] =	wrdreg $0x0  }
0xa9: {  	s5 =	sshll.u32 s28, $0x1;
	[dreg:$0x2] =	wrdreg s4  }
0xaa: {  	[dreg:$0x3] =	wrdreg s5  }
0xab: {  	[dreg:$0x4] =	wrdreg $0xC0  }
0xac: {  	_ =	task [dreg:s8], $0x5FFFF  }
0xad: {  	[dreg:$0x1] =	wrdreg $0xFFFFFFFF  }
0xae: {  	[dreg:$0x0] =	wrdreg $0x60  }
0xaf: {  	[dreg:$0x2] =	wrdreg s2  }
0xb0: {  	[dreg:$0x3] =	wrdreg s19  }
0xb1: {  	[dreg:$0x4] =	wrdreg $0x9  }
0xb2: {  	_ =	task.clear_ibuf [dreg:s8], $0x5FFFF;
	_ =	strace $0x90000046  }
0xb3: {  	s29 =	simm.s32 $0x9;
	_ =	strace $0x80000048  }
0xb4: {  	_ =	swait.ge [sflag:s29], $0x1  }
0xb5: {  	[sflag:s29] =	ssyncadd.s32 $0xFFFFFFFF  }
0xb6: {  	_ =	strace $0x90000048  }
0xb7: {  	_ =	sfence  }
0xb8: {  	s30 =	sld [smem:$0x0];
	_ =	sdelay $0x2  }
0xb9: {  	s31 =	sshll.u32 s1, $0xD;
	s1 =	sshrl.u32 s1, $0x2  }
0xba: {  	s3 =	sand.u32 $0x4000, s31;
	s1 =	sadd.s32 s1, s30  }
0xbb: {  	s0 =	sor.u32 s3, s0;
	s1 =	sshll.u32 s1, $0x11  }
0xbc: {  	s0 =	sor.u32 s1, s0  }
0xbd: {  	s0 =	sadd.s32 $0x8F2B, s0  }
0xbe: {  	[sflag:s0] =	ssyncadd.remote.s32 $0x1  }
0xbf: {  	_ =	sfence.sel $0xFFFF  }
0xc0: {  	[dreg:$0x0] =	wrdreg $0xFFFFFFFF;
	(pc) =	sbr.abs _section_cstart, $3  }
0xc1: {  	[dreg:$0x1] =	wrdreg $0xFFFFFFFF  }
0xc2: {  	_ =	task.clear_ibuf [dreg:s8], $0x2FFFF;
	_ =	strace $0x9FFFFFFF  }
0xc3: {  	(tm) =	ssettm $0x7FFFFFFF  }
tec
execute0_lowered:
.L_overlay_start_1:
0x0: {  	(tag) =	ssettag $0x1  }
0x1: {  	v0 =	vlaneseq.u32  }
0x2: {  	s3 =	rddreg [dreg:$0x1];
	s4 =	simm.s32 $0x0;
	v1 =	vmul.u32 $0x40, v0;
	v2 =	vor.u32 $0x10, v0  }
0x3: {  	s1 =	stileid.u32;
	[smem:$0x7FF] =	sst s4;
	[tilespmem:$0x1FC10] =	vst v2  }
0x4: {  	s2 =	sshll.u32 s1, $0x1;
	v13 =	vor.u32 $0x20, v0;
	s1 =	rddreg [dreg:$0x0];
	_ =	strace $0x80000047;
	[tilespmem:$0x1FC20] =	vst v1  }
0x5: {  	v6 =	vor.u32 $0x30, v0;
	[tilespmem:$0x1FC40] =	vst v13  }
0x6: {  	v14 =	vor.u32 $0x40, v0;
	[tilespmem:$0x1FC60] =	vst v6  }
0x7: {  	v16 =	vor.u32 $0x50, v0;
	[tilespmem:$0x1FC80] =	vst v14  }
0x8: {  	v23 =	vor.u32 $0x60, v0;
	[tilespmem:$0x1FCA0] =	vst v16  }
0x9: {  	v20 =	vor.u32 $0x70, v0;
	[tilespmem:$0x1FCC0] =	vst v23  }
0xa: {  	v27 =	vor.u32 $0x800, v0;
	[tilespmem:$0x1FCE0] =	vst v20  }
0xb: {  	v24 =	vor.u32 $0x810, v0;
	[tilespmem:$0x1FD00] =	vst v27  }
0xc: {  	v26 =	vor.u32 $0x820, v0;
	[tilespmem:$0x1FD20] =	vst v24  }
0xd: {  	v33 =	vor.u32 $0x830, v0;
	[tilespmem:$0x1FD40] =	vst v26  }
0xe: {  	v30 =	vor.u32 $0x840, v0;
	[tilespmem:$0x1FD60] =	vst v33  }
0xf: {  	v37 =	vor.u32 $0x850, v0;
	[tilespmem:$0x1FD80] =	vst v30  }
0x10: {  	v34 =	vor.u32 $0x860, v0;
	[tilespmem:$0x1FDA0] =	vst v37  }
0x11: {  	v36 =	vor.u32 $0x870, v0;
	[tilespmem:$0x1FDC0] =	vst v34  }
0x12: {  	v43 =	vor.u32 $0x1000, v0;
	[tilespmem:$0x1FDE0] =	vst v36  }
0x13: {  	v40 =	vor.u32 $0x1010, v0;
	[tilespmem:$0x1FE00] =	vst v43  }
0x14: {  	v47 =	vor.u32 $0x1020, v0;
	[tilespmem:$0x1FE20] =	vst v40  }
0x15: {  	v44 =	vor.u32 $0x1030, v0;
	[tilespmem:$0x1FE40] =	vst v47  }
0x16: {  	v46 =	vor.u32 $0x1040, v0;
	[tilespmem:$0x1FE60] =	vst v44  }
0x17: {  	v53 =	vor.u32 $0x1050, v0;
	[tilespmem:$0x1FE80] =	vst v46  }
0x18: {  	v50 =	vor.u32 $0x1060, v0;
	[tilespmem:$0x1FEA0] =	vst v53  }
0x19: {  	v57 =	vor.u32 $0x1070, v0;
	[tilespmem:$0x1FEC0] =	vst v50  }
0x1a: {  	v54 =	vor.u32 $0x1800, v0;
	[tilespmem:$0x1FEE0] =	vst v57  }
0x1b: {  	v56 =	vor.u32 $0x1810, v0;
	[tilespmem:$0x1FF00] =	vst v54  }
0x1c: {  	v63 =	vor.u32 $0x1820, v0;
	[tilespmem:$0x1FF20] =	vst v56  }
0x1d: {  	v60 =	vor.u32 $0x1830, v0;
	[tilespmem:$0x1FF40] =	vst v63  }
0x1e: {  	v11 =	vor.u32 $0x1840, v0;
	[tilespmem:$0x1FF60] =	vst v60  }
0x1f: {  	v9 =	vor.u32 $0x1870, v0;
	[tilespmem:$0x1FF80] =	vst v11  }
0x20: {  	v7 =	vor.u32 $0x1860, v0;
	[tilespmem:$0x1FFB0] =	vst v9  }
0x21: {  	v10 =	vor.u32 $0x1850, v0;
	[tilespmem:$0x1FFD0] =	vst v7  }
0x22: {  	v2 =	vor.u32 $0x400, v1;
	[tilespmem:$0x1FFF0] =	vst v10  }
0x23: {  	v17 =	vor.u32 $0x800, v1;
	[tilespmem:$0x1FC30] =	vst v2  }
0x24: {  	v18 =	vor.u32 $0xC00, v1;
	[tilespmem:$0x1FC50] =	vst v17  }
0x25: {  	v15 =	vor.u32 $0x1000, v1;
	[tilespmem:$0x1FC70] =	vst v18  }
0x26: {  	v22 =	vor.u32 $0x1400, v1;
	[tilespmem:$0x1FC90] =	vst v15  }
0x27: {  	v19 =	vor.u32 $0x1800, v1;
	[tilespmem:$0x1FCB0] =	vst v22  }
0x28: {  	v21 =	vor.u32 $0x1C00, v1;
	[tilespmem:$0x1FCD0] =	vst v19  }
0x29: {  	v28 =	vor.u32 $0x10, v1;
	[tilespmem:$0x1FCF0] =	vst v21  }
0x2a: {  	v25 =	vor.u32 $0x410, v1;
	[tilespmem:$0x1FD10] =	vst v28  }
0x2b: {  	v32 =	vor.u32 $0x810, v1;
	[tilespmem:$0x1FD30] =	vst v25  }
0x2c: {  	v29 =	vor.u32 $0xC10, v1;
	[tilespmem:$0x1FD50] =	vst v32  }
0x2d: {  	v31 =	vor.u32 $0x1010, v1;
	[tilespmem:$0x1FD70] =	vst v29  }
0x2e: {  	v38 =	vor.u32 $0x1410, v1;
	[tilespmem:$0x1FD90] =	vst v31  }
0x2f: {  	v35 =	vor.u32 $0x1810, v1;
	[tilespmem:$0x1FDB0] =	vst v38  }
0x30: {  	v42 =	vor.u32 $0x1C10, v1;
	[tilespmem:$0x1FDD0] =	vst v35  }
0x31: {  	v39 =	vor.u32 $0x20, v1;
	[tilespmem:$0x1FDF0] =	vst v42  }
0x32: {  	v41 =	vor.u32 $0x420, v1;
	[tilespmem:$0x1FE10] =	vst v39  }
0x33: {  	v48 =	vor.u32 $0x820, v1;
	[tilespmem:$0x1FE30] =	vst v41  }
0x34: {  	s0 =	srdreg.scid;
	s28 =	simm.s32 $0x2800;
	s29 =	simm.s32 $0x2C00;
	v45 =	vor.u32 $0xC20, v1;
	[tilespmem:$0x1FE50] =	vst v48  }
0x35: {  	s30 =	simm.s32 $0x3000;
	s31 =	simm.s32 $0x3400;
	s0 =	sand.u32 $0x1, s0;
	v52 =	vor.u32 $0x1020, v1;
	[tilespmem:$0x1FE70] =	vst v45  }
0x36: {  	s17 =	simm.s32 $0x4000;
	s18 =	simm.s32 $0x2;
	s2 =	sor.u32 s0, s2;
	v49 =	vor.u32 $0x1420, v1;
	[tilespmem:$0x1FE90] =	vst v52  }
0x37: {  	s19 =	simm.s32 $0x6000;
	s20 =	simm.s32 $0x3;
	s5 =	smul.u32 $0x3D800, s2;
	v51 =	vor.u32 $0x1820, v1;
	[tilespmem:$0x1FEB0] =	vst v49  }
0x38: {  	s21 =	simm.s32 $0x4;
	s0 =	ssub.s32 $0x2, s0;
	s23 =	smul.u32 $0x7B00, s2;
	v58 =	vor.u32 $0x1C20, v1;
	[tilespmem:$0x1FED0] =	vst v51  }
0x39: {  	s24 =	sshrl.u32 s0, $0x1;
	s8 =	smul.u32 $0xF6, s2;
	v55 =	vor.u32 $0x30, v1;
	s2 =	simm.s32 $0x3800;
	[tilespmem:$0x1FEF0] =	vst v58  }
0x3a: {  	v62 =	vor.u32 $0x430, v1;
	s0 =	ssub.s32 s0, s24;
	s24 =	simm.s32 $0x1;
	[tilespmem:$0x1FF10] =	vst v55;
	s5 =	sshrl.u32 s5, $0x3  }
0x3b: {  	v59 =	vor.u32 $0x830, v1;
	[tilespmem:$0x1FF30] =	vst v62;
	s26 =	sadd.s32 s1, s23;
	s14 =	sor.u32 $0x1, s8;
	s15 =	sadd.s32 $0x2, s8  }
0x3c: {  	v61 =	vor.u32 $0xC30, v1;
	[tilespmem:$0x1FF50] =	vst v59;
	s16 =	smax.u32 s0, $0x1;
	s0 =	simm.s32 $0x3C00;
	s5 =	sadd.s32 s1, s5  }
0x3d: {  	v4 =	vor.u32 $0x1030, v1;
	[tilespmem:$0x1FF70] =	vst v61;
	[dreg:$0x7] =	wrdreg s26;
	s26 =	simm.s32 $0x2400;
	s6 =	sadd.s32 $0x1E8500, s5  }
0x3e: {  	v12 =	vor.u32 $0x1C30, v1;
	[tilespmem:$0x1FF90] =	vst v4;
	s22 =	sadd.s32 $0x2DC780, s5;
	s7 =	sadd.s32 $0x3D0A00, s5;
	[dreg:$0x3] =	wrdreg s6  }
0x3f: {  	v5 =	vor.u32 $0x1430, v1;
	[tilespmem:$0x1FFA0] =	vst v12;
	s25 =	sadd.s32 $0x4C4C80, s5;
	s11 =	sadd.s32 $0x5B8F00, s5;
	[dreg:$0x4] =	wrdreg s22  }
0x40: {  	v8 =	vor.u32 $0x1830, v1;
	[tilespmem:$0x1FFC0] =	vst v5;
	s12 =	sadd.s32 $0xF4280, s5;
	s13 =	sadd.s32 $0x6AD180, s5;
	[dreg:$0x5] =	wrdreg s7  }
0x41: {  	[tilespmem:$0x1FFE0] =	vst v8;
	[dreg:$0x6] =	wrdreg s25;
	s25 =	simm.s32 $0x2000;
	s22 =	simm.s32 $0x0  }
.LBB2_1:
0x42: {  	s5 =	rddreg [dreg:$0x7]  }
0x43: {  	[tilespmem:s4], [sflag:$0x1] =	stream.linear.gather [hbm4b:s5+s4], $0x400, $0x38;
	[tilespmem:$0x8000] =	vst v63  }
0x44: {  	s10 =	simm.s32 $0x400  }
0x45: {  	[tilespmem:s10], [sflag:$0x1] =	stream.linear.gather [hbm4b:s12+s4], $0x400, $0x38;
	[tilespmem:$0x8000] =	vst v63  }
0x46: {  	s23 =	rddreg [dreg:$0x3];
	s6 =	simm.s32 $0x800  }
0x47: {  	[tilespmem:s6], [sflag:$0x1] =	stream.linear.gather [hbm4b:s23+s4], $0x400, $0x38;
	[tilespmem:$0x8000] =	vst v63  }
0x48: {  	s7 =	rddreg [dreg:$0x4];
	s9 =	simm.s32 $0xC00  }
0x49: {  	[tilespmem:s9], [sflag:$0x1] =	stream.linear.gather [hbm4b:s7+s4], $0x400, $0x38;
	[tilespmem:$0x8000] =	vst v63  }
0x4a: {  	s10 =	rddreg [dreg:$0x5];
	s23 =	simm.s32 $0x1000  }
0x4b: {  	[tilespmem:s23], [sflag:$0x1] =	stream.linear.gather [hbm4b:s10+s4], $0x400, $0x38;
	[tilespmem:$0x8000] =	vst v63  }
0x4c: {  	s7 =	rddreg [dreg:$0x6];
	s9 =	simm.s32 $0x1400  }
0x4d: {  	[tilespmem:s9], [sflag:$0x1] =	stream.linear.gather [hbm4b:s7+s4], $0x400, $0x38;
	[tilespmem:$0x8000] =	vst v63  }
0x4e: {  	s10 =	simm.s32 $0x1800  }
0x4f: {  	[tilespmem:s10], [sflag:$0x1] =	stream.linear.gather [hbm4b:s11+s4], $0x400, $0x38;
	[tilespmem:$0x8000] =	vst v63  }
0x50: {  	s23 =	simm.s32 $0x1C00  }
0x51: {  	[tilespmem:s23], [sflag:$0x1] =	stream.linear.gather [hbm4b:s13+s4], $0x400, $0x38;
	[tilespmem:$0x8000] =	vst v63  }
0x52: {  	v0 =	vmovc v17;
	v17 =	vmov v6;
	v6 =	vmov v4;
	v4 =	vmov v11;
	s23 =	simm.s32 $0x0  }
.LBB2_2:
0x53: {  	s6 =	sshll.u32 s23, $0x1  }
0x54: {  	s5 =	sadd.s32 s6, s14  }
0x55: {  	_ =	swait.ge [sflag:s24], $0x2000;
	s5 =	smin.u32 s5, $0x1E84  }
0x56: {  	[sflag:s24] =	ssyncset.done $0x0;
	s7 =	sshll.u32 s5, $0x7;
	s5 =	sshll.u32 s5, $0xA  }
0x57: {  	[sflag:s24] =	ssyncadd.s32 $0xFFFFE000;
	s7 =	sadd.s32 s1, s7;
	s9 =	sshrl.u32 s5, $0x3  }
0x58: {  	[tilespmem:s25], [sflag:$0x2] =	stream.linear.gather [hbm4b:s7+s4], $0x400, $0x38;
	[tilespmem:$0x8000] =	vst v63  }
0x59: {  	s7 =	sadd.s32 s1, s9  }
0x5a: {  	s9 =	sadd.s32 $0xF4280, s7  }
0x5b: {  	[tilespmem:s26], [sflag:$0x2] =	stream.linear.gather [hbm4b:s9+s4], $0x400, $0x38;
	[tilespmem:$0x8000] =	vst v63  }
0x5c: {  	s10 =	sadd.s32 $0x1E8500, s7  }
0x5d: {  	[tilespmem:s28], [sflag:$0x2] =	stream.linear.gather [hbm4b:s10+s4], $0x400, $0x38;
	[tilespmem:$0x8000] =	vst v63  }
0x5e: {  	s10 =	sadd.s32 $0x2DC780, s7  }
0x5f: {  	[tilespmem:s29], [sflag:$0x2] =	stream.linear.gather [hbm4b:s10+s4], $0x400, $0x38;
	[tilespmem:$0x8000] =	vst v63  }
0x60: {  	s10 =	sadd.s32 $0x3D0A00, s7  }
0x61: {  	[tilespmem:s30], [sflag:$0x2] =	stream.linear.gather [hbm4b:s10+s4], $0x400, $0x38;
	[tilespmem:$0x8000] =	vst v63  }
0x62: {  	s10 =	sadd.s32 $0x4C4C80, s7  }
0x63: {  	[tilespmem:s31], [sflag:$0x2] =	stream.linear.gather [hbm4b:s10+s4], $0x400, $0x38;
	[tilespmem:$0x8000] =	vst v63  }
0x64: {  	v12 =	vlaneseq.u32;
	s10 =	simm.s32 $0x0  }
0x65: {  	v49 =	vmov v0;
	s9 =	sadd.s32 $0x5B8F00, s7;
	v0 =	vadd.s32 s10, v12  }
0x66: {  	v11 =	vmov v46;
	v46 =	vmov v2;
	[tilespmem:s2], [sflag:$0x2] =	stream.linear.gather [hbm4b:s9+s4], $0x400, $0x38;
	v2 =	vand.u32 $0xF, v0;
	[tilespmem:$0x8000] =	vst v63  }
0x67: {  	v3 =	vlaneseq.u32;
	v50 =	vmov v1;
	p0 =	seq.s32 s23, $0x0;
	s7 =	sadd.s32 $0x6AD180, s7;
	v1 =	vshll.u32 v2, $0x7  }
0x68: {  	[tilespmem:s0], [sflag:$0x2] =	stream.linear.gather [hbm4b:s7+s4], $0x400, $0x38;
	v3 =	vor.u32 v3, v1;
	[tilespmem:$0x8000] =	vst v63  }
0x69: {  	s7 =	simm.s32 @!p0 $0x3  }
0x6a: {  	v12 =	vld [tilespmem:$0x1FC10];
	_ =	swait.ge @!p0 [sflag:s7], $0x2000  }
0x6b: {  	[sflag:s7] =	ssyncset.done @!p0 $0x0  }
0x6c: {  	[sflag:s7] =	ssyncadd.s32 @!p0 $0xFFFFE000  }
0x6d: {  	v3 =	vld.idx.msk [tilespmem:v3+s4+$0x0], $0xffff;
	_ =	sdelay $0x4  }
0x6e: {  	[tilespmem:$0x1FBE0] =	vst v3;
	v3 =	vor.u32 v50, v2;
	v50 =	vor.u32 v12, v1  }
0x6f: {  	[tilespmem:$0x1FBF0] =	vst v50;
	v50 =	vld [tilespmem:$0x1FBE0];
	_ =	sdelay $0x4  }
0x70: {  	[tilespmem:v3+s17+$0x0] =	vst.idx.msk $0xffff, v50;
	v3 =	vld [tilespmem:$0x1FBF0];
	_ =	sdelay $0x7  }
0x71: {  	v50 =	vld.idx.msk [tilespmem:v3+s4+$0x0], $0xffff;
	v3 =	vor.u32 v46, v2  }
0x72: {  	v46 =	vor.u32 v13, v1;
	_ =	sdelay $0x3  }
0x73: {  	[tilespmem:v3+s17+$0x0] =	vst.idx.msk $0xffff, v50  }
0x74: {  	v3 =	vor.u32 v49, v2;
	v46 =	vld.idx.msk [tilespmem:v46+s4+$0x0], $0xffff  }
0x75: {  	v49 =	vor.u32 v17, v1;
	_ =	sdelay $0x3  }
0x76: {  	[tilespmem:v3+s17+$0x0] =	vst.idx.msk $0xffff, v46  }
0x77: {  	v3 =	vor.u32 v18, v2;
	v46 =	vld.idx.msk [tilespmem:v49+s4+$0x0], $0xffff  }
0x78: {  	v49 =	vor.u32 v14, v1;
	_ =	sdelay $0x3  }
0x79: {  	[tilespmem:v3+s17+$0x0] =	vst.idx.msk $0xffff, v46  }
0x7a: {  	v3 =	vor.u32 v15, v2;
	v46 =	vld.idx.msk [tilespmem:v49+s4+$0x0], $0xffff  }
0x7b: {  	v49 =	vor.u32 v16, v1;
	_ =	sdelay $0x3  }
0x7c: {  	[tilespmem:v3+s17+$0x0] =	vst.idx.msk $0xffff, v46  }
0x7d: {  	v3 =	vor.u32 v22, v2;
	v46 =	vld.idx.msk [tilespmem:v49+s4+$0x0], $0xffff  }
0x7e: {  	v49 =	vor.u32 v23, v1;
	_ =	sdelay $0x3  }
0x7f: {  	[tilespmem:v3+s17+$0x0] =	vst.idx.msk $0xffff, v46  }
0x80: {  	v3 =	vor.u32 v19, v2;
	v46 =	vld.idx.msk [tilespmem:v49+s4+$0x0], $0xffff  }
0x81: {  	v49 =	vor.u32 v20, v1;
	_ =	sdelay $0x3  }
0x82: {  	[tilespmem:v3+s17+$0x0] =	vst.idx.msk $0xffff, v46  }
0x83: {  	v3 =	vor.u32 v21, v2;
	v46 =	vld.idx.msk [tilespmem:v49+s4+$0x0], $0xffff  }
0x84: {  	v49 =	vor.u32 v27, v1;
	_ =	sdelay $0x3  }
0x85: {  	[tilespmem:v3+s17+$0x0] =	vst.idx.msk $0xffff, v46  }
0x86: {  	v3 =	vor.u32 v28, v0;
	v46 =	vld.idx.msk [tilespmem:v49+s4+$0x0], $0xffff  }
0x87: {  	v49 =	vor.u32 v24, v1;
	_ =	sdelay $0x3  }
0x88: {  	[tilespmem:v3+s17+$0x0] =	vst.idx.msk $0xffff, v46  }
0x89: {  	v3 =	vor.u32 v25, v0;
	v46 =	vld.idx.msk [tilespmem:v49+s4+$0x0], $0xffff  }
0x8a: {  	v49 =	vor.u32 v26, v1;
	_ =	sdelay $0x3  }
0x8b: {  	[tilespmem:v3+s17+$0x0] =	vst.idx.msk $0xffff, v46  }
0x8c: {  	v3 =	vor.u32 v32, v0;
	v46 =	vld.idx.msk [tilespmem:v49+s4+$0x0], $0xffff  }
0x8d: {  	v49 =	vor.u32 v33, v1;
	_ =	sdelay $0x3  }
0x8e: {  	[tilespmem:v3+s17+$0x0] =	vst.idx.msk $0xffff, v46  }
0x8f: {  	v3 =	vor.u32 v29, v0;
	v46 =	vld.idx.msk [tilespmem:v49+s4+$0x0], $0xffff  }
0x90: {  	v49 =	vor.u32 v30, v1;
	_ =	sdelay $0x3  }
0x91: {  	[tilespmem:v3+s17+$0x0] =	vst.idx.msk $0xffff, v46  }
0x92: {  	v3 =	vor.u32 v31, v0;
	v46 =	vld.idx.msk [tilespmem:v49+s4+$0x0], $0xffff  }
0x93: {  	v49 =	vor.u32 v37, v1;
	_ =	sdelay $0x3  }
0x94: {  	[tilespmem:v3+s17+$0x0] =	vst.idx.msk $0xffff, v46  }
0x95: {  	v3 =	vor.u32 v38, v0;
	v46 =	vld.idx.msk [tilespmem:v49+s4+$0x0], $0xffff  }
0x96: {  	v49 =	vor.u32 v34, v1;
	_ =	sdelay $0x3  }
0x97: {  	[tilespmem:v3+s17+$0x0] =	vst.idx.msk $0xffff, v46  }
0x98: {  	v3 =	vor.u32 v35, v0;
	v46 =	vld.idx.msk [tilespmem:v49+s4+$0x0], $0xffff  }
0x99: {  	v49 =	vor.u32 v36, v1;
	_ =	sdelay $0x3  }
0x9a: {  	[tilespmem:v3+s17+$0x0] =	vst.idx.msk $0xffff, v46  }
0x9b: {  	v3 =	vor.u32 v42, v0;
	v46 =	vld.idx.msk [tilespmem:v49+s4+$0x0], $0xffff  }
0x9c: {  	v49 =	vor.u32 v43, v1;
	_ =	sdelay $0x3  }
0x9d: {  	[tilespmem:v3+s17+$0x0] =	vst.idx.msk $0xffff, v46  }
0x9e: {  	v3 =	vor.u32 v39, v2;
	v46 =	vld.idx.msk [tilespmem:v49+s4+$0x0], $0xffff  }
0x9f: {  	v49 =	vor.u32 v40, v1;
	_ =	sdelay $0x3  }
0xa0: {  	[tilespmem:v3+s17+$0x0] =	vst.idx.msk $0xffff, v46  }
0xa1: {  	v3 =	vor.u32 v41, v2;
	v46 =	vld.idx.msk [tilespmem:v49+s4+$0x0], $0xffff  }
0xa2: {  	v49 =	vor.u32 v47, v1;
	_ =	sdelay $0x3  }
0xa3: {  	[tilespmem:v3+s17+$0x0] =	vst.idx.msk $0xffff, v46  }
0xa4: {  	v3 =	vor.u32 v48, v2;
	v46 =	vld.idx.msk [tilespmem:v49+s4+$0x0], $0xffff  }
0xa5: {  	v49 =	vor.u32 v44, v1;
	_ =	sdelay $0x3  }
0xa6: {  	[tilespmem:v3+s17+$0x0] =	vst.idx.msk $0xffff, v46  }
0xa7: {  	v3 =	vor.u32 v45, v2;
	v49 =	vld.idx.msk [tilespmem:v49+s4+$0x0], $0xffff  }
0xa8: {  	v46 =	vmov v11;
	v11 =	vor.u32 v11, v1;
	_ =	sdelay $0x3  }
0xa9: {  	[tilespmem:v3+s17+$0x0] =	vst.idx.msk $0xffff, v49  }
0xaa: {  	v3 =	vor.u32 v52, v2;
	v11 =	vld.idx.msk [tilespmem:v11+s4+$0x0], $0xffff  }
0xab: {  	v49 =	vor.u32 v53, v1;
	_ =	sdelay $0x3  }
0xac: {  	[tilespmem:v3+s17+$0x0] =	vst.idx.msk $0xffff, v11  }
0xad: {  	v11 =	vld.idx.msk [tilespmem:v49+s4+$0x0], $0xffff  }
0xae: {  	v49 =	vld [tilespmem:$0x1FEB0];
	_ =	sdelay $0x2  }
0xaf: {  	v50 =	vld [tilespmem:$0x1FEC0];
	_ =	sdelay $0x1  }
0xb0: {  	v3 =	vor.u32 v49, v2;
	_ =	sdelay $0x2  }
0xb1: {  	v12 =	vor.u32 v50, v1  }
0xb2: {  	[tilespmem:$0x1FC00] =	vst v12  }
0xb3: {  	[tilespmem:v3+s17+$0x0] =	vst.idx.msk $0xffff, v11;
	v3 =	vld [tilespmem:$0x1FC00];
	_ =	sdelay $0x7  }
0xb4: {  	v11 =	vld.idx.msk [tilespmem:v3+s4+$0x0], $0xffff;
	v3 =	vor.u32 v51, v2  }
0xb5: {  	v12 =	vor.u32 v57, v1;
	_ =	sdelay $0x3  }
0xb6: {  	[tilespmem:v3+s17+$0x0] =	vst.idx.msk $0xffff, v11  }
0xb7: {  	v2 =	vor.u32 v58, v2;
	v11 =	vld.idx.msk [tilespmem:v12+s4+$0x0], $0xffff  }
0xb8: {  	v3 =	vor.u32 v54, v1;
	_ =	sdelay $0x3  }
0xb9: {  	[tilespmem:v2+s17+$0x0] =	vst.idx.msk $0xffff, v11  }
0xba: {  	v11 =	vld.idx.msk [tilespmem:v3+s4+$0x0], $0xffff;
	v3 =	vor.u32 v55, v0  }
0xbb: {  	v2 =	vor.u32 v56, v1;
	_ =	sdelay $0x3  }
0xbc: {  	[tilespmem:v3+s17+$0x0] =	vst.idx.msk $0xffff, v11  }
0xbd: {  	v3 =	vor.u32 v62, v0;
	v11 =	vld.idx.msk [tilespmem:v2+s4+$0x0], $0xffff  }
0xbe: {  	v2 =	vor.u32 v63, v1;
	_ =	sdelay $0x3  }
0xbf: {  	[tilespmem:v3+s17+$0x0] =	vst.idx.msk $0xffff, v11  }
0xc0: {  	v3 =	vor.u32 v59, v0;
	v11 =	vld.idx.msk [tilespmem:v2+s4+$0x0], $0xffff  }
0xc1: {  	v2 =	vor.u32 v60, v1;
	_ =	sdelay $0x3  }
0xc2: {  	[tilespmem:v3+s17+$0x0] =	vst.idx.msk $0xffff, v11  }
0xc3: {  	v3 =	vor.u32 v61, v0;
	v11 =	vld.idx.msk [tilespmem:v2+s4+$0x0], $0xffff  }
0xc4: {  	v2 =	vor.u32 v4, v1;
	_ =	sdelay $0x3  }
0xc5: {  	[tilespmem:v3+s17+$0x0] =	vst.idx.msk $0xffff, v11  }
0xc6: {  	v3 =	vor.u32 v6, v0;
	v11 =	vld.idx.msk [tilespmem:v2+s4+$0x0], $0xffff  }
0xc7: {  	v2 =	vor.u32 v10, v1;
	_ =	sdelay $0x3  }
0xc8: {  	[tilespmem:v3+s17+$0x0] =	vst.idx.msk $0xffff, v11  }
0xc9: {  	v3 =	vor.u32 v5, v0;
	v10 =	vld.idx.msk [tilespmem:v2+s4+$0x0], $0xffff  }
0xca: {  	v2 =	vor.u32 v7, v1;
	_ =	sdelay $0x3  }
0xcb: {  	[tilespmem:v3+s17+$0x0] =	vst.idx.msk $0xffff, v10  }
0xcc: {  	v3 =	vor.u32 v8, v0;
	v2 =	vld.idx.msk [tilespmem:v2+s4+$0x0], $0xffff  }
0xcd: {  	v12 =	vmov v17  }
0xce: {  	v17 =	vmovc v22;
	v22 =	vmovc v27;
	v27 =	vmov v32;
	v32 =	vmov v37;
	v37 =	vmov v42  }
0xcf: {  	v42 =	vmovc v47;
	v47 =	vmovc v52;
	v52 =	vmov v57;
	v57 =	vmov v62;
	v62 =	vmov v4;
	v11 =	vld [tilespmem:$0x1FC50]  }
0xd0: {  	v1 =	vor.u32 v9, v1;
	v7 =	vld [tilespmem:$0x1FC20];
	v10 =	vmovc v13;
	v13 =	vmovc v18;
	v18 =	vmov v23;
	v23 =	vmov v28  }
0xd1: {  	s10 =	simm.s32 $0x1;
	v9 =	vld [tilespmem:$0x1FC30];
	v28 =	vmovc v33;
	v33 =	vmovc v38;
	v38 =	vmov v43;
	v43 =	vmov v48;
	[tilespmem:v3+s17+$0x0] =	vst.idx.msk $0xffff, v2;
	v2 =	vlaneseq.u32  }
0xd2: {  	s7 =	simm.s32 $0x2;
	v8 =	vld [tilespmem:$0x1FC10];
	v48 =	vmovc v53;
	v53 =	vmovc v58;
	v58 =	vmov v63;
	v63 =	vmov v6;
	v3 =	vadd.s32 s10, v2  }
.LBB2_3:
0xd3: {  	v5 =	vld [tilespmem:$0x1FFA0];
	_ =	sdelay $0x3  }
0xd4: {  	v2 =	vand.u32 $0xF, v3  }
0xd5: {  	v4 =	vld.idx.msk [tilespmem:v1+s4+$0x0], $0xffff;
	v6 =	vlaneseq.u32;
	v1 =	vshll.u32 v2, $0x7;
	v5 =	vor.u32 v5, v0  }
0xd6: {  	v0 =	vmov v3;
	v3 =	vor.u32 v6, v1;
	_ =	sdelay $0x3  }
0xd7: {  	[tilespmem:v5+s17+$0x0] =	vst.idx.msk $0xffff, v4  }
0xd8: {  	v4 =	vor.u32 v7, v2;
	v3 =	vld.idx.msk [tilespmem:v3+s4+$0x0], $0xffff  }
0xd9: {  	v5 =	vor.u32 v8, v1;
	_ =	sdelay $0x3  }
0xda: {  	[tilespmem:v4+s17+$0x0] =	vst.idx.msk $0xffff, v3  }
0xdb: {  	v4 =	vor.u32 v9, v2;
	v3 =	vld.idx.msk [tilespmem:v5+s4+$0x0], $0xffff  }
0xdc: {  	v5 =	vor.u32 v10, v1;
	_ =	sdelay $0x3  }
0xdd: {  	[tilespmem:v4+s17+$0x0] =	vst.idx.msk $0xffff, v3  }
0xde: {  	v4 =	vor.u32 v11, v2;
	v3 =	vld.idx.msk [tilespmem:v5+s4+$0x0], $0xffff  }
0xdf: {  	v5 =	vor.u32 v12, v1;
	_ =	sdelay $0x3  }
0xe0: {  	[tilespmem:v4+s17+$0x0] =	vst.idx.msk $0xffff, v3  }
0xe1: {  	v4 =	vor.u32 v13, v2;
	v3 =	vld.idx.msk [tilespmem:v5+s4+$0x0], $0xffff  }
0xe2: {  	v5 =	vor.u32 v14, v1;
	_ =	sdelay $0x3  }
0xe3: {  	[tilespmem:v4+s17+$0x0] =	vst.idx.msk $0xffff, v3  }
0xe4: {  	v4 =	vor.u32 v15, v2;
	v3 =	vld.idx.msk [tilespmem:v5+s4+$0x0], $0xffff  }
0xe5: {  	v5 =	vor.u32 v16, v1;
	_ =	sdelay $0x3  }
0xe6: {  	[tilespmem:v4+s17+$0x0] =	vst.idx.msk $0xffff, v3  }
0xe7: {  	v4 =	vor.u32 v17, v2;
	v3 =	vld.idx.msk [tilespmem:v5+s4+$0x0], $0xffff  }
0xe8: {  	v5 =	vor.u32 v18, v1;
	_ =	sdelay $0x3  }
0xe9: {  	[tilespmem:v4+s17+$0x0] =	vst.idx.msk $0xffff, v3  }
0xea: {  	v4 =	vor.u32 v19, v2;
	v3 =	vld.idx.msk [tilespmem:v5+s4+$0x0], $0xffff  }
0xeb: {  	v5 =	vor.u32 v20, v1;
	_ =	sdelay $0x3  }
0xec: {  	[tilespmem:v4+s17+$0x0] =	vst.idx.msk $0xffff, v3  }
0xed: {  	v4 =	vor.u32 v21, v2;
	v3 =	vld.idx.msk [tilespmem:v5+s4+$0x0], $0xffff  }
0xee: {  	v5 =	vor.u32 v22, v1;
	_ =	sdelay $0x3  }
0xef: {  	[tilespmem:v4+s17+$0x0] =	vst.idx.msk $0xffff, v3  }
0xf0: {  	v4 =	vor.u32 v23, v0;
	v3 =	vld.idx.msk [tilespmem:v5+s4+$0x0], $0xffff  }
0xf1: {  	v5 =	vor.u32 v24, v1;
	_ =	sdelay $0x3  }
0xf2: {  	[tilespmem:v4+s17+$0x0] =	vst.idx.msk $0xffff, v3  }
0xf3: {  	v4 =	vor.u32 v25, v0;
	v3 =	vld.idx.msk [tilespmem:v5+s4+$0x0], $0xffff  }
0xf4: {  	v5 =	vor.u32 v26, v1;
	_ =	sdelay $0x3  }
0xf5: {  	[tilespmem:v4+s17+$0x0] =	vst.idx.msk $0xffff, v3  }
0xf6: {  	v4 =	vor.u32 v27, v0;
	v3 =	vld.idx.msk [tilespmem:v5+s4+$0x0], $0xffff  }
0xf7: {  	v5 =	vor.u32 v28, v1;
	_ =	sdelay $0x3  }
0xf8: {  	[tilespmem:v4+s17+$0x0] =	vst.idx.msk $0xffff, v3  }
0xf9: {  	v4 =	vor.u32 v29, v0;
	v3 =	vld.idx.msk [tilespmem:v5+s4+$0x0], $0xffff  }
0xfa: {  	v5 =	vor.u32 v30, v1;
	_ =	sdelay $0x3  }
0xfb: {  	[tilespmem:v4+s17+$0x0] =	vst.idx.msk $0xffff, v3  }
0xfc: {  	v4 =	vor.u32 v31, v0;
	v3 =	vld.idx.msk [tilespmem:v5+s4+$0x0], $0xffff  }
0xfd: {  	v5 =	vor.u32 v32, v1;
	_ =	sdelay $0x3  }
0xfe: {  	[tilespmem:v4+s17+$0x0] =	vst.idx.msk $0xffff, v3  }
0xff: {  	v4 =	vor.u32 v33, v0;
	v3 =	vld.idx.msk [tilespmem:v5+s4+$0x0], $0xffff  }
0x100: {  	v5 =	vor.u32 v34, v1;
	_ =	sdelay $0x3  }
0x101: {  	[tilespmem:v4+s17+$0x0] =	vst.idx.msk $0xffff, v3  }
0x102: {  	v4 =	vor.u32 v35, v0;
	v3 =	vld.idx.msk [tilespmem:v5+s4+$0x0], $0xffff  }
0x103: {  	v5 =	vor.u32 v36, v1;
	_ =	sdelay $0x3  }
0x104: {  	[tilespmem:v4+s17+$0x0] =	vst.idx.msk $0xffff, v3  }
0x105: {  	v4 =	vor.u32 v37, v0;
	v3 =	vld.idx.msk [tilespmem:v5+s4+$0x0], $0xffff  }
0x106: {  	v5 =	vor.u32 v38, v1;
	_ =	sdelay $0x3  }
0x107: {  	[tilespmem:v4+s17+$0x0] =	vst.idx.msk $0xffff, v3  }
0x108: {  	v4 =	vor.u32 v39, v2;
	v3 =	vld.idx.msk [tilespmem:v5+s4+$0x0], $0xffff  }
0x109: {  	v5 =	vor.u32 v40, v1;
	_ =	sdelay $0x3  }
0x10a: {  	[tilespmem:v4+s17+$0x0] =	vst.idx.msk $0xffff, v3  }
0x10b: {  	v4 =	vor.u32 v41, v2;
	v3 =	vld.idx.msk [tilespmem:v5+s4+$0x0], $0xffff  }
0x10c: {  	v5 =	vor.u32 v42, v1;
	_ =	sdelay $0x3  }
0x10d: {  	[tilespmem:v4+s17+$0x0] =	vst.idx.msk $0xffff, v3  }
0x10e: {  	v4 =	vor.u32 v43, v2;
	v3 =	vld.idx.msk [tilespmem:v5+s4+$0x0], $0xffff  }
0x10f: {  	v5 =	vor.u32 v44, v1;
	_ =	sdelay $0x3  }
0x110: {  	[tilespmem:v4+s17+$0x0] =	vst.idx.msk $0xffff, v3  }
0x111: {  	v4 =	vor.u32 v45, v2;
	v3 =	vld.idx.msk [tilespmem:v5+s4+$0x0], $0xffff  }
0x112: {  	v5 =	vor.u32 v46, v1;
	_ =	sdelay $0x3  }
0x113: {  	[tilespmem:v4+s17+$0x0] =	vst.idx.msk $0xffff, v3  }
0x114: {  	v4 =	vor.u32 v47, v2;
	v3 =	vld.idx.msk [tilespmem:v5+s4+$0x0], $0xffff  }
0x115: {  	v5 =	vor.u32 v48, v1;
	_ =	sdelay $0x3  }
0x116: {  	[tilespmem:v4+s17+$0x0] =	vst.idx.msk $0xffff, v3  }
0x117: {  	v4 =	vor.u32 v49, v2;
	v3 =	vld.idx.msk [tilespmem:v5+s4+$0x0], $0xffff  }
0x118: {  	v5 =	vor.u32 v50, v1;
	_ =	sdelay $0x3  }
0x119: {  	[tilespmem:v4+s17+$0x0] =	vst.idx.msk $0xffff, v3  }
0x11a: {  	v4 =	vor.u32 v51, v2;
	v3 =	vld.idx.msk [tilespmem:v5+s4+$0x0], $0xffff  }
0x11b: {  	v5 =	vor.u32 v52, v1;
	_ =	sdelay $0x3  }
0x11c: {  	[tilespmem:v4+s17+$0x0] =	vst.idx.msk $0xffff, v3  }
0x11d: {  	v2 =	vor.u32 v53, v2;
	v3 =	vld.idx.msk [tilespmem:v5+s4+$0x0], $0xffff  }
0x11e: {  	v4 =	vor.u32 v54, v1;
	_ =	sdelay $0x3  }
0x11f: {  	[tilespmem:v2+s17+$0x0] =	vst.idx.msk $0xffff, v3  }
0x120: {  	v3 =	vor.u32 v55, v0;
	v2 =	vld.idx.msk [tilespmem:v4+s4+$0x0], $0xffff  }
0x121: {  	v4 =	vor.u32 v56, v1;
	_ =	sdelay $0x3  }
0x122: {  	[tilespmem:v3+s17+$0x0] =	vst.idx.msk $0xffff, v2  }
0x123: {  	v3 =	vor.u32 v57, v0;
	v2 =	vld.idx.msk [tilespmem:v4+s4+$0x0], $0xffff  }
0x124: {  	v4 =	vor.u32 v58, v1;
	_ =	sdelay $0x3  }
0x125: {  	[tilespmem:v3+s17+$0x0] =	vst.idx.msk $0xffff, v2  }
0x126: {  	v3 =	vor.u32 v59, v0;
	v2 =	vld.idx.msk [tilespmem:v4+s4+$0x0], $0xffff  }
0x127: {  	v4 =	vor.u32 v60, v1;
	_ =	sdelay $0x3  }
0x128: {  	[tilespmem:v3+s17+$0x0] =	vst.idx.msk $0xffff, v2  }
0x129: {  	v3 =	vor.u32 v61, v0;
	v2 =	vld.idx.msk [tilespmem:v4+s4+$0x0], $0xffff  }
0x12a: {  	v4 =	vor.u32 v62, v1;
	_ =	sdelay $0x3  }
0x12b: {  	[tilespmem:v3+s17+$0x0] =	vst.idx.msk $0xffff, v2  }
0x12c: {  	v2 =	vld.idx.msk [tilespmem:v4+s4+$0x0], $0xffff  }
0x12d: {  	v4 =	vld [tilespmem:$0x1FFF0];
	_ =	sdelay $0x1  }
0x12e: {  	v3 =	vor.u32 v63, v0;
	_ =	sdelay $0x2  }
0x12f: {  	v4 =	vor.u32 v4, v1;
	_ =	sdelay $0x1  }
0x130: {  	[tilespmem:v3+s17+$0x0] =	vst.idx.msk $0xffff, v2;
	v3 =	vld [tilespmem:$0x1FFC0];
	_ =	sdelay $0x2  }
0x131: {  	v2 =	vld.idx.msk [tilespmem:v4+s4+$0x0], $0xffff  }
0x132: {  	v4 =	vld [tilespmem:$0x1FFD0]  }
0x133: {  	v3 =	vor.u32 v3, v0;
	_ =	sdelay $0x3  }
0x134: {  	v4 =	vor.u32 v4, v1  }
0x135: {  	[tilespmem:v3+s17+$0x0] =	vst.idx.msk $0xffff, v2;
	v3 =	vld [tilespmem:$0x1FFE0];
	_ =	sdelay $0x3  }
0x136: {  	v2 =	vld.idx.msk [tilespmem:v4+s4+$0x0], $0xffff  }
0x137: {  	p0 =	sne.s32 s7, $0xF;
	v4 =	vor.u32 v3, v0;
	v3 =	vld [tilespmem:$0x1FFB0]  }
.Ltmp0:
0x138: {  	_ = 	snop;
	(pc) =	sbr.rel @p0 .LBB2_3-.Ltmp0, $2  }
0x139: {  	_ =	sdelay $0x2  }
0x13a: {  	v5 =	vlaneseq.u32;
	v1 =	vor.u32 v3, v1;
	v3 =	vadd.s32 s7, v6;
	s7 =	sadd.s32 $0x1, s7;
	[tilespmem:v4+s17+$0x0] =	vst.idx.msk $0xffff, v2  }
0x13b: {  	v6 =	vld [tilespmem:$0x1FFA0];
	_ =	sdelay $0x3  }
0x13c: {  	v2 =	vand.u32 $0xF, v3  }
0x13d: {  	v1 =	vld.idx.msk [tilespmem:v1+s4+$0x0], $0xffff;
	v4 =	vshll.u32 v2, $0x7;
	v0 =	vor.u32 v6, v0  }
0x13e: {  	v5 =	vor.u32 v5, v4;
	_ =	sdelay $0x3  }
0x13f: {  	[tilespmem:v0+s17+$0x0] =	vst.idx.msk $0xffff, v1  }
0x140: {  	v1 =	vor.u32 v7, v2;
	v0 =	vld.idx.msk [tilespmem:v5+s4+$0x0], $0xffff  }
0x141: {  	v5 =	vor.u32 v8, v4;
	_ =	sdelay $0x3  }
0x142: {  	[tilespmem:v1+s17+$0x0] =	vst.idx.msk $0xffff, v0  }
0x143: {  	v1 =	vor.u32 v9, v2;
	v0 =	vld.idx.msk [tilespmem:v5+s4+$0x0], $0xffff  }
0x144: {  	v5 =	vor.u32 v10, v4;
	_ =	sdelay $0x3  }
0x145: {  	[tilespmem:v1+s17+$0x0] =	vst.idx.msk $0xffff, v0  }
0x146: {  	v1 =	vor.u32 v11, v2;
	v0 =	vld.idx.msk [tilespmem:v5+s4+$0x0], $0xffff  }
0x147: {  	v5 =	vor.u32 v12, v4;
	_ =	sdelay $0x3  }
0x148: {  	[tilespmem:v1+s17+$0x0] =	vst.idx.msk $0xffff, v0  }
0x149: {  	v1 =	vor.u32 v13, v2;
	v0 =	vld.idx.msk [tilespmem:v5+s4+$0x0], $0xffff  }
0x14a: {  	v5 =	vor.u32 v14, v4;
	_ =	sdelay $0x3  }
0x14b: {  	[tilespmem:v1+s17+$0x0] =	vst.idx.msk $0xffff, v0  }
0x14c: {  	v1 =	vor.u32 v15, v2;
	v0 =	vld.idx.msk [tilespmem:v5+s4+$0x0], $0xffff  }
0x14d: {  	v5 =	vor.u32 v16, v4;
	_ =	sdelay $0x3  }
0x14e: {  	[tilespmem:v1+s17+$0x0] =	vst.idx.msk $0xffff, v0  }
0x14f: {  	v1 =	vor.u32 v17, v2;
	v0 =	vld.idx.msk [tilespmem:v5+s4+$0x0], $0xffff  }
0x150: {  	v5 =	vor.u32 v18, v4;
	_ =	sdelay $0x3  }
0x151: {  	[tilespmem:v1+s17+$0x0] =	vst.idx.msk $0xffff, v0  }
0x152: {  	v1 =	vor.u32 v19, v2;
	v0 =	vld.idx.msk [tilespmem:v5+s4+$0x0], $0xffff  }
0x153: {  	v5 =	vor.u32 v20, v4;
	_ =	sdelay $0x3  }
0x154: {  	[tilespmem:v1+s17+$0x0] =	vst.idx.msk $0xffff, v0  }
0x155: {  	v1 =	vor.u32 v21, v2;
	v0 =	vld.idx.msk [tilespmem:v5+s4+$0x0], $0xffff  }
0x156: {  	v5 =	vor.u32 v22, v4;
	_ =	sdelay $0x3  }
0x157: {  	[tilespmem:v1+s17+$0x0] =	vst.idx.msk $0xffff, v0  }
0x158: {  	v1 =	vor.u32 v23, v3;
	v0 =	vld.idx.msk [tilespmem:v5+s4+$0x0], $0xffff  }
0x159: {  	v5 =	vor.u32 v24, v4;
	_ =	sdelay $0x3  }
0x15a: {  	[tilespmem:v1+s17+$0x0] =	vst.idx.msk $0xffff, v0  }
0x15b: {  	v1 =	vor.u32 v25, v3;
	v0 =	vld.idx.msk [tilespmem:v5+s4+$0x0], $0xffff  }
0x15c: {  	v5 =	vor.u32 v26, v4;
	_ =	sdelay $0x3  }
0x15d: {  	[tilespmem:v1+s17+$0x0] =	vst.idx.msk $0xffff, v0  }
0x15e: {  	v1 =	vor.u32 v27, v3;
	v0 =	vld.idx.msk [tilespmem:v5+s4+$0x0], $0xffff  }
0x15f: {  	v5 =	vor.u32 v28, v4;
	_ =	sdelay $0x3  }
0x160: {  	[tilespmem:v1+s17+$0x0] =	vst.idx.msk $0xffff, v0  }
0x161: {  	v1 =	vor.u32 v29, v3;
	v0 =	vld.idx.msk [tilespmem:v5+s4+$0x0], $0xffff  }
0x162: {  	v5 =	vor.u32 v30, v4;
	_ =	sdelay $0x3  }
0x163: {  	[tilespmem:v1+s17+$0x0] =	vst.idx.msk $0xffff, v0  }
0x164: {  	v1 =	vor.u32 v31, v3;
	v0 =	vld.idx.msk [tilespmem:v5+s4+$0x0], $0xffff  }
0x165: {  	v5 =	vor.u32 v32, v4;
	_ =	sdelay $0x3  }
0x166: {  	[tilespmem:v1+s17+$0x0] =	vst.idx.msk $0xffff, v0  }
0x167: {  	v1 =	vor.u32 v33, v3;
	v0 =	vld.idx.msk [tilespmem:v5+s4+$0x0], $0xffff  }
0x168: {  	v5 =	vor.u32 v34, v4;
	_ =	sdelay $0x3  }
0x169: {  	[tilespmem:v1+s17+$0x0] =	vst.idx.msk $0xffff, v0  }
0x16a: {  	v1 =	vor.u32 v35, v3;
	v0 =	vld.idx.msk [tilespmem:v5+s4+$0x0], $0xffff  }
0x16b: {  	v5 =	vor.u32 v36, v4;
	_ =	sdelay $0x3  }
0x16c: {  	[tilespmem:v1+s17+$0x0] =	vst.idx.msk $0xffff, v0  }
0x16d: {  	v1 =	vor.u32 v37, v3;
	v0 =	vld.idx.msk [tilespmem:v5+s4+$0x0], $0xffff  }
0x16e: {  	v5 =	vor.u32 v38, v4;
	_ =	sdelay $0x3  }
0x16f: {  	[tilespmem:v1+s17+$0x0] =	vst.idx.msk $0xffff, v0  }
0x170: {  	v1 =	vor.u32 v39, v2;
	v0 =	vld.idx.msk [tilespmem:v5+s4+$0x0], $0xffff  }
0x171: {  	v5 =	vor.u32 v40, v4;
	_ =	sdelay $0x3  }
0x172: {  	[tilespmem:v1+s17+$0x0] =	vst.idx.msk $0xffff, v0  }
0x173: {  	v1 =	vor.u32 v41, v2;
	v0 =	vld.idx.msk [tilespmem:v5+s4+$0x0], $0xffff  }
0x174: {  	v5 =	vor.u32 v42, v4;
	_ =	sdelay $0x3  }
0x175: {  	[tilespmem:v1+s17+$0x0] =	vst.idx.msk $0xffff, v0  }
0x176: {  	v1 =	vor.u32 v43, v2;
	v0 =	vld.idx.msk [tilespmem:v5+s4+$0x0], $0xffff  }
0x177: {  	v5 =	vor.u32 v44, v4;
	_ =	sdelay $0x3  }
0x178: {  	[tilespmem:v1+s17+$0x0] =	vst.idx.msk $0xffff, v0  }
0x179: {  	v1 =	vor.u32 v45, v2;
	v0 =	vld.idx.msk [tilespmem:v5+s4+$0x0], $0xffff  }
0x17a: {  	v5 =	vor.u32 v46, v4;
	_ =	sdelay $0x3  }
0x17b: {  	[tilespmem:v1+s17+$0x0] =	vst.idx.msk $0xffff, v0  }
0x17c: {  	v1 =	vor.u32 v47, v2;
	v0 =	vld.idx.msk [tilespmem:v5+s4+$0x0], $0xffff  }
0x17d: {  	v5 =	vor.u32 v48, v4;
	_ =	sdelay $0x3  }
0x17e: {  	[tilespmem:v1+s17+$0x0] =	vst.idx.msk $0xffff, v0  }
0x17f: {  	v1 =	vor.u32 v49, v2;
	v0 =	vld.idx.msk [tilespmem:v5+s4+$0x0], $0xffff  }
0x180: {  	v5 =	vor.u32 v50, v4;
	_ =	sdelay $0x3  }
0x181: {  	[tilespmem:v1+s17+$0x0] =	vst.idx.msk $0xffff, v0  }
0x182: {  	v1 =	vor.u32 v51, v2;
	v0 =	vld.idx.msk [tilespmem:v5+s4+$0x0], $0xffff  }
0x183: {  	v5 =	vor.u32 v52, v4;
	_ =	sdelay $0x3  }
0x184: {  	[tilespmem:v1+s17+$0x0] =	vst.idx.msk $0xffff, v0  }
0x185: {  	v1 =	vor.u32 v53, v2;
	v0 =	vld.idx.msk [tilespmem:v5+s4+$0x0], $0xffff  }
0x186: {  	v2 =	vor.u32 v54, v4;
	_ =	sdelay $0x3  }
0x187: {  	[tilespmem:v1+s17+$0x0] =	vst.idx.msk $0xffff, v0  }
0x188: {  	v1 =	vor.u32 v55, v3;
	v0 =	vld.idx.msk [tilespmem:v2+s4+$0x0], $0xffff  }
0x189: {  	v2 =	vor.u32 v56, v4;
	_ =	sdelay $0x3  }
0x18a: {  	[tilespmem:v1+s17+$0x0] =	vst.idx.msk $0xffff, v0  }
0x18b: {  	v1 =	vor.u32 v57, v3;
	v0 =	vld.idx.msk [tilespmem:v2+s4+$0x0], $0xffff  }
0x18c: {  	v2 =	vor.u32 v58, v4;
	_ =	sdelay $0x3  }
0x18d: {  	[tilespmem:v1+s17+$0x0] =	vst.idx.msk $0xffff, v0  }
0x18e: {  	v1 =	vor.u32 v59, v3;
	v0 =	vld.idx.msk [tilespmem:v2+s4+$0x0], $0xffff  }
0x18f: {  	v2 =	vor.u32 v60, v4;
	_ =	sdelay $0x3  }
0x190: {  	[tilespmem:v1+s17+$0x0] =	vst.idx.msk $0xffff, v0  }
0x191: {  	v1 =	vor.u32 v61, v3;
	v0 =	vld.idx.msk [tilespmem:v2+s4+$0x0], $0xffff  }
0x192: {  	v2 =	vor.u32 v62, v4  }
0x193: {  	v58 =	vld [tilespmem:$0x1FFF0];
	_ =	sdelay $0x2  }
0x194: {  	[tilespmem:v1+s17+$0x0] =	vst.idx.msk $0xffff, v0  }
0x195: {  	v1 =	vor.u32 v63, v3;
	v0 =	vld.idx.msk [tilespmem:v2+s4+$0x0], $0xffff  }
0x196: {  	v2 =	vor.u32 v58, v4;
	_ =	sdelay $0x3  }
0x197: {  	v59 =	vld [tilespmem:$0x1FFC0];
	[tilespmem:v1+s17+$0x0] =	vst.idx.msk $0xffff, v0  }
0x198: {  	v0 =	vld.idx.msk [tilespmem:v2+s4+$0x0], $0xffff  }
0x199: {  	v2 =	vld [tilespmem:$0x1FFD0];
	_ =	sdelay $0x3  }
0x19a: {  	v1 =	vor.u32 v59, v3  }
0x19b: {  	v2 =	vor.u32 v2, v4;
	_ =	sdelay $0x3  }
0x19c: {  	[tilespmem:v1+s17+$0x0] =	vst.idx.msk $0xffff, v0;
	v1 =	vld [tilespmem:$0x1FFE0]  }
0x19d: {  	v0 =	vld.idx.msk [tilespmem:v2+s4+$0x0], $0xffff  }
0x19e: {  	v2 =	vld [tilespmem:$0x1FFB0];
	_ =	sdelay $0x3  }
0x19f: {  	v1 =	vor.u32 v1, v3  }
0x1a0: {  	v2 =	vor.u32 v2, v4;
	_ =	sdelay $0x3  }
0x1a1: {  	[tilespmem:v1+s17+$0x0] =	vst.idx.msk $0xffff, v0  }
0x1a2: {  	v1 =	vor.u32 v6, v3;
	v0 =	vld.idx.msk [tilespmem:v2+s4+$0x0], $0xffff;
	_ =	sdelay $0x1  }
0x1a3: {  	s7 =	sadd.s32 s8, s6  }
0x1a4: {  	s7 =	smin.u32 s7, $0x1E84  }
0x1a5: {  	p0 =	seq.s32 s23, $0x7A;
	s7 =	sshll.u32 s7, $0xA  }
0x1a6: {  	s6 =	sadd.s32 @!p0 s6, s15;
	s7 =	sadd.s32 s3, s7;
	[tilespmem:v1+s17+$0x0] =	vst.idx.msk $0xffff, v0  }
0x1a7: {  	[hbm4b:s7+s4] =	stream.linear.scatter [tilespmem:s17], [sflag:$0x3], $0x2000, $0x38;
	[tilespmem:$0x8000] =	vst v63  }
0x1a8: {  	s6 =	smin.u32 @!p0 s6, $0x1E84;
	_ =	swait.ge [sflag:s18], $0x2000  }
0x1a9: {  	s6 =	sshll.u32 @!p0 s6, $0x7;
	[sflag:s18] =	ssyncset.done $0x0  }
0x1aa: {  	s6 =	sadd.s32 @!p0 s1, s6;
	s7 =	simm.s32 @!p0 $0x0;
	[sflag:s18] =	ssyncadd.s32 $0xFFFFE000  }
0x1ab: {  	[tilespmem:s7], [sflag:$0x1] =	stream.linear.gather @!p0 [hbm4b:s6+s7], $0x400, $0x38;
	[tilespmem:$0x8000] =	vst v63  }
0x1ac: {  	s10 =	simm.s32 @!p0 $0x400;
	s9 =	sadd.s32 @!p0 $0xF4280, s6  }
0x1ad: {  	[tilespmem:s10], [sflag:$0x1] =	stream.linear.gather @!p0 [hbm4b:s9+s7], $0x400, $0x38;
	[tilespmem:$0x8000] =	vst v63  }
0x1ae: {  	s9 =	sadd.s32 @!p0 $0x1E8500, s6;
	s10 =	simm.s32 @!p0 $0x800  }
0x1af: {  	[tilespmem:s10], [sflag:$0x1] =	stream.linear.gather @!p0 [hbm4b:s9+s7], $0x400, $0x38;
	[tilespmem:$0x8000] =	vst v63  }
0x1b0: {  	s9 =	sadd.s32 @!p0 $0x2DC780, s6;
	s10 =	simm.s32 @!p0 $0xC00  }
0x1b1: {  	[tilespmem:s10], [sflag:$0x1] =	stream.linear.gather @!p0 [hbm4b:s9+s7], $0x400, $0x38;
	[tilespmem:$0x8000] =	vst v63  }
0x1b2: {  	s9 =	sadd.s32 @!p0 $0x3D0A00, s6;
	s10 =	simm.s32 @!p0 $0x1000  }
0x1b3: {  	[tilespmem:s10], [sflag:$0x1] =	stream.linear.gather @!p0 [hbm4b:s9+s7], $0x400, $0x38;
	[tilespmem:$0x8000] =	vst v63  }
0x1b4: {  	s9 =	sadd.s32 @!p0 $0x4C4C80, s6;
	s10 =	simm.s32 @!p0 $0x1400  }
0x1b5: {  	[tilespmem:s10], [sflag:$0x1] =	stream.linear.gather @!p0 [hbm4b:s9+s7], $0x400, $0x38;
	[tilespmem:$0x8000] =	vst v63  }
0x1b6: {  	s9 =	sadd.s32 @!p0 $0x5B8F00, s6;
	s10 =	simm.s32 @!p0 $0x1800  }
0x1b7: {  	[tilespmem:s10], [sflag:$0x1] =	stream.linear.gather @!p0 [hbm4b:s9+s7], $0x400, $0x38;
	[tilespmem:$0x8000] =	vst v63  }
0x1b8: {  	s6 =	sadd.s32 @!p0 $0x6AD180, s6;
	s9 =	simm.s32 @!p0 $0x1C00  }
0x1b9: {  	[tilespmem:s9], [sflag:$0x1] =	stream.linear.gather @!p0 [hbm4b:s6+s7], $0x400, $0x38;
	[tilespmem:$0x8000] =	vst v63  }
0x1ba: {  	v6 =	vlaneseq.u32;
	s9 =	simm.s32 $0x0  }
0x1bb: {  	p1 =	seq.s32 @!p0 s23, $0x0;
	v0 =	vadd.s32 s9, v6  }
0x1bc: {  	p0 =	por p0, !p1;
	v1 =	vand.u32 $0xF, v0  }
0x1bd: {  	_ =	swait.ge @p0 [sflag:s21], $0x2000;
	v2 =	vshll.u32 v1, $0x7  }
0x1be: {  	v4 =	vld [tilespmem:$0x1FC20];
	v3 =	vor.u32 v6, v2  }
0x1bf: {  	v5 =	vld [tilespmem:$0x1FC10];
	_ =	sdelay $0x1  }
0x1c0: {  	[sflag:s21] =	ssyncset.done @p0 $0x0  }
0x1c1: {  	[sflag:s21] =	ssyncadd.s32 @p0 $0xFFFFE000  }
0x1c2: {  	v13 =	vmov v4;
	v4 =	vor.u32 v4, v1;
	v3 =	vld.idx.msk [tilespmem:v3+s25+$0x0], $0xffff  }
0x1c3: {  	v14 =	vmov v5;
	v5 =	vor.u32 v5, v2;
	_ =	sdelay $0x3  }
0x1c4: {  	[tilespmem:v4+s19+$0x0] =	vst.idx.msk $0xffff, v3;
	v4 =	vld [tilespmem:$0x1FC30]  }
0x1c5: {  	v3 =	vld.idx.msk [tilespmem:v5+s25+$0x0], $0xffff  }
0x1c6: {  	v5 =	vld [tilespmem:$0x1FC40];
	_ =	sdelay $0x3  }
0x1c7: {  	v15 =	vmov v4;
	v4 =	vor.u32 v4, v1  }
0x1c8: {  	v16 =	vmov v5;
	v5 =	vor.u32 v5, v2;
	_ =	sdelay $0x3  }
0x1c9: {  	[tilespmem:v4+s19+$0x0] =	vst.idx.msk $0xffff, v3;
	v4 =	vld [tilespmem:$0x1FC50]  }
0x1ca: {  	v3 =	vld.idx.msk [tilespmem:v5+s25+$0x0], $0xffff  }
0x1cb: {  	v5 =	vld [tilespmem:$0x1FC60];
	_ =	sdelay $0x3  }
0x1cc: {  	v17 =	vmov v4;
	v4 =	vor.u32 v4, v1  }
0x1cd: {  	v5 =	vor.u32 v5, v2;
	_ =	sdelay $0x3  }
0x1ce: {  	[tilespmem:v4+s19+$0x0] =	vst.idx.msk $0xffff, v3;
	v4 =	vld [tilespmem:$0x1FC70]  }
0x1cf: {  	v3 =	vld.idx.msk [tilespmem:v5+s25+$0x0], $0xffff  }
0x1d0: {  	v5 =	vld [tilespmem:$0x1FC80];
	_ =	sdelay $0x3  }
0x1d1: {  	v18 =	vmov v4;
	v4 =	vor.u32 v4, v1  }
0x1d2: {  	v19 =	vmov v5;
	v5 =	vor.u32 v5, v2;
	_ =	sdelay $0x3  }
0x1d3: {  	[tilespmem:v4+s19+$0x0] =	vst.idx.msk $0xffff, v3;
	v4 =	vld [tilespmem:$0x1FC90]  }
0x1d4: {  	v3 =	vld.idx.msk [tilespmem:v5+s25+$0x0], $0xffff  }
0x1d5: {  	v5 =	vld [tilespmem:$0x1FCA0];
	_ =	sdelay $0x3  }
0x1d6: {  	v20 =	vmov v4;
	v4 =	vor.u32 v4, v1  }
0x1d7: {  	v21 =	vmov v5;
	v5 =	vor.u32 v5, v2;
	_ =	sdelay $0x3  }
0x1d8: {  	[tilespmem:v4+s19+$0x0] =	vst.idx.msk $0xffff, v3;
	v4 =	vld [tilespmem:$0x1FCB0]  }
0x1d9: {  	v3 =	vld.idx.msk [tilespmem:v5+s25+$0x0], $0xffff  }
0x1da: {  	v5 =	vld [tilespmem:$0x1FCC0];
	_ =	sdelay $0x3  }
0x1db: {  	v22 =	vmov v4;
	v4 =	vor.u32 v4, v1  }
0x1dc: {  	v23 =	vmov v5;
	v5 =	vor.u32 v5, v2;
	_ =	sdelay $0x3  }
0x1dd: {  	[tilespmem:v4+s19+$0x0] =	vst.idx.msk $0xffff, v3;
	v4 =	vld [tilespmem:$0x1FCD0]  }
0x1de: {  	v3 =	vld.idx.msk [tilespmem:v5+s25+$0x0], $0xffff  }
0x1df: {  	v5 =	vld [tilespmem:$0x1FCE0];
	_ =	sdelay $0x3  }
0x1e0: {  	v24 =	vmov v4;
	v4 =	vor.u32 v4, v1  }
0x1e1: {  	v25 =	vmov v5;
	v5 =	vor.u32 v5, v2;
	_ =	sdelay $0x3  }
0x1e2: {  	[tilespmem:v4+s19+$0x0] =	vst.idx.msk $0xffff, v3;
	v4 =	vld [tilespmem:$0x1FCF0]  }
0x1e3: {  	v3 =	vld.idx.msk [tilespmem:v5+s25+$0x0], $0xffff  }
0x1e4: {  	v5 =	vld [tilespmem:$0x1FD00];
	_ =	sdelay $0x3  }
0x1e5: {  	v26 =	vmov v4;
	v4 =	vor.u32 v4, v1  }
0x1e6: {  	v27 =	vmov v5;
	v5 =	vor.u32 v5, v2;
	_ =	sdelay $0x3  }
0x1e7: {  	[tilespmem:v4+s19+$0x0] =	vst.idx.msk $0xffff, v3;
	v4 =	vld [tilespmem:$0x1FD10]  }
0x1e8: {  	v3 =	vld.idx.msk [tilespmem:v5+s25+$0x0], $0xffff  }
0x1e9: {  	v5 =	vld [tilespmem:$0x1FD20];
	_ =	sdelay $0x3  }
0x1ea: {  	v28 =	vmov v4;
	v4 =	vor.u32 v4, v0  }
0x1eb: {  	v29 =	vmov v5;
	v5 =	vor.u32 v5, v2;
	_ =	sdelay $0x3  }
0x1ec: {  	[tilespmem:v4+s19+$0x0] =	vst.idx.msk $0xffff, v3;
	v4 =	vld [tilespmem:$0x1FD30]  }
0x1ed: {  	v3 =	vld.idx.msk [tilespmem:v5+s25+$0x0], $0xffff  }
0x1ee: {  	v5 =	vld [tilespmem:$0x1FD40];
	_ =	sdelay $0x3  }
0x1ef: {  	v30 =	vmov v4;
	v4 =	vor.u32 v4, v0  }
0x1f0: {  	v31 =	vmov v5;
	v5 =	vor.u32 v5, v2;
	_ =	sdelay $0x3  }
0x1f1: {  	[tilespmem:v4+s19+$0x0] =	vst.idx.msk $0xffff, v3;
	v4 =	vld [tilespmem:$0x1FD50]  }
0x1f2: {  	v3 =	vld.idx.msk [tilespmem:v5+s25+$0x0], $0xffff  }
0x1f3: {  	v5 =	vld [tilespmem:$0x1FD60];
	_ =	sdelay $0x3  }
0x1f4: {  	v32 =	vmov v4;
	v4 =	vor.u32 v4, v0  }
0x1f5: {  	v33 =	vmov v5;
	v5 =	vor.u32 v5, v2;
	_ =	sdelay $0x3  }
0x1f6: {  	[tilespmem:v4+s19+$0x0] =	vst.idx.msk $0xffff, v3;
	v4 =	vld [tilespmem:$0x1FD70]  }
0x1f7: {  	v3 =	vld.idx.msk [tilespmem:v5+s25+$0x0], $0xffff  }
0x1f8: {  	v5 =	vld [tilespmem:$0x1FD80];
	_ =	sdelay $0x3  }
0x1f9: {  	v34 =	vmov v4;
	v4 =	vor.u32 v4, v0  }
0x1fa: {  	v35 =	vmov v5;
	v5 =	vor.u32 v5, v2;
	_ =	sdelay $0x3  }
0x1fb: {  	[tilespmem:v4+s19+$0x0] =	vst.idx.msk $0xffff, v3;
	v4 =	vld [tilespmem:$0x1FD90]  }
0x1fc: {  	v3 =	vld.idx.msk [tilespmem:v5+s25+$0x0], $0xffff  }
0x1fd: {  	v5 =	vld [tilespmem:$0x1FDA0];
	_ =	sdelay $0x3  }
0x1fe: {  	v36 =	vmov v4;
	v4 =	vor.u32 v4, v0  }
0x1ff: {  	v37 =	vmov v5;
	v5 =	vor.u32 v5, v2;
	_ =	sdelay $0x3  }
0x200: {  	[tilespmem:v4+s19+$0x0] =	vst.idx.msk $0xffff, v3;
	v4 =	vld [tilespmem:$0x1FDB0]  }
0x201: {  	v3 =	vld.idx.msk [tilespmem:v5+s25+$0x0], $0xffff  }
0x202: {  	v5 =	vld [tilespmem:$0x1FDC0];
	_ =	sdelay $0x3  }
0x203: {  	v38 =	vmov v4;
	v4 =	vor.u32 v4, v0  }
0x204: {  	v39 =	vmov v5;
	v5 =	vor.u32 v5, v2;
	_ =	sdelay $0x3  }
0x205: {  	[tilespmem:v4+s19+$0x0] =	vst.idx.msk $0xffff, v3;
	v4 =	vld [tilespmem:$0x1FDD0]  }
0x206: {  	v3 =	vld.idx.msk [tilespmem:v5+s25+$0x0], $0xffff  }
0x207: {  	v5 =	vld [tilespmem:$0x1FDE0];
	_ =	sdelay $0x3  }
0x208: {  	v40 =	vmov v4;
	v4 =	vor.u32 v4, v0  }
0x209: {  	v41 =	vmov v5;
	v5 =	vor.u32 v5, v2;
	_ =	sdelay $0x3  }
0x20a: {  	[tilespmem:v4+s19+$0x0] =	vst.idx.msk $0xffff, v3;
	v4 =	vld [tilespmem:$0x1FDF0]  }
0x20b: {  	v3 =	vld.idx.msk [tilespmem:v5+s25+$0x0], $0xffff  }
0x20c: {  	v5 =	vld [tilespmem:$0x1FE00];
	_ =	sdelay $0x3  }
0x20d: {  	v42 =	vmov v4;
	v4 =	vor.u32 v4, v0  }
0x20e: {  	v43 =	vmov v5;
	v5 =	vor.u32 v5, v2;
	_ =	sdelay $0x3  }
0x20f: {  	[tilespmem:v4+s19+$0x0] =	vst.idx.msk $0xffff, v3;
	v4 =	vld [tilespmem:$0x1FE10]  }
0x210: {  	v3 =	vld.idx.msk [tilespmem:v5+s25+$0x0], $0xffff  }
0x211: {  	v5 =	vld [tilespmem:$0x1FE20];
	_ =	sdelay $0x3  }
0x212: {  	v44 =	vmov v4;
	v4 =	vor.u32 v4, v1  }
0x213: {  	v45 =	vmov v5;
	v5 =	vor.u32 v5, v2;
	_ =	sdelay $0x3  }
0x214: {  	[tilespmem:v4+s19+$0x0] =	vst.idx.msk $0xffff, v3;
	v4 =	vld [tilespmem:$0x1FE30]  }
0x215: {  	v3 =	vld.idx.msk [tilespmem:v5+s25+$0x0], $0xffff  }
0x216: {  	v5 =	vld [tilespmem:$0x1FE40];
	_ =	sdelay $0x3  }
0x217: {  	v46 =	vmov v4;
	v4 =	vor.u32 v4, v1  }
0x218: {  	v47 =	vmov v5;
	v5 =	vor.u32 v5, v2;
	_ =	sdelay $0x3  }
0x219: {  	[tilespmem:v4+s19+$0x0] =	vst.idx.msk $0xffff, v3;
	v4 =	vld [tilespmem:$0x1FE50]  }
0x21a: {  	v3 =	vld.idx.msk [tilespmem:v5+s25+$0x0], $0xffff  }
0x21b: {  	v5 =	vld [tilespmem:$0x1FE60];
	_ =	sdelay $0x2  }
0x21c: {  	v48 =	vmov v4;
	v4 =	vor.u32 v4, v1;
	_ =	sdelay $0x1  }
0x21d: {  	v49 =	vmov v5;
	v5 =	vor.u32 v5, v2;
	_ =	sdelay $0x2  }
0x21e: {  	[tilespmem:v4+s19+$0x0] =	vst.idx.msk $0xffff, v3;
	v4 =	vld [tilespmem:$0x1FE70];
	_ =	sdelay $0x1  }
0x21f: {  	v3 =	vld.idx.msk [tilespmem:v5+s25+$0x0], $0xffff  }
0x220: {  	v5 =	vld [tilespmem:$0x1FE80];
	_ =	sdelay $0x1  }
0x221: {  	v50 =	vmov v4;
	v4 =	vor.u32 v4, v1;
	_ =	sdelay $0x2  }
0x222: {  	v51 =	vmov v5;
	v5 =	vor.u32 v5, v2;
	_ =	sdelay $0x1  }
0x223: {  	[tilespmem:v4+s19+$0x0] =	vst.idx.msk $0xffff, v3;
	v4 =	vld [tilespmem:$0x1FE90];
	_ =	sdelay $0x2  }
0x224: {  	v3 =	vld.idx.msk [tilespmem:v5+s25+$0x0], $0xffff  }
0x225: {  	v5 =	vld [tilespmem:$0x1FEA0]  }
0x226: {  	v52 =	vmov v4;
	v4 =	vor.u32 v4, v1;
	_ =	sdelay $0x3  }
0x227: {  	v53 =	vmov v5;
	v5 =	vor.u32 v5, v2  }
0x228: {  	[tilespmem:v4+s19+$0x0] =	vst.idx.msk $0xffff, v3;
	v4 =	vld [tilespmem:$0x1FEB0];
	_ =	sdelay $0x3  }
0x229: {  	v3 =	vld.idx.msk [tilespmem:v5+s25+$0x0], $0xffff  }
0x22a: {  	v5 =	vld [tilespmem:$0x1FEC0];
	v54 =	vmov v4;
	v4 =	vor.u32 v4, v1;
	_ =	sdelay $0x4  }
0x22b: {  	v55 =	vmov v5;
	v5 =	vor.u32 v5, v2;
	[tilespmem:v4+s19+$0x0] =	vst.idx.msk $0xffff, v3;
	v4 =	vld [tilespmem:$0x1FED0];
	_ =	sdelay $0x4  }
0x22c: {  	v3 =	vld.idx.msk [tilespmem:v5+s25+$0x0], $0xffff;
	v56 =	vmov v4;
	v4 =	vor.u32 v4, v1;
	_ =	sdelay $0x3  }
0x22d: {  	v5 =	vld [tilespmem:$0x1FEE0]  }
0x22e: {  	[tilespmem:v4+s19+$0x0] =	vst.idx.msk $0xffff, v3;
	v4 =	vld [tilespmem:$0x1FEF0];
	_ =	sdelay $0x3  }
0x22f: {  	v57 =	vmov v5;
	v5 =	vor.u32 v5, v2  }
0x230: {  	v58 =	vmov v4;
	v1 =	vor.u32 v4, v1;
	v4 =	vld [tilespmem:$0x1FF00];
	_ =	sdelay $0x3  }
0x231: {  	v3 =	vld.idx.msk [tilespmem:v5+s25+$0x0], $0xffff  }
0x232: {  	v59 =	vmov v4;
	v4 =	vor.u32 v4, v2;
	_ =	sdelay $0x3  }
0x233: {  	[tilespmem:v1+s19+$0x0] =	vst.idx.msk $0xffff, v3;
	v3 =	vld [tilespmem:$0x1FF10]  }
0x234: {  	v1 =	vld.idx.msk [tilespmem:v4+s25+$0x0], $0xffff  }
0x235: {  	v4 =	vld [tilespmem:$0x1FF20];
	_ =	sdelay $0x3  }
0x236: {  	v60 =	vmov v3;
	v3 =	vor.u32 v3, v0  }
0x237: {  	v61 =	vmov v4;
	v4 =	vor.u32 v4, v2;
	_ =	sdelay $0x3  }
0x238: {  	[tilespmem:v3+s19+$0x0] =	vst.idx.msk $0xffff, v1;
	v3 =	vld [tilespmem:$0x1FF30]  }
0x239: {  	v1 =	vld.idx.msk [tilespmem:v4+s25+$0x0], $0xffff  }
0x23a: {  	v4 =	vld [tilespmem:$0x1FF40];
	_ =	sdelay $0x3  }
0x23b: {  	v62 =	vmov v3;
	v3 =	vor.u32 v3, v0  }
0x23c: {  	v63 =	vmov v4;
	v4 =	vor.u32 v4, v2;
	_ =	sdelay $0x3  }
0x23d: {  	[tilespmem:v3+s19+$0x0] =	vst.idx.msk $0xffff, v1;
	v3 =	vld [tilespmem:$0x1FF50]  }
0x23e: {  	v1 =	vld.idx.msk [tilespmem:v4+s25+$0x0], $0xffff  }
0x23f: {  	v4 =	vld [tilespmem:$0x1FF60];
	_ =	sdelay $0x2  }
0x240: {  	v3 =	vor.u32 v3, v0;
	_ =	sdelay $0x1  }
0x241: {  	v4 =	vor.u32 v4, v2;
	_ =	sdelay $0x2  }
0x242: {  	[tilespmem:v3+s19+$0x0] =	vst.idx.msk $0xffff, v1;
	v3 =	vld [tilespmem:$0x1FF70];
	_ =	sdelay $0x1  }
0x243: {  	v1 =	vld.idx.msk [tilespmem:v4+s25+$0x0], $0xffff  }
0x244: {  	v4 =	vld [tilespmem:$0x1FF80];
	_ =	sdelay $0x1  }
0x245: {  	v8 =	vmov v3;
	v3 =	vor.u32 v3, v0;
	_ =	sdelay $0x2  }
0x246: {  	v9 =	vmov v4;
	v4 =	vor.u32 v4, v2;
	_ =	sdelay $0x1  }
0x247: {  	[tilespmem:v3+s19+$0x0] =	vst.idx.msk $0xffff, v1;
	v3 =	vld [tilespmem:$0x1FF90];
	_ =	sdelay $0x2  }
0x248: {  	v1 =	vld.idx.msk [tilespmem:v4+s25+$0x0], $0xffff  }
0x249: {  	v4 =	vld [tilespmem:$0x1FFF0]  }
0x24a: {  	v10 =	vmov v3;
	v3 =	vor.u32 v3, v0;
	_ =	sdelay $0x3  }
0x24b: {  	v12 =	vmov v4;
	v4 =	vor.u32 v4, v2  }
0x24c: {  	[tilespmem:v3+s19+$0x0] =	vst.idx.msk $0xffff, v1;
	v3 =	vld [tilespmem:$0x1FFC0];
	_ =	sdelay $0x3  }
0x24d: {  	v1 =	vld.idx.msk [tilespmem:v4+s25+$0x0], $0xffff  }
0x24e: {  	v3 =	vor.u32 v3, v0;
	v4 =	vld [tilespmem:$0x1FFD0];
	_ =	sdelay $0x4  }
0x24f: {  	v4 =	vor.u32 v4, v2;
	[tilespmem:v3+s19+$0x0] =	vst.idx.msk $0xffff, v1;
	v3 =	vld [tilespmem:$0x1FFE0];
	_ =	sdelay $0x4  }
0x250: {  	v1 =	vld.idx.msk [tilespmem:v4+s25+$0x0], $0xffff;
	v3 =	vor.u32 v3, v0;
	_ =	sdelay $0x4  }
0x251: {  	[tilespmem:v3+s19+$0x0] =	vst.idx.msk $0xffff, v1;
	v1 =	vld [tilespmem:$0x1FFB0];
	_ =	sdelay $0x3  }
0x252: {  	s10 =	simm.s32 $0x1  }
0x253: {  	s23 =	sadd.s32 $0x1, s23;
	s6 =	simm.s32 $0x2;
	v3 =	vadd.s32 s10, v6;
	v6 =	vld [tilespmem:$0x1FFA0];
	v11 =	vmov v1;
	v1 =	vor.u32 v1, v2  }
.LBB2_5:
0x254: {  	_ =	sdelay $0x2  }
0x255: {  	v2 =	vand.u32 $0xF, v3  }
0x256: {  	v4 =	vld.idx.msk [tilespmem:v1+s25+$0x0], $0xffff;
	v5 =	vor.u32 v6, v0;
	v7 =	vlaneseq.u32;
	v1 =	vshll.u32 v2, $0x7  }
0x257: {  	v0 =	vmov v3;
	v3 =	vor.u32 v7, v1;
	_ =	sdelay $0x3  }
0x258: {  	[tilespmem:v5+s19+$0x0] =	vst.idx.msk $0xffff, v4  }
0x259: {  	v4 =	vor.u32 v13, v2;
	v3 =	vld.idx.msk [tilespmem:v3+s25+$0x0], $0xffff  }
0x25a: {  	v5 =	vor.u32 v14, v1;
	_ =	sdelay $0x3  }
0x25b: {  	[tilespmem:v4+s19+$0x0] =	vst.idx.msk $0xffff, v3  }
0x25c: {  	v4 =	vor.u32 v15, v2;
	v3 =	vld.idx.msk [tilespmem:v5+s25+$0x0], $0xffff  }
0x25d: {  	v5 =	vor.u32 v16, v1;
	_ =	sdelay $0x3  }
0x25e: {  	[tilespmem:v4+s19+$0x0] =	vst.idx.msk $0xffff, v3  }
0x25f: {  	v3 =	vld.idx.msk [tilespmem:v5+s25+$0x0], $0xffff  }
0x260: {  	v5 =	vld [tilespmem:$0x1FC60];
	_ =	sdelay $0x3  }
0x261: {  	v4 =	vor.u32 v17, v2  }
0x262: {  	v5 =	vor.u32 v5, v1;
	_ =	sdelay $0x3  }
0x263: {  	[tilespmem:v4+s19+$0x0] =	vst.idx.msk $0xffff, v3  }
0x264: {  	v4 =	vor.u32 v18, v2;
	v3 =	vld.idx.msk [tilespmem:v5+s25+$0x0], $0xffff  }
0x265: {  	v5 =	vor.u32 v19, v1;
	_ =	sdelay $0x3  }
0x266: {  	[tilespmem:v4+s19+$0x0] =	vst.idx.msk $0xffff, v3  }
0x267: {  	v4 =	vor.u32 v20, v2;
	v3 =	vld.idx.msk [tilespmem:v5+s25+$0x0], $0xffff  }
0x268: {  	v5 =	vor.u32 v21, v1;
	_ =	sdelay $0x3  }
0x269: {  	[tilespmem:v4+s19+$0x0] =	vst.idx.msk $0xffff, v3  }
0x26a: {  	v4 =	vor.u32 v22, v2;
	v3 =	vld.idx.msk [tilespmem:v5+s25+$0x0], $0xffff  }
0x26b: {  	v5 =	vor.u32 v23, v1;
	_ =	sdelay $0x3  }
0x26c: {  	[tilespmem:v4+s19+$0x0] =	vst.idx.msk $0xffff, v3  }
0x26d: {  	v4 =	vor.u32 v24, v2;
	v3 =	vld.idx.msk [tilespmem:v5+s25+$0x0], $0xffff  }
0x26e: {  	v5 =	vor.u32 v25, v1;
	_ =	sdelay $0x3  }
0x26f: {  	[tilespmem:v4+s19+$0x0] =	vst.idx.msk $0xffff, v3  }
0x270: {  	v4 =	vor.u32 v26, v2;
	v3 =	vld.idx.msk [tilespmem:v5+s25+$0x0], $0xffff  }
0x271: {  	v5 =	vor.u32 v27, v1;
	_ =	sdelay $0x3  }
0x272: {  	[tilespmem:v4+s19+$0x0] =	vst.idx.msk $0xffff, v3  }
0x273: {  	v4 =	vor.u32 v28, v0;
	v3 =	vld.idx.msk [tilespmem:v5+s25+$0x0], $0xffff  }
0x274: {  	v5 =	vor.u32 v29, v1;
	_ =	sdelay $0x3  }
0x275: {  	[tilespmem:v4+s19+$0x0] =	vst.idx.msk $0xffff, v3  }
0x276: {  	v4 =	vor.u32 v30, v0;
	v3 =	vld.idx.msk [tilespmem:v5+s25+$0x0], $0xffff  }
0x277: {  	v5 =	vor.u32 v31, v1;
	_ =	sdelay $0x3  }
0x278: {  	[tilespmem:v4+s19+$0x0] =	vst.idx.msk $0xffff, v3  }
0x279: {  	v4 =	vor.u32 v32, v0;
	v3 =	vld.idx.msk [tilespmem:v5+s25+$0x0], $0xffff  }
0x27a: {  	v5 =	vor.u32 v33, v1;
	_ =	sdelay $0x3  }
0x27b: {  	[tilespmem:v4+s19+$0x0] =	vst.idx.msk $0xffff, v3  }
0x27c: {  	v4 =	vor.u32 v34, v0;
	v3 =	vld.idx.msk [tilespmem:v5+s25+$0x0], $0xffff  }
0x27d: {  	v5 =	vor.u32 v35, v1;
	_ =	sdelay $0x3  }
0x27e: {  	[tilespmem:v4+s19+$0x0] =	vst.idx.msk $0xffff, v3  }
0x27f: {  	v4 =	vor.u32 v36, v0;
	v3 =	vld.idx.msk [tilespmem:v5+s25+$0x0], $0xffff  }
0x280: {  	v5 =	vor.u32 v37, v1;
	_ =	sdelay $0x3  }
0x281: {  	[tilespmem:v4+s19+$0x0] =	vst.idx.msk $0xffff, v3  }
0x282: {  	v4 =	vor.u32 v38, v0;
	v3 =	vld.idx.msk [tilespmem:v5+s25+$0x0], $0xffff  }
0x283: {  	v5 =	vor.u32 v39, v1;
	_ =	sdelay $0x3  }
0x284: {  	[tilespmem:v4+s19+$0x0] =	vst.idx.msk $0xffff, v3  }
0x285: {  	v4 =	vor.u32 v40, v0;
	v3 =	vld.idx.msk [tilespmem:v5+s25+$0x0], $0xffff  }
0x286: {  	v5 =	vor.u32 v41, v1;
	_ =	sdelay $0x3  }
0x287: {  	[tilespmem:v4+s19+$0x0] =	vst.idx.msk $0xffff, v3  }
0x288: {  	v4 =	vor.u32 v42, v0;
	v3 =	vld.idx.msk [tilespmem:v5+s25+$0x0], $0xffff  }
0x289: {  	v5 =	vor.u32 v43, v1;
	_ =	sdelay $0x3  }
0x28a: {  	[tilespmem:v4+s19+$0x0] =	vst.idx.msk $0xffff, v3  }
0x28b: {  	v4 =	vor.u32 v44, v2;
	v3 =	vld.idx.msk [tilespmem:v5+s25+$0x0], $0xffff  }
0x28c: {  	v5 =	vor.u32 v45, v1;
	_ =	sdelay $0x3  }
0x28d: {  	[tilespmem:v4+s19+$0x0] =	vst.idx.msk $0xffff, v3  }
0x28e: {  	v4 =	vor.u32 v46, v2;
	v3 =	vld.idx.msk [tilespmem:v5+s25+$0x0], $0xffff  }
0x28f: {  	v5 =	vor.u32 v47, v1;
	_ =	sdelay $0x3  }
0x290: {  	[tilespmem:v4+s19+$0x0] =	vst.idx.msk $0xffff, v3  }
0x291: {  	v4 =	vor.u32 v48, v2;
	v3 =	vld.idx.msk [tilespmem:v5+s25+$0x0], $0xffff  }
0x292: {  	v5 =	vor.u32 v49, v1;
	_ =	sdelay $0x3  }
0x293: {  	[tilespmem:v4+s19+$0x0] =	vst.idx.msk $0xffff, v3  }
0x294: {  	v4 =	vor.u32 v50, v2;
	v3 =	vld.idx.msk [tilespmem:v5+s25+$0x0], $0xffff  }
0x295: {  	v5 =	vor.u32 v51, v1;
	_ =	sdelay $0x3  }
0x296: {  	[tilespmem:v4+s19+$0x0] =	vst.idx.msk $0xffff, v3  }
0x297: {  	v4 =	vor.u32 v52, v2;
	v3 =	vld.idx.msk [tilespmem:v5+s25+$0x0], $0xffff  }
0x298: {  	v5 =	vor.u32 v53, v1;
	_ =	sdelay $0x3  }
0x299: {  	[tilespmem:v4+s19+$0x0] =	vst.idx.msk $0xffff, v3  }
0x29a: {  	v4 =	vor.u32 v54, v2;
	v3 =	vld.idx.msk [tilespmem:v5+s25+$0x0], $0xffff  }
0x29b: {  	v5 =	vor.u32 v55, v1;
	_ =	sdelay $0x3  }
0x29c: {  	[tilespmem:v4+s19+$0x0] =	vst.idx.msk $0xffff, v3  }
0x29d: {  	v4 =	vor.u32 v56, v2;
	v3 =	vld.idx.msk [tilespmem:v5+s25+$0x0], $0xffff  }
0x29e: {  	v5 =	vor.u32 v57, v1;
	_ =	sdelay $0x3  }
0x29f: {  	[tilespmem:v4+s19+$0x0] =	vst.idx.msk $0xffff, v3  }
0x2a0: {  	v2 =	vor.u32 v58, v2;
	v3 =	vld.idx.msk [tilespmem:v5+s25+$0x0], $0xffff  }
0x2a1: {  	v4 =	vor.u32 v59, v1;
	_ =	sdelay $0x3  }
0x2a2: {  	[tilespmem:v2+s19+$0x0] =	vst.idx.msk $0xffff, v3  }
0x2a3: {  	v3 =	vor.u32 v60, v0;
	v2 =	vld.idx.msk [tilespmem:v4+s25+$0x0], $0xffff  }
0x2a4: {  	v4 =	vor.u32 v61, v1;
	_ =	sdelay $0x3  }
0x2a5: {  	[tilespmem:v3+s19+$0x0] =	vst.idx.msk $0xffff, v2  }
0x2a6: {  	v3 =	vor.u32 v62, v0;
	v2 =	vld.idx.msk [tilespmem:v4+s25+$0x0], $0xffff  }
0x2a7: {  	v4 =	vor.u32 v63, v1;
	_ =	sdelay $0x3  }
0x2a8: {  	[tilespmem:v3+s19+$0x0] =	vst.idx.msk $0xffff, v2;
	v3 =	vld [tilespmem:$0x1FF50]  }
0x2a9: {  	v2 =	vld.idx.msk [tilespmem:v4+s25+$0x0], $0xffff  }
0x2aa: {  	v4 =	vld [tilespmem:$0x1FF60];
	_ =	sdelay $0x3  }
0x2ab: {  	v3 =	vor.u32 v3, v0  }
0x2ac: {  	v4 =	vor.u32 v4, v1;
	_ =	sdelay $0x3  }
0x2ad: {  	[tilespmem:v3+s19+$0x0] =	vst.idx.msk $0xffff, v2  }
0x2ae: {  	v3 =	vor.u32 v8, v0;
	v2 =	vld.idx.msk [tilespmem:v4+s25+$0x0], $0xffff  }
0x2af: {  	v4 =	vor.u32 v9, v1;
	_ =	sdelay $0x3  }
0x2b0: {  	[tilespmem:v3+s19+$0x0] =	vst.idx.msk $0xffff, v2  }
0x2b1: {  	v3 =	vor.u32 v10, v0;
	v2 =	vld.idx.msk [tilespmem:v4+s25+$0x0], $0xffff;
	_ =	sdelay $0x3  }
0x2b2: {  	v4 =	vor.u32 v12, v1  }
0x2b3: {  	[tilespmem:v3+s19+$0x0] =	vst.idx.msk $0xffff, v2;
	v3 =	vld [tilespmem:$0x1FFC0];
	_ =	sdelay $0x3  }
0x2b4: {  	v2 =	vld.idx.msk [tilespmem:v4+s25+$0x0], $0xffff  }
0x2b5: {  	v4 =	vld [tilespmem:$0x1FFD0];
	v3 =	vor.u32 v3, v0;
	_ =	sdelay $0x4  }
0x2b6: {  	v4 =	vor.u32 v4, v1;
	[tilespmem:v3+s19+$0x0] =	vst.idx.msk $0xffff, v2;
	v3 =	vld [tilespmem:$0x1FFE0];
	_ =	sdelay $0x4  }
0x2b7: {  	p0 =	sne.s32 s6, $0xF;
	v2 =	vld.idx.msk [tilespmem:v4+s25+$0x0], $0xffff;
	v4 =	vor.u32 v3, v0  }
.Ltmp1:
0x2b8: {  	_ = 	snop;
	(pc) =	sbr.rel @p0 .LBB2_5-.Ltmp1, $2  }
0x2b9: {  	_ =	sdelay $0x2  }
0x2ba: {  	v5 =	vlaneseq.u32;
	v1 =	vor.u32 v11, v1;
	v3 =	vadd.s32 s6, v7;
	s6 =	sadd.s32 $0x1, s6;
	[tilespmem:v4+s19+$0x0] =	vst.idx.msk $0xffff, v2  }
0x2bb: {  	_ =	sdelay $0x2  }
0x2bc: {  	v2 =	vand.u32 $0xF, v3  }
0x2bd: {  	v1 =	vld.idx.msk [tilespmem:v1+s25+$0x0], $0xffff;
	v0 =	vor.u32 v6, v0;
	v4 =	vshll.u32 v2, $0x7  }
0x2be: {  	v5 =	vor.u32 v5, v4;
	_ =	sdelay $0x3  }
0x2bf: {  	[tilespmem:v0+s19+$0x0] =	vst.idx.msk $0xffff, v1  }
0x2c0: {  	v1 =	vor.u32 v13, v2;
	v0 =	vld.idx.msk [tilespmem:v5+s25+$0x0], $0xffff  }
0x2c1: {  	v5 =	vor.u32 v14, v4;
	_ =	sdelay $0x3  }
0x2c2: {  	[tilespmem:v1+s19+$0x0] =	vst.idx.msk $0xffff, v0  }
0x2c3: {  	v1 =	vor.u32 v15, v2;
	v0 =	vld.idx.msk [tilespmem:v5+s25+$0x0], $0xffff;
	_ =	sdelay $0x3  }
0x2c4: {  	v5 =	vor.u32 v16, v4  }
0x2c5: {  	[tilespmem:v1+s19+$0x0] =	vst.idx.msk $0xffff, v0;
	v1 =	vor.u32 v17, v2;
	v17 =	vld [tilespmem:$0x1FC60];
	_ =	sdelay $0x3  }
0x2c6: {  	v0 =	vld.idx.msk [tilespmem:v5+s25+$0x0], $0xffff  }
0x2c7: {  	v5 =	vor.u32 v17, v4;
	_ =	sdelay $0x3  }
0x2c8: {  	[tilespmem:v1+s19+$0x0] =	vst.idx.msk $0xffff, v0  }
0x2c9: {  	v1 =	vor.u32 v18, v2;
	v0 =	vld.idx.msk [tilespmem:v5+s25+$0x0], $0xffff  }
0x2ca: {  	v5 =	vor.u32 v19, v4;
	_ =	sdelay $0x3  }
0x2cb: {  	[tilespmem:v1+s19+$0x0] =	vst.idx.msk $0xffff, v0  }
0x2cc: {  	v1 =	vor.u32 v20, v2;
	v0 =	vld.idx.msk [tilespmem:v5+s25+$0x0], $0xffff  }
0x2cd: {  	v5 =	vor.u32 v21, v4;
	_ =	sdelay $0x3  }
0x2ce: {  	[tilespmem:v1+s19+$0x0] =	vst.idx.msk $0xffff, v0  }
0x2cf: {  	v1 =	vor.u32 v22, v2;
	v0 =	vld.idx.msk [tilespmem:v5+s25+$0x0], $0xffff  }
0x2d0: {  	v5 =	vor.u32 v23, v4;
	_ =	sdelay $0x3  }
0x2d1: {  	[tilespmem:v1+s19+$0x0] =	vst.idx.msk $0xffff, v0  }
0x2d2: {  	v1 =	vor.u32 v24, v2;
	v0 =	vld.idx.msk [tilespmem:v5+s25+$0x0], $0xffff  }
0x2d3: {  	v5 =	vor.u32 v25, v4;
	_ =	sdelay $0x3  }
0x2d4: {  	[tilespmem:v1+s19+$0x0] =	vst.idx.msk $0xffff, v0  }
0x2d5: {  	v1 =	vor.u32 v26, v2;
	v0 =	vld.idx.msk [tilespmem:v5+s25+$0x0], $0xffff  }
0x2d6: {  	v5 =	vor.u32 v27, v4;
	_ =	sdelay $0x3  }
0x2d7: {  	[tilespmem:v1+s19+$0x0] =	vst.idx.msk $0xffff, v0  }
0x2d8: {  	v1 =	vor.u32 v28, v3;
	v0 =	vld.idx.msk [tilespmem:v5+s25+$0x0], $0xffff  }
0x2d9: {  	v5 =	vor.u32 v29, v4;
	_ =	sdelay $0x3  }
0x2da: {  	[tilespmem:v1+s19+$0x0] =	vst.idx.msk $0xffff, v0  }
0x2db: {  	v1 =	vor.u32 v30, v3;
	v0 =	vld.idx.msk [tilespmem:v5+s25+$0x0], $0xffff  }
0x2dc: {  	v5 =	vor.u32 v31, v4;
	_ =	sdelay $0x3  }
0x2dd: {  	[tilespmem:v1+s19+$0x0] =	vst.idx.msk $0xffff, v0  }
0x2de: {  	v1 =	vor.u32 v32, v3;
	v0 =	vld.idx.msk [tilespmem:v5+s25+$0x0], $0xffff  }
0x2df: {  	v5 =	vor.u32 v33, v4;
	_ =	sdelay $0x3  }
0x2e0: {  	[tilespmem:v1+s19+$0x0] =	vst.idx.msk $0xffff, v0  }
0x2e1: {  	v1 =	vor.u32 v34, v3;
	v0 =	vld.idx.msk [tilespmem:v5+s25+$0x0], $0xffff  }
0x2e2: {  	v5 =	vor.u32 v35, v4;
	_ =	sdelay $0x3  }
0x2e3: {  	[tilespmem:v1+s19+$0x0] =	vst.idx.msk $0xffff, v0  }
0x2e4: {  	v1 =	vor.u32 v36, v3;
	v0 =	vld.idx.msk [tilespmem:v5+s25+$0x0], $0xffff  }
0x2e5: {  	v5 =	vor.u32 v37, v4;
	_ =	sdelay $0x3  }
0x2e6: {  	[tilespmem:v1+s19+$0x0] =	vst.idx.msk $0xffff, v0  }
0x2e7: {  	v1 =	vor.u32 v38, v3;
	v0 =	vld.idx.msk [tilespmem:v5+s25+$0x0], $0xffff  }
0x2e8: {  	v5 =	vor.u32 v39, v4;
	_ =	sdelay $0x3  }
0x2e9: {  	[tilespmem:v1+s19+$0x0] =	vst.idx.msk $0xffff, v0  }
0x2ea: {  	v1 =	vor.u32 v40, v3;
	v0 =	vld.idx.msk [tilespmem:v5+s25+$0x0], $0xffff  }
0x2eb: {  	v5 =	vor.u32 v41, v4;
	_ =	sdelay $0x3  }
0x2ec: {  	[tilespmem:v1+s19+$0x0] =	vst.idx.msk $0xffff, v0  }
0x2ed: {  	v1 =	vor.u32 v42, v3;
	v0 =	vld.idx.msk [tilespmem:v5+s25+$0x0], $0xffff  }
0x2ee: {  	v5 =	vor.u32 v43, v4;
	_ =	sdelay $0x3  }
0x2ef: {  	[tilespmem:v1+s19+$0x0] =	vst.idx.msk $0xffff, v0  }
0x2f0: {  	v1 =	vor.u32 v44, v2;
	v0 =	vld.idx.msk [tilespmem:v5+s25+$0x0], $0xffff  }
0x2f1: {  	v5 =	vor.u32 v45, v4;
	_ =	sdelay $0x3  }
0x2f2: {  	[tilespmem:v1+s19+$0x0] =	vst.idx.msk $0xffff, v0  }
0x2f3: {  	v1 =	vor.u32 v46, v2;
	v0 =	vld.idx.msk [tilespmem:v5+s25+$0x0], $0xffff  }
0x2f4: {  	v5 =	vor.u32 v47, v4;
	_ =	sdelay $0x3  }
0x2f5: {  	[tilespmem:v1+s19+$0x0] =	vst.idx.msk $0xffff, v0  }
0x2f6: {  	v1 =	vor.u32 v48, v2;
	v0 =	vld.idx.msk [tilespmem:v5+s25+$0x0], $0xffff  }
0x2f7: {  	v5 =	vor.u32 v49, v4;
	_ =	sdelay $0x3  }
0x2f8: {  	[tilespmem:v1+s19+$0x0] =	vst.idx.msk $0xffff, v0  }
0x2f9: {  	v1 =	vor.u32 v50, v2;
	v0 =	vld.idx.msk [tilespmem:v5+s25+$0x0], $0xffff  }
0x2fa: {  	v5 =	vor.u32 v51, v4;
	_ =	sdelay $0x3  }
0x2fb: {  	[tilespmem:v1+s19+$0x0] =	vst.idx.msk $0xffff, v0  }
0x2fc: {  	v1 =	vor.u32 v52, v2;
	v0 =	vld.idx.msk [tilespmem:v5+s25+$0x0], $0xffff  }
0x2fd: {  	v5 =	vor.u32 v53, v4;
	_ =	sdelay $0x3  }
0x2fe: {  	[tilespmem:v1+s19+$0x0] =	vst.idx.msk $0xffff, v0  }
0x2ff: {  	v1 =	vor.u32 v54, v2;
	v0 =	vld.idx.msk [tilespmem:v5+s25+$0x0], $0xffff  }
0x300: {  	v5 =	vor.u32 v55, v4;
	_ =	sdelay $0x3  }
0x301: {  	[tilespmem:v1+s19+$0x0] =	vst.idx.msk $0xffff, v0  }
0x302: {  	v1 =	vor.u32 v56, v2;
	v0 =	vld.idx.msk [tilespmem:v5+s25+$0x0], $0xffff  }
0x303: {  	v5 =	vor.u32 v57, v4;
	_ =	sdelay $0x3  }
0x304: {  	[tilespmem:v1+s19+$0x0] =	vst.idx.msk $0xffff, v0  }
0x305: {  	v1 =	vor.u32 v58, v2;
	v0 =	vld.idx.msk [tilespmem:v5+s25+$0x0], $0xffff  }
0x306: {  	v2 =	vor.u32 v59, v4;
	_ =	sdelay $0x3  }
0x307: {  	[tilespmem:v1+s19+$0x0] =	vst.idx.msk $0xffff, v0  }
0x308: {  	v1 =	vor.u32 v60, v3;
	v0 =	vld.idx.msk [tilespmem:v2+s25+$0x0], $0xffff  }
0x309: {  	v2 =	vor.u32 v61, v4;
	_ =	sdelay $0x3  }
0x30a: {  	[tilespmem:v1+s19+$0x0] =	vst.idx.msk $0xffff, v0  }
0x30b: {  	v1 =	vor.u32 v62, v3;
	v0 =	vld.idx.msk [tilespmem:v2+s25+$0x0], $0xffff  }
0x30c: {  	v54 =	vmov v59;
	v59 =	vld [tilespmem:$0x1FF50];
	v2 =	vor.u32 v63, v4  }
0x30d: {  	v55 =	vmov v60;
	v60 =	vld [tilespmem:$0x1FF60];
	_ =	sdelay $0x2  }
0x30e: {  	[tilespmem:v1+s19+$0x0] =	vst.idx.msk $0xffff, v0  }
0x30f: {  	v1 =	vor.u32 v59, v3;
	v0 =	vld.idx.msk [tilespmem:v2+s25+$0x0], $0xffff  }
0x310: {  	v2 =	vor.u32 v60, v4;
	_ =	sdelay $0x3  }
0x311: {  	[tilespmem:v1+s19+$0x0] =	vst.idx.msk $0xffff, v0  }
0x312: {  	v1 =	vor.u32 v8, v3;
	v0 =	vld.idx.msk [tilespmem:v2+s25+$0x0], $0xffff  }
0x313: {  	v2 =	vor.u32 v9, v4;
	_ =	sdelay $0x3  }
0x314: {  	[tilespmem:v1+s19+$0x0] =	vst.idx.msk $0xffff, v0  }
0x315: {  	v1 =	vor.u32 v10, v3;
	v0 =	vld.idx.msk [tilespmem:v2+s25+$0x0], $0xffff  }
0x316: {  	v5 =	vld [tilespmem:$0x1FFC0];
	v2 =	vor.u32 v12, v4  }
0x317: {  	v7 =	vld [tilespmem:$0x1FFD0];
	_ =	sdelay $0x2  }
0x318: {  	v13 =	vmov v16;
	v16 =	vmov v21;
	v21 =	vmov v26;
	[tilespmem:v1+s19+$0x0] =	vst.idx.msk $0xffff, v0  }
0x319: {  	v26 =	vmovc v31;
	v31 =	vmovc v36;
	v36 =	vmov v41;
	v41 =	vmov v46;
	v1 =	vor.u32 v5, v3;
	v0 =	vld.idx.msk [tilespmem:v2+s25+$0x0], $0xffff  }
0x31a: {  	v46 =	vmovc v51;
	v51 =	vmovc v56;
	v56 =	vmov v61;
	v61 =	vmov v8;
	v8 =	vld [tilespmem:$0x1FFE0];
	v2 =	vor.u32 v7, v4;
	_ =	sdelay $0x3  }
0x31b: {  	[tilespmem:v1+s19+$0x0] =	vst.idx.msk $0xffff, v0  }
0x31c: {  	v1 =	vor.u32 v8, v3;
	v0 =	vld.idx.msk [tilespmem:v2+s25+$0x0], $0xffff  }
0x31d: {  	v6 =	vmov v10;
	v10 =	vmov v12;
	v12 =	vld [tilespmem:$0x1FFA0];
	v2 =	vor.u32 v11, v4;
	_ =	sdelay $0x3  }
0x31e: {  	[tilespmem:v1+s19+$0x0] =	vst.idx.msk $0xffff, v0  }
0x31f: {  	v1 =	vor.u32 v12, v3;
	v0 =	vld.idx.msk [tilespmem:v2+s25+$0x0], $0xffff  }
0x320: {  	p0 =	sne.s32 s23, $0x7B  }
.Ltmp2:
0x321: {  	_ = 	snop;
	(pc) =	sbr.rel @p0 .LBB2_2-.Ltmp2, $4  }
0x322: {  	v14 =	vmov v19  }
0x323: {  	v15 =	vmovc v20;
	v19 =	vmovc v24;
	v20 =	vmov v25;
	v24 =	vmov v29;
	v25 =	vmov v30;
	v2 =	vld [tilespmem:$0x1FC30]  }
0x324: {  	s5 =	sadd.s32 s3, s5;
	v29 =	vmovc v34;
	v30 =	vmovc v35;
	v34 =	vmov v39;
	v35 =	vmov v40;
	v39 =	vmov v44;
	[tilespmem:v1+s19+$0x0] =	vst.idx.msk $0xffff, v0;
	v1 =	vld [tilespmem:$0x1FC20]  }
0x325: {  	v40 =	vmovc v45;
	v44 =	vmovc v49;
	v45 =	vmov v50;
	v4 =	vmov v9;
	v9 =	vmov v11;
	v0 =	vld [tilespmem:$0x1FC50];
	[hbm4b:s5+s4] =	stream.linear.scatter [tilespmem:s19], [sflag:$0x4], $0x2000, $0x38  }
0x326: {  	s22 =	sadd.s32 $0x1, s22  }
0x327: {  	_ =	swait.ge [sflag:s20], $0x2000;
	p0 =	sne.s32 s22, s16  }
.Ltmp3:
0x328: {  	[sflag:s20] =	ssyncset.done $0x0;
	(pc) =	sbr.rel @p0 .LBB2_1-.Ltmp3, $4  }
0x329: {  	[sflag:s20] =	ssyncadd.s32 $0xFFFFE000  }
0x32a: {  	_ =	swait.ge [sflag:s21], $0x2000  }
0x32b: {  	[sflag:s21] =	ssyncset.done $0x0  }
0x32c: {  	v11 =	vmovc v4;
	v4 =	vmov v6;
	v6 =	vmov v17;
	v17 =	vmov v0;
	[sflag:s21] =	ssyncadd.s32 $0xFFFFE000  }
0x32d: {  	_ =	sfence.sel $0x180000  }
0x32e: {  	[bflag:$0x0] =	sbarrier.arrive $0xFFFF  }
0x32f: {  	_ =	strace $0x90000047  }
0x330: {  	s0 =	stileid.u32;
	[bflag:$0x2] =	sbarrier.arrive $0xFFFF  }
0x331: {  	p0 =	sne.s32 s0, $0x0;
	s0 =	rddreg [dreg:$0x2]  }
0x332: {  	s0 =	sadd.s32 @!p0 $0x100000, s0  }
0x333: {  	[sflag:s0] =	ssyncadd.tile.s32 @!p0 $0x1;
	_ =	shalt  }
.Lfunc_end2:
_tile_overlayer_lowered:
.L_overlay_start_2:
0x334: {  	(tag) =	ssettag $0x2  }
0x335: {  	s0 =	rddreg [dreg:$0x0];
	s2 =	stileid.u32  }
0x336: {  	s1 =	rddreg [dreg:$0x1];
	p0 =	sne.s32 s2, $0x0  }
0x337: {  	s3 =	rddreg [dreg:$0x2];
	[bflag:$0x3] =	sbarrier.arrive $0xFFFF;
	s2 =	simm.s32 @!p0 $0x1C05  }
0x338: {  	[timem:s3], [sflag:s2] =	dma.local @!p0 [hbm:s0], s1  }
0x339: {  	s0 =	simm.s32 @!p0 $0x5  }
0x33a: {  	_ =	swait.ge @!p0 [sflag:s0], s1  }
0x33b: {  	s1 =	ssub.s32 @!p0 $0x0, s1;
	[sflag:s0] =	ssyncset.done @!p0 $0x0  }
0x33c: {  	[sflag:s0] =	ssyncadd.s32 @!p0 s1  }
0x33d: {  	[bflag:$0x3] =	sbarrier.arrive $0xFFFF  }
0x33e: {  	_ =	shalt  }

</sc_bundles>
